<compile_context>
chip_gen: v7x
topology: tpu7x:2x2x1
jax: 0.10.2.dev20260603
libtpu: 0.0.44.dev20260713+nightly
codegen_flags: <defaults>
</compile_context>

<pallas_src>
import functools

import jax
import jax.numpy as jnp
from jax import lax
from jax.experimental import pallas as pl
from jax.experimental.pallas import tpu as pltpu
from jax.experimental.pallas import tpu_sc as plsc

_N = 100000
_E = 6400000
_IN = 4
_HID = 64
_OUT = 128
_G = 512

_NC = 2
_NS = 16
_NW = _NC * _NS
_CHUNK = 128
_GRP = 8
_RPT = 6256
_NPAD = _RPT * _NS
_KCH = _E // _CHUNK
_NFULL = 195
_TBASE = _NFULL * _GRP
_DP = 8


def _sc_agg_body(x_hbm, edges_hbm, zrows_hbm, out_hbm,
                 isrc0, idst0, rows0, isrc1, idst1, rows1, acc,
                 sem0, sem1):
    c = lax.axis_index("c")
    s = lax.axis_index("s")
    w = c * _NS + s
    base = w * 1562 + jnp.minimum(w, 16)
    cnt = jnp.where(w < 16, 1563, 1562)
    bufs = ((isrc0, idst0, rows0, sem0), (isrc1, idst1, rows1, sem1))

    def stage_and_fire(g, buf):
        bsrc, bdst, brows, bsem = buf
        row = base + g * _GRP
        pltpu.sync_copy(edges_hbm.at[0, pl.ds(row, _GRP)], bsrc)
        pltpu.sync_copy(edges_hbm.at[1, pl.ds(row, _GRP)], bdst)
        for j in range(_GRP):
            pltpu.async_copy(x_hbm.at[bsrc.at[j]],
                             brows.at[pl.ds(j * _CHUNK, _CHUNK)], bsem)

    def drain(buf):
        _, _, brows, bsem = buf
        pltpu.make_async_copy(x_hbm.at[pl.ds(0, _GRP * _CHUNK)],
                              brows, bsem).wait()

    def scatter(buf):
        _, bdst, brows, _ = buf
        for j in range(_GRP):
            pltpu.sync_copy(brows.at[pl.ds(j * _CHUNK, _CHUNK)],
                            acc.at[bdst.at[j]], add=True)

    pltpu.sync_copy(zrows_hbm, acc.at[pl.ds(s * _RPT, _RPT)])
    plsc.subcore_barrier()

    stage_and_fire(0, bufs[0])

    def pair(ii, carry):
        for pp in range(2):
            g = 2 * ii + pp
            stage_and_fire(g + 1, bufs[1 - pp])
            drain(bufs[pp])
            scatter(bufs[pp])
        return carry

    lax.fori_loop(0, _NFULL // 2, pair, 0)
    drain(bufs[0])
    scatter(bufs[0])

    for j in range(3):
        @pl.when(j < cnt - _TBASE)
        def _():
            row = base + _TBASE + j
            pltpu.sync_copy(edges_hbm.at[0, row], isrc1.at[0])
            pltpu.sync_copy(edges_hbm.at[1, row], idst1.at[0])
            pltpu.async_copy(x_hbm.at[isrc1.at[0]],
                             rows1.at[pl.ds(0, _CHUNK)], sem1).wait()
            pltpu.sync_copy(rows1.at[pl.ds(0, _CHUNK)],
                            acc.at[idst1.at[0]], add=True)

    plsc.subcore_barrier()
    pltpu.sync_copy(acc.at[pl.ds(s * _RPT, _RPT)],
                    out_hbm.at[c, pl.ds(s * _RPT, _RPT)])


@functools.cache
def _sc_agg():
    return pl.kernel(
        _sc_agg_body,
        out_type=jax.ShapeDtypeStruct((_NC, _NPAD, _DP), jnp.float32),
        mesh=plsc.VectorSubcoreMesh(core_axis_name="c", subcore_axis_name="s",
                                    num_cores=_NC, num_subcores=_NS),
        scratch_types=[
            pltpu.VMEM((_GRP, _CHUNK), jnp.int32),
            pltpu.VMEM((_GRP, _CHUNK), jnp.int32),
            pltpu.VMEM((_GRP * _CHUNK, _DP), jnp.float32),
            pltpu.VMEM((_GRP, _CHUNK), jnp.int32),
            pltpu.VMEM((_GRP, _CHUNK), jnp.int32),
            pltpu.VMEM((_GRP * _CHUNK, _DP), jnp.float32),
            pltpu.VMEM_SHARED((_NPAD, _DP), jnp.float32),
            pltpu.SemaphoreType.DMA,
            pltpu.SemaphoreType.DMA,
        ],
        compiler_params=pltpu.CompilerParams(use_tc_tiling_on_sc=False),
    )


_BN = 2000
_NBLK = _N // _BN


def _tc_body(x_ref, a0_ref, a1_ref, b_ref, w1_ref, b1_ref,
             w2_ref, b2_ref, w3_ref, b3_ref, out_ref, acc_ref):
    i = pl.program_id(0)
    s = x_ref[...] + a0_ref[0, :, :_IN] + a1_ref[0, :, :_IN]
    h = b1_ref[...] + s[:, 0:1] * w1_ref[0:1, :]
    for k in range(1, _IN):
        h = h + s[:, k : k + 1] * w1_ref[k : k + 1, :]
    h = jnp.maximum(h, 0.0)
    hh = jnp.concatenate(
        [h, jnp.ones((_BN, 1), jnp.float32),
         jnp.zeros((_BN, _OUT - _HID - 1), jnp.float32)], axis=1)
    bt = b_ref[0]
    gid = lax.broadcasted_iota(jnp.int32, (_G, _BN), 0)
    onehot_t = (gid == bt).astype(jnp.float32)
    contrib = jnp.dot(onehot_t, hh, preferred_element_type=jnp.float32)

    @pl.when(i == 0)
    def _():
        acc_ref[...] = jnp.zeros_like(acc_ref)

    acc_ref[...] += contrib

    @pl.when(i == _NBLK - 1)
    def _():
        accv = acc_ref[...]
        counts = jnp.maximum(accv[:, _HID : _HID + 1], 1.0)
        pooled = accv[:, :_HID] / counts
        w23 = jnp.dot(w2_ref[...], w3_ref[...],
                      preferred_element_type=jnp.float32)
        b23 = jnp.dot(b2_ref[...], w3_ref[...],
                      preferred_element_type=jnp.float32) + b3_ref[...]
        out_ref[...] = jnp.dot(pooled, w23,
                               preferred_element_type=jnp.float32) + b23


def _tc_pool(x, agg2, batch3, W1, b1, W2, b2, W3, b3):
    row_spec = pl.BlockSpec((_BN, _IN), lambda i: (i, 0))
    agg0_spec = pl.BlockSpec((1, _BN, _DP), lambda i: (0, i, 0))
    agg1_spec = pl.BlockSpec((1, _BN, _DP), lambda i: (1, i, 0))
    full = lambda shape: pl.BlockSpec(shape, lambda i: (0,) * len(shape))
    return pl.pallas_call(
        _tc_body,
        grid=(_NBLK,),
        in_specs=[
            row_spec, agg0_spec, agg1_spec,
            pl.BlockSpec((1, 1, _BN), lambda i: (i, 0, 0)),
            full((_IN, _HID)), full((1, _HID)),
            full((_HID, _HID)), full((1, _HID)),
            full((_HID, _OUT)), full((1, _OUT)),
        ],
        out_specs=pl.BlockSpec((_G, _OUT), lambda i: (0, 0)),
        out_shape=jax.ShapeDtypeStruct((_G, _OUT), jnp.float32),
        scratch_shapes=[pltpu.VMEM((_G, _OUT), jnp.float32)],
    )(x, agg2, agg2, batch3, W1, b1, W2, b2, W3, b3)


def kernel(x, edge_index, batch, W1, b1, W2, b2, W3, b3):
    edge3 = edge_index.reshape(2, _KCH, _CHUNK)
    x_pad = jnp.zeros((_NPAD, _DP), jnp.float32).at[:_N, :_IN].set(x)
    zrows = jnp.zeros((_RPT, _DP), jnp.float32)
    agg2 = _sc_agg()(x_pad, edge3, zrows)
    batch3 = batch.reshape(_NBLK, 1, _BN)
    return _tc_pool(x, agg2, batch3,
                    W1, b1[None], W2, b2[None], W3, b3[None])

# --- scband reference (transcript-rebuilt; emitter-appended) ---
"""Pipeline reference for scband-graph-encoder-8297876816594 (READ-ONLY COPY).

The authoritative reference and input builder live on the scoring server;
editing this copy changes nothing except your own understanding.
"""

import jax, jax.numpy as jnp
import numpy as np

N = 100000
E = 6400000
IN_DIM = 4
HID = 64
OUT = 128
G = 512

def setup_inputs(seed: int = 0) -> dict:
    key = jax.random.key(seed)
    ks = jax.random.split(key, 10)
    x = jax.random.normal(ks[0], (N, IN_DIM), dtype=jnp.float32)
    edge_index = jax.random.randint(ks[1], (2, E), 0, N, dtype=jnp.int32)
    batch = jnp.sort(jax.random.randint(ks[2], (N,), 0, G, dtype=jnp.int32))
    s1 = 1.0 / np.sqrt(IN_DIM)
    s2 = 1.0 / np.sqrt(HID)
    W1 = jax.random.uniform(ks[3], (IN_DIM, HID), jnp.float32, -s1, s1)
    b1 = jax.random.uniform(ks[4], (HID,), jnp.float32, -s1, s1)
    W2 = jax.random.uniform(ks[5], (HID, HID), jnp.float32, -s2, s2)
    b2 = jax.random.uniform(ks[6], (HID,), jnp.float32, -s2, s2)
    W3 = jax.random.uniform(ks[7], (HID, OUT), jnp.float32, -s2, s2)
    b3 = jax.random.uniform(ks[8], (OUT,), jnp.float32, -s2, s2)
    return {"x": x, "edge_index": edge_index, "batch": batch,
            "W1": W1, "b1": b1, "W2": W2, "b2": b2, "W3": W3, "b3": b3}

def reference(x, edge_index, batch, W1, b1, W2, b2, W3, b3):
    # GINConv with eps=0: h = MLP((1+eps)*x + sum_{j in N(i)} x_j)
    src = edge_index[0]
    dst = edge_index[1]
    msgs = jnp.take(x, src, axis=0)
    agg = jax.ops.segment_sum(msgs, dst, num_segments=x.shape[0])
    h = x + agg
    h = jnp.dot(h, W1) + b1
    h = jax.nn.relu(h)
    h = jnp.dot(h, W2) + b2
    # global_mean_pool over graph ids
    sums = jax.ops.segment_sum(h, batch, num_segments=G)
    counts = jax.ops.segment_sum(jnp.ones((x.shape[0],), dtype=h.dtype), batch, num_segments=G)
    pooled = sums / jnp.maximum(counts, 1.0)[:, None]
    return jnp.dot(pooled, W3) + b3

if __name__ == "__main__":
    import jax
    _d = setup_inputs()
    print(jax.jit(kernel)(*tuple(_d.values())))

</pallas_src>

<mosaic_0001>
#map = affine_map<(d0, d1) -> (0, 0)>
#map1 = affine_map<(d0, d1) -> (0, 0, 0)>
module attributes {stable_mosaic.version = 14 : i64} {
  func.func @_sc_agg_body(%arg0: i32, %arg1: i32, %arg2: memref<100096x8xf32, #tpu.memory_space<hbm>>, %arg3: memref<2x50000x128xi32, #tpu.memory_space<hbm>>, %arg4: memref<6256x8xf32, #tpu.memory_space<hbm>>, %arg5: memref<2x100096x8xf32, #tpu.memory_space<hbm>>, %arg6: memref<8x128xi32, #tpu.memory_space<vmem>>, %arg7: memref<8x128xi32, #tpu.memory_space<vmem>>, %arg8: memref<1024x8xf32, #tpu.memory_space<vmem>>, %arg9: memref<8x128xi32, #tpu.memory_space<vmem>>, %arg10: memref<8x128xi32, #tpu.memory_space<vmem>>, %arg11: memref<1024x8xf32, #tpu.memory_space<vmem>>, %arg12: memref<100096x8xf32, #tpu.memory_space<vmem_shared>>, %arg13: memref<!tpu.dma_semaphore, #tpu.memory_space<semaphore_mem>>, %arg14: memref<!tpu.dma_semaphore, #tpu.memory_space<semaphore_mem>>) attributes {dimension_semantics = [#tpu.dimension_semantics<core_parallel>, #tpu.dimension_semantics<subcore_parallel>], iteration_bounds = array<i64: 2, 16>, scalar_prefetch = 0 : i64, scratch_operands = 9 : i64, tpu.core_type = #tpu.core_type<sc_vector_subcore>, window_params = [{transform_indices = #map}, {transform_indices = #map1}, {transform_indices = #map}, {transform_indices = #map1}]} {
    %mul3A = arith.constant 16 : i32
    %mul3A_0 = arith.muli %arg0, %mul3A : i32
    %add3A = arith.addi %mul3A_0, %arg1 : i32
    %mul3A_1 = arith.constant 1562 : i32
    %mul3A_2 = arith.muli %add3A, %mul3A_1 : i32
    %min3A = arith.constant 16 : i32
    %min3A_3 = arith.minsi %add3A, %min3A : i32
    %add3A_4 = arith.addi %mul3A_2, %min3A_3 : i32
    %lt3A = arith.constant 16 : i32
    %lt3A_5 = arith.cmpi slt, %add3A, %lt3A : i32
    %jit3A = arith.constant 1563 : i32
    %jit3A_6 = arith.constant 1562 : i32
    %select_n3A = arith.select %lt3A_5, %jit3A, %jit3A_6 : i32
    %mul3A_7 = arith.constant 6256 : i32
    %mul3A_8 = arith.muli %arg1, %mul3A_7 : i32
    "tpu.region"() ({
      %run_scoped3A_131 = tpu.sem_alloc : memref<!tpu.dma_semaphore, #tpu.memory_space<semaphore_mem>>
      %dma_start3A_132 = arith.constant 0 : i32
      %dma_start3A_133 = tpu.memref_slice %arg12[%mul3A_8, %dma_start3A_132] : memref<100096x8xf32, #tpu.memory_space<vmem_shared>> -> memref<6256x8xf32, #tpu.memory_space<vmem_shared>>
      tpu.enqueue_dma source(%arg4 : memref<6256x8xf32, #tpu.memory_space<hbm>>) target(%dma_start3A_133 : memref<6256x8xf32, #tpu.memory_space<vmem_shared>>) target_semaphore(%run_scoped3A_131 : memref<!tpu.dma_semaphore, #tpu.memory_space<semaphore_mem>>)
      %dma_wait3A_134 = arith.constant 0 : i32
      %dma_wait3A_135 = tpu.memref_slice %arg12[%mul3A_8, %dma_wait3A_134] : memref<100096x8xf32, #tpu.memory_space<vmem_shared>> -> memref<6256x8xf32, #tpu.memory_space<vmem_shared>>
      tpu.wait_dma2 semaphore(%run_scoped3A_131 : memref<!tpu.dma_semaphore, #tpu.memory_space<semaphore_mem>>) src(%arg4 : memref<6256x8xf32, #tpu.memory_space<hbm>>) dst(%dma_wait3A_135 : memref<6256x8xf32, #tpu.memory_space<vmem_shared>>)
      tpu.yield
    }) : () -> ()
    %barrier3A = arith.constant 0 : index
    tpu.barrier barrier_id(%barrier3A)
    %add3A_9 = arith.constant 0 : i32
    %add3A_10 = arith.addi %add3A_4, %add3A_9 : i32
    %run_scoped3A = arith.constant 0 : i32
    "tpu.region"() ({
      %run_scoped3A_131 = tpu.sem_alloc : memref<!tpu.dma_semaphore, #tpu.memory_space<semaphore_mem>>
      %dma_start3A_132 = arith.constant 0 : i32
      %dma_start3A_133 = tpu.memref_slice %arg3[%run_scoped3A, %add3A_10, %dma_start3A_132] : memref<2x50000x128xi32, #tpu.memory_space<hbm>> -> memref<1x8x128xi32, #tpu.memory_space<hbm>>
      %dma_start3A_134 = tpu.memref_squeeze %dma_start3A_133 : memref<1x8x128xi32, #tpu.memory_space<hbm>> -> memref<8x128xi32, #tpu.memory_space<hbm>>
      %dma_start3A_135 = arith.constant 0 : i32
      %dma_start3A_136 = tpu.memref_slice %arg3[%run_scoped3A, %add3A_10, %dma_start3A_135] : memref<2x50000x128xi32, #tpu.memory_space<hbm>> -> memref<1x8x128xi32, #tpu.memory_space<hbm>>
      %dma_start3A_137 = tpu.memref_squeeze %dma_start3A_136 : memref<1x8x128xi32, #tpu.memory_space<hbm>> -> memref<8x128xi32, #tpu.memory_space<hbm>>
      tpu.enqueue_dma source(%dma_start3A_137 : memref<8x128xi32, #tpu.memory_space<hbm>>) target(%arg6 : memref<8x128xi32, #tpu.memory_space<vmem>>) target_semaphore(%run_scoped3A_131 : memref<!tpu.dma_semaphore, #tpu.memory_space<semaphore_mem>>)
      %dma_wait3A_138 = arith.constant 0 : i32
      %dma_wait3A_139 = tpu.memref_slice %arg3[%run_scoped3A, %add3A_10, %dma_wait3A_138] : memref<2x50000x128xi32, #tpu.memory_space<hbm>> -> memref<1x8x128xi32, #tpu.memory_space<hbm>>
      %dma_wait3A_140 = tpu.memref_squeeze %dma_wait3A_139 : memref<1x8x128xi32, #tpu.memory_space<hbm>> -> memref<8x128xi32, #tpu.memory_space<hbm>>
      %dma_wait3A_141 = arith.constant 0 : i32
      %dma_wait3A_142 = tpu.memref_slice %arg3[%run_scoped3A, %add3A_10, %dma_wait3A_141] : memref<2x50000x128xi32, #tpu.memory_space<hbm>> -> memref<1x8x128xi32, #tpu.memory_space<hbm>>
      %dma_wait3A_143 = tpu.memref_squeeze %dma_wait3A_142 : memref<1x8x128xi32, #tpu.memory_space<hbm>> -> memref<8x128xi32, #tpu.memory_space<hbm>>
      tpu.wait_dma2 semaphore(%run_scoped3A_131 : memref<!tpu.dma_semaphore, #tpu.memory_space<semaphore_mem>>) src(%dma_wait3A_143 : memref<8x128xi32, #tpu.memory_space<hbm>>) dst(%arg6 : memref<8x128xi32, #tpu.memory_space<vmem>>)
      tpu.yield
    }) : () -> ()
    %run_scoped3A_11 = arith.constant 1 : i32
    "tpu.region"() ({
      %run_scoped3A_131 = tpu.sem_alloc : memref<!tpu.dma_semaphore, #tpu.memory_space<semaphore_mem>>
      %dma_start3A_132 = arith.constant 0 : i32
      %dma_start3A_133 = tpu.memref_slice %arg3[%run_scoped3A_11, %add3A_10, %dma_start3A_132] : memref<2x50000x128xi32, #tpu.memory_space<hbm>> -> memref<1x8x128xi32, #tpu.memory_space<hbm>>
      %dma_start3A_134 = tpu.memref_squeeze %dma_start3A_133 : memref<1x8x128xi32, #tpu.memory_space<hbm>> -> memref<8x128xi32, #tpu.memory_space<hbm>>
      %dma_start3A_135 = arith.constant 0 : i32
      %dma_start3A_136 = tpu.memref_slice %arg3[%run_scoped3A_11, %add3A_10, %dma_start3A_135] : memref<2x50000x128xi32, #tpu.memory_space<hbm>> -> memref<1x8x128xi32, #tpu.memory_space<hbm>>
      %dma_start3A_137 = tpu.memref_squeeze %dma_start3A_136 : memref<1x8x128xi32, #tpu.memory_space<hbm>> -> memref<8x128xi32, #tpu.memory_space<hbm>>
      tpu.enqueue_dma source(%dma_start3A_137 : memref<8x128xi32, #tpu.memory_space<hbm>>) target(%arg7 : memref<8x128xi32, #tpu.memory_space<vmem>>) target_semaphore(%run_scoped3A_131 : memref<!tpu.dma_semaphore, #tpu.memory_space<semaphore_mem>>)
      %dma_wait3A_138 = arith.constant 0 : i32
      %dma_wait3A_139 = tpu.memref_slice %arg3[%run_scoped3A_11, %add3A_10, %dma_wait3A_138] : memref<2x50000x128xi32, #tpu.memory_space<hbm>> -> memref<1x8x128xi32, #tpu.memory_space<hbm>>
      %dma_wait3A_140 = tpu.memref_squeeze %dma_wait3A_139 : memref<1x8x128xi32, #tpu.memory_space<hbm>> -> memref<8x128xi32, #tpu.memory_space<hbm>>
      %dma_wait3A_141 = arith.constant 0 : i32
      %dma_wait3A_142 = tpu.memref_slice %arg3[%run_scoped3A_11, %add3A_10, %dma_wait3A_141] : memref<2x50000x128xi32, #tpu.memory_space<hbm>> -> memref<1x8x128xi32, #tpu.memory_space<hbm>>
      %dma_wait3A_143 = tpu.memref_squeeze %dma_wait3A_142 : memref<1x8x128xi32, #tpu.memory_space<hbm>> -> memref<8x128xi32, #tpu.memory_space<hbm>>
      tpu.wait_dma2 semaphore(%run_scoped3A_131 : memref<!tpu.dma_semaphore, #tpu.memory_space<semaphore_mem>>) src(%dma_wait3A_143 : memref<8x128xi32, #tpu.memory_space<hbm>>) dst(%arg7 : memref<8x128xi32, #tpu.memory_space<vmem>>)
      tpu.yield
    }) : () -> ()
    %dma_start3A = arith.constant 0 : i32
    %dma_start3A_12 = arith.constant 0 : i32
    %dma_start3A_13 = arith.constant 0 : i32
    %dma_start3A_14 = tpu.memref_slice %arg8[%dma_start3A_12, %dma_start3A_13] : memref<1024x8xf32, #tpu.memory_space<vmem>> -> memref<128x8xf32, #tpu.memory_space<vmem>>
    %dma_start3A_15 = arith.constant 0 : i32
    %dma_start3A_16 = tpu.memref_slice %arg6[%dma_start3A, %dma_start3A_15] : memref<8x128xi32, #tpu.memory_space<vmem>> -> memref<1x128xi32, #tpu.memory_space<vmem>>
    %dma_start3A_17 = tpu.memref_squeeze %dma_start3A_16 : memref<1x128xi32, #tpu.memory_space<vmem>> -> memref<128xi32, #tpu.memory_space<vmem>>
    %dma_start3A_18 = arith.constant 0 : i32
    %dma_start3A_19 = arith.constant 0 : i32
    %dma_start3A_20 = tpu.memref_slice %arg2[%dma_start3A_18, %dma_start3A_19] : memref<100096x8xf32, #tpu.memory_space<hbm>> -> memref<100096x8xf32, #tpu.memory_space<hbm>>
    tpu.enqueue_indirect_dma source(%dma_start3A_20 : memref<100096x8xf32, #tpu.memory_space<hbm>>) target(%dma_start3A_14 : memref<128x8xf32, #tpu.memory_space<vmem>>) offsets(%dma_start3A_17 : memref<128xi32, #tpu.memory_space<vmem>>) semaphore(%arg13 : memref<!tpu.dma_semaphore, #tpu.memory_space<semaphore_mem>>)
    %dma_start3A_21 = arith.constant 1 : i32
    %dma_start3A_22 = arith.constant 128 : i32
    %dma_start3A_23 = arith.constant 0 : i32
    %dma_start3A_24 = tpu.memref_slice %arg8[%dma_start3A_22, %dma_start3A_23] : memref<1024x8xf32, #tpu.memory_space<vmem>> -> memref<128x8xf32, #tpu.memory_space<vmem>>
    %dma_start3A_25 = arith.constant 0 : i32
    %dma_start3A_26 = tpu.memref_slice %arg6[%dma_start3A_21, %dma_start3A_25] : memref<8x128xi32, #tpu.memory_space<vmem>> -> memref<1x128xi32, #tpu.memory_space<vmem>>
    %dma_start3A_27 = tpu.memref_squeeze %dma_start3A_26 : memref<1x128xi32, #tpu.memory_space<vmem>> -> memref<128xi32, #tpu.memory_space<vmem>>
    %dma_start3A_28 = arith.constant 0 : i32
    %dma_start3A_29 = arith.constant 0 : i32
    %dma_start3A_30 = tpu.memref_slice %arg2[%dma_start3A_28, %dma_start3A_29] : memref<100096x8xf32, #tpu.memory_space<hbm>> -> memref<100096x8xf32, #tpu.memory_space<hbm>>
    tpu.enqueue_indirect_dma source(%dma_start3A_30 : memref<100096x8xf32, #tpu.memory_space<hbm>>) target(%dma_start3A_24 : memref<128x8xf32, #tpu.memory_space<vmem>>) offsets(%dma_start3A_27 : memref<128xi32, #tpu.memory_space<vmem>>) semaphore(%arg13 : memref<!tpu.dma_semaphore, #tpu.memory_space<semaphore_mem>>)
    %dma_start3A_31 = arith.constant 2 : i32
    %dma_start3A_32 = arith.constant 256 : i32
    %dma_start3A_33 = arith.constant 0 : i32
    %dma_start3A_34 = tpu.memref_slice %arg8[%dma_start3A_32, %dma_start3A_33] : memref<1024x8xf32, #tpu.memory_space<vmem>> -> memref<128x8xf32, #tpu.memory_space<vmem>>
    %dma_start3A_35 = arith.constant 0 : i32
    %dma_start3A_36 = tpu.memref_slice %arg6[%dma_start3A_31, %dma_start3A_35] : memref<8x128xi32, #tpu.memory_space<vmem>> -> memref<1x128xi32, #tpu.memory_space<vmem>>
    %dma_start3A_37 = tpu.memref_squeeze %dma_start3A_36 : memref<1x128xi32, #tpu.memory_space<vmem>> -> memref<128xi32, #tpu.memory_space<vmem>>
    %dma_start3A_38 = arith.constant 0 : i32
    %dma_start3A_39 = arith.constant 0 : i32
    %dma_start3A_40 = tpu.memref_slice %arg2[%dma_start3A_38, %dma_start3A_39] : memref<100096x8xf32, #tpu.memory_space<hbm>> -> memref<100096x8xf32, #tpu.memory_space<hbm>>
    tpu.enqueue_indirect_dma source(%dma_start3A_40 : memref<100096x8xf32, #tpu.memory_space<hbm>>) target(%dma_start3A_34 : memref<128x8xf32, #tpu.memory_space<vmem>>) offsets(%dma_start3A_37 : memref<128xi32, #tpu.memory_space<vmem>>) semaphore(%arg13 : memref<!tpu.dma_semaphore, #tpu.memory_space<semaphore_mem>>)
    %dma_start3A_41 = arith.constant 3 : i32
    %dma_start3A_42 = arith.constant 384 : i32
    %dma_start3A_43 = arith.constant 0 : i32
    %dma_start3A_44 = tpu.memref_slice %arg8[%dma_start3A_42, %dma_start3A_43] : memref<1024x8xf32, #tpu.memory_space<vmem>> -> memref<128x8xf32, #tpu.memory_space<vmem>>
    %dma_start3A_45 = arith.constant 0 : i32
    %dma_start3A_46 = tpu.memref_slice %arg6[%dma_start3A_41, %dma_start3A_45] : memref<8x128xi32, #tpu.memory_space<vmem>> -> memref<1x128xi32, #tpu.memory_space<vmem>>
    %dma_start3A_47 = tpu.memref_squeeze %dma_start3A_46 : memref<1x128xi32, #tpu.memory_space<vmem>> -> memref<128xi32, #tpu.memory_space<vmem>>
    %dma_start3A_48 = arith.constant 0 : i32
    %dma_start3A_49 = arith.constant 0 : i32
    %dma_start3A_50 = tpu.memref_slice %arg2[%dma_start3A_48, %dma_start3A_49] : memref<100096x8xf32, #tpu.memory_space<hbm>> -> memref<100096x8xf32, #tpu.memory_space<hbm>>
    tpu.enqueue_indirect_dma source(%dma_start3A_50 : memref<100096x8xf32, #tpu.memory_space<hbm>>) target(%dma_start3A_44 : memref<128x8xf32, #tpu.memory_space<vmem>>) offsets(%dma_start3A_47 : memref<128xi32, #tpu.memory_space<vmem>>) semaphore(%arg13 : memref<!tpu.dma_semaphore, #tpu.memory_space<semaphore_mem>>)
    %dma_start3A_51 = arith.constant 4 : i32
    %dma_start3A_52 = arith.constant 512 : i32
    %dma_start3A_53 = arith.constant 0 : i32
    %dma_start3A_54 = tpu.memref_slice %arg8[%dma_start3A_52, %dma_start3A_53] : memref<1024x8xf32, #tpu.memory_space<vmem>> -> memref<128x8xf32, #tpu.memory_space<vmem>>
    %dma_start3A_55 = arith.constant 0 : i32
    %dma_start3A_56 = tpu.memref_slice %arg6[%dma_start3A_51, %dma_start3A_55] : memref<8x128xi32, #tpu.memory_space<vmem>> -> memref<1x128xi32, #tpu.memory_space<vmem>>
    %dma_start3A_57 = tpu.memref_squeeze %dma_start3A_56 : memref<1x128xi32, #tpu.memory_space<vmem>> -> memref<128xi32, #tpu.memory_space<vmem>>
    %dma_start3A_58 = arith.constant 0 : i32
    %dma_start3A_59 = arith.constant 0 : i32
    %dma_start3A_60 = tpu.memref_slice %arg2[%dma_start3A_58, %dma_start3A_59] : memref<100096x8xf32, #tpu.memory_space<hbm>> -> memref<100096x8xf32, #tpu.memory_space<hbm>>
    tpu.enqueue_indirect_dma source(%dma_start3A_60 : memref<100096x8xf32, #tpu.memory_space<hbm>>) target(%dma_start3A_54 : memref<128x8xf32, #tpu.memory_space<vmem>>) offsets(%dma_start3A_57 : memref<128xi32, #tpu.memory_space<vmem>>) semaphore(%arg13 : memref<!tpu.dma_semaphore, #tpu.memory_space<semaphore_mem>>)
    %dma_start3A_61 = arith.constant 5 : i32
    %dma_start3A_62 = arith.constant 640 : i32
    %dma_start3A_63 = arith.constant 0 : i32
    %dma_start3A_64 = tpu.memref_slice %arg8[%dma_start3A_62, %dma_start3A_63] : memref<1024x8xf32, #tpu.memory_space<vmem>> -> memref<128x8xf32, #tpu.memory_space<vmem>>
    %dma_start3A_65 = arith.constant 0 : i32
    %dma_start3A_66 = tpu.memref_slice %arg6[%dma_start3A_61, %dma_start3A_65] : memref<8x128xi32, #tpu.memory_space<vmem>> -> memref<1x128xi32, #tpu.memory_space<vmem>>
    %dma_start3A_67 = tpu.memref_squeeze %dma_start3A_66 : memref<1x128xi32, #tpu.memory_space<vmem>> -> memref<128xi32, #tpu.memory_space<vmem>>
    %dma_start3A_68 = arith.constant 0 : i32
    %dma_start3A_69 = arith.constant 0 : i32
    %dma_start3A_70 = tpu.memref_slice %arg2[%dma_start3A_68, %dma_start3A_69] : memref<100096x8xf32, #tpu.memory_space<hbm>> -> memref<100096x8xf32, #tpu.memory_space<hbm>>
    tpu.enqueue_indirect_dma source(%dma_start3A_70 : memref<100096x8xf32, #tpu.memory_space<hbm>>) target(%dma_start3A_64 : memref<128x8xf32, #tpu.memory_space<vmem>>) offsets(%dma_start3A_67 : memref<128xi32, #tpu.memory_space<vmem>>) semaphore(%arg13 : memref<!tpu.dma_semaphore, #tpu.memory_space<semaphore_mem>>)
    %dma_start3A_71 = arith.constant 6 : i32
    %dma_start3A_72 = arith.constant 768 : i32
    %dma_start3A_73 = arith.constant 0 : i32
    %dma_start3A_74 = tpu.memref_slice %arg8[%dma_start3A_72, %dma_start3A_73] : memref<1024x8xf32, #tpu.memory_space<vmem>> -> memref<128x8xf32, #tpu.memory_space<vmem>>
    %dma_start3A_75 = arith.constant 0 : i32
    %dma_start3A_76 = tpu.memref_slice %arg6[%dma_start3A_71, %dma_start3A_75] : memref<8x128xi32, #tpu.memory_space<vmem>> -> memref<1x128xi32, #tpu.memory_space<vmem>>
    %dma_start3A_77 = tpu.memref_squeeze %dma_start3A_76 : memref<1x128xi32, #tpu.memory_space<vmem>> -> memref<128xi32, #tpu.memory_space<vmem>>
    %dma_start3A_78 = arith.constant 0 : i32
    %dma_start3A_79 = arith.constant 0 : i32
    %dma_start3A_80 = tpu.memref_slice %arg2[%dma_start3A_78, %dma_start3A_79] : memref<100096x8xf32, #tpu.memory_space<hbm>> -> memref<100096x8xf32, #tpu.memory_space<hbm>>
    tpu.enqueue_indirect_dma source(%dma_start3A_80 : memref<100096x8xf32, #tpu.memory_space<hbm>>) target(%dma_start3A_74 : memref<128x8xf32, #tpu.memory_space<vmem>>) offsets(%dma_start3A_77 : memref<128xi32, #tpu.memory_space<vmem>>) semaphore(%arg13 : memref<!tpu.dma_semaphore, #tpu.memory_space<semaphore_mem>>)
    %dma_start3A_81 = arith.constant 7 : i32
    %dma_start3A_82 = arith.constant 896 : i32
    %dma_start3A_83 = arith.constant 0 : i32
    %dma_start3A_84 = tpu.memref_slice %arg8[%dma_start3A_82, %dma_start3A_83] : memref<1024x8xf32, #tpu.memory_space<vmem>> -> memref<128x8xf32, #tpu.memory_space<vmem>>
    %dma_start3A_85 = arith.constant 0 : i32
    %dma_start3A_86 = tpu.memref_slice %arg6[%dma_start3A_81, %dma_start3A_85] : memref<8x128xi32, #tpu.memory_space<vmem>> -> memref<1x128xi32, #tpu.memory_space<vmem>>
    %dma_start3A_87 = tpu.memref_squeeze %dma_start3A_86 : memref<1x128xi32, #tpu.memory_space<vmem>> -> memref<128xi32, #tpu.memory_space<vmem>>
    %dma_start3A_88 = arith.constant 0 : i32
    %dma_start3A_89 = arith.constant 0 : i32
    %dma_start3A_90 = tpu.memref_slice %arg2[%dma_start3A_88, %dma_start3A_89] : memref<100096x8xf32, #tpu.memory_space<hbm>> -> memref<100096x8xf32, #tpu.memory_space<hbm>>
    tpu.enqueue_indirect_dma source(%dma_start3A_90 : memref<100096x8xf32, #tpu.memory_space<hbm>>) target(%dma_start3A_84 : memref<128x8xf32, #tpu.memory_space<vmem>>) offsets(%dma_start3A_87 : memref<128xi32, #tpu.memory_space<vmem>>) semaphore(%arg13 : memref<!tpu.dma_semaphore, #tpu.memory_space<semaphore_mem>>)
    %scan3A = arith.constant 0 : i32
    %scan3A_91 = arith.constant 0 : i32
    %scan3A_92 = arith.constant 97 : i32
    %scan3A_93 = arith.addi %scan3A_91, %scan3A_92 : i32
    %scan3A_94 = arith.constant 1 : i32
    scf.for %scan3A_131 = %scan3A_91 to %scan3A_93 step %scan3A_94  : i32 {
      %mul3A_132 = arith.constant 2 : i32
      %mul3A_133 = arith.muli %mul3A_132, %scan3A_131 : i32
      %add3A_134 = arith.constant 0 : i32
      %add3A_135 = arith.addi %mul3A_133, %add3A_134 : i32
      %add3A_136 = arith.constant 1 : i32
      %add3A_137 = arith.addi %add3A_135, %add3A_136 : i32
      %mul3A_138 = arith.constant 8 : i32
      %mul3A_139 = arith.muli %add3A_137, %mul3A_138 : i32
      %add3A_140 = arith.addi %add3A_4, %mul3A_139 : i32
      %run_scoped3A_141 = arith.constant 0 : i32
      "tpu.region"() ({
        %run_scoped3A_342 = tpu.sem_alloc : memref<!tpu.dma_semaphore, #tpu.memory_space<semaphore_mem>>
        %dma_start3A_343 = arith.constant 0 : i32
        %dma_start3A_344 = tpu.memref_slice %arg3[%run_scoped3A_141, %add3A_140, %dma_start3A_343] : memref<2x50000x128xi32, #tpu.memory_space<hbm>> -> memref<1x8x128xi32, #tpu.memory_space<hbm>>
        %dma_start3A_345 = tpu.memref_squeeze %dma_start3A_344 : memref<1x8x128xi32, #tpu.memory_space<hbm>> -> memref<8x128xi32, #tpu.memory_space<hbm>>
        %dma_start3A_346 = arith.constant 0 : i32
        %dma_start3A_347 = tpu.memref_slice %arg3[%run_scoped3A_141, %add3A_140, %dma_start3A_346] : memref<2x50000x128xi32, #tpu.memory_space<hbm>> -> memref<1x8x128xi32, #tpu.memory_space<hbm>>
        %dma_start3A_348 = tpu.memref_squeeze %dma_start3A_347 : memref<1x8x128xi32, #tpu.memory_space<hbm>> -> memref<8x128xi32, #tpu.memory_space<hbm>>
        tpu.enqueue_dma source(%dma_start3A_348 : memref<8x128xi32, #tpu.memory_space<hbm>>) target(%arg9 : memref<8x128xi32, #tpu.memory_space<vmem>>) target_semaphore(%run_scoped3A_342 : memref<!tpu.dma_semaphore, #tpu.memory_space<semaphore_mem>>)
        %dma_wait3A_349 = arith.constant 0 : i32
        %dma_wait3A_350 = tpu.memref_slice %arg3[%run_scoped3A_141, %add3A_140, %dma_wait3A_349] : memref<2x50000x128xi32, #tpu.memory_space<hbm>> -> memref<1x8x128xi32, #tpu.memory_space<hbm>>
        %dma_wait3A_351 = tpu.memref_squeeze %dma_wait3A_350 : memref<1x8x128xi32, #tpu.memory_space<hbm>> -> memref<8x128xi32, #tpu.memory_space<hbm>>
        %dma_wait3A_352 = arith.constant 0 : i32
        %dma_wait3A_353 = tpu.memref_slice %arg3[%run_scoped3A_141, %add3A_140, %dma_wait3A_352] : memref<2x50000x128xi32, #tpu.memory_space<hbm>> -> memref<1x8x128xi32, #tpu.memory_space<hbm>>
        %dma_wait3A_354 = tpu.memref_squeeze %dma_wait3A_353 : memref<1x8x128xi32, #tpu.memory_space<hbm>> -> memref<8x128xi32, #tpu.memory_space<hbm>>
        tpu.wait_dma2 semaphore(%run_scoped3A_342 : memref<!tpu.dma_semaphore, #tpu.memory_space<semaphore_mem>>) src(%dma_wait3A_354 : memref<8x128xi32, #tpu.memory_space<hbm>>) dst(%arg9 : memref<8x128xi32, #tpu.memory_space<vmem>>)
        tpu.yield
      }) : () -> ()
      %run_scoped3A_142 = arith.constant 1 : i32
      "tpu.region"() ({
        %run_scoped3A_342 = tpu.sem_alloc : memref<!tpu.dma_semaphore, #tpu.memory_space<semaphore_mem>>
        %dma_start3A_343 = arith.constant 0 : i32
        %dma_start3A_344 = tpu.memref_slice %arg3[%run_scoped3A_142, %add3A_140, %dma_start3A_343] : memref<2x50000x128xi32, #tpu.memory_space<hbm>> -> memref<1x8x128xi32, #tpu.memory_space<hbm>>
        %dma_start3A_345 = tpu.memref_squeeze %dma_start3A_344 : memref<1x8x128xi32, #tpu.memory_space<hbm>> -> memref<8x128xi32, #tpu.memory_space<hbm>>
        %dma_start3A_346 = arith.constant 0 : i32
        %dma_start3A_347 = tpu.memref_slice %arg3[%run_scoped3A_142, %add3A_140, %dma_start3A_346] : memref<2x50000x128xi32, #tpu.memory_space<hbm>> -> memref<1x8x128xi32, #tpu.memory_space<hbm>>
        %dma_start3A_348 = tpu.memref_squeeze %dma_start3A_347 : memref<1x8x128xi32, #tpu.memory_space<hbm>> -> memref<8x128xi32, #tpu.memory_space<hbm>>
        tpu.enqueue_dma source(%dma_start3A_348 : memref<8x128xi32, #tpu.memory_space<hbm>>) target(%arg10 : memref<8x128xi32, #tpu.memory_space<vmem>>) target_semaphore(%run_scoped3A_342 : memref<!tpu.dma_semaphore, #tpu.memory_space<semaphore_mem>>)
        %dma_wait3A_349 = arith.constant 0 : i32
        %dma_wait3A_350 = tpu.memref_slice %arg3[%run_scoped3A_142, %add3A_140, %dma_wait3A_349] : memref<2x50000x128xi32, #tpu.memory_space<hbm>> -> memref<1x8x128xi32, #tpu.memory_space<hbm>>
        %dma_wait3A_351 = tpu.memref_squeeze %dma_wait3A_350 : memref<1x8x128xi32, #tpu.memory_space<hbm>> -> memref<8x128xi32, #tpu.memory_space<hbm>>
        %dma_wait3A_352 = arith.constant 0 : i32
        %dma_wait3A_353 = tpu.memref_slice %arg3[%run_scoped3A_142, %add3A_140, %dma_wait3A_352] : memref<2x50000x128xi32, #tpu.memory_space<hbm>> -> memref<1x8x128xi32, #tpu.memory_space<hbm>>
        %dma_wait3A_354 = tpu.memref_squeeze %dma_wait3A_353 : memref<1x8x128xi32, #tpu.memory_space<hbm>> -> memref<8x128xi32, #tpu.memory_space<hbm>>
        tpu.wait_dma2 semaphore(%run_scoped3A_342 : memref<!tpu.dma_semaphore, #tpu.memory_space<semaphore_mem>>) src(%dma_wait3A_354 : memref<8x128xi32, #tpu.memory_space<hbm>>) dst(%arg10 : memref<8x128xi32, #tpu.memory_space<vmem>>)
        tpu.yield
      }) : () -> ()
      %dma_start3A_143 = arith.constant 0 : i32
      %dma_start3A_144 = arith.constant 0 : i32
      %dma_start3A_145 = arith.constant 0 : i32
      %dma_start3A_146 = tpu.memref_slice %arg11[%dma_start3A_144, %dma_start3A_145] : memref<1024x8xf32, #tpu.memory_space<vmem>> -> memref<128x8xf32, #tpu.memory_space<vmem>>
      %dma_start3A_147 = arith.constant 0 : i32
      %dma_start3A_148 = tpu.memref_slice %arg9[%dma_start3A_143, %dma_start3A_147] : memref<8x128xi32, #tpu.memory_space<vmem>> -> memref<1x128xi32, #tpu.memory_space<vmem>>
      %dma_start3A_149 = tpu.memref_squeeze %dma_start3A_148 : memref<1x128xi32, #tpu.memory_space<vmem>> -> memref<128xi32, #tpu.memory_space<vmem>>
      %dma_start3A_150 = arith.constant 0 : i32
      %dma_start3A_151 = arith.constant 0 : i32
      %dma_start3A_152 = tpu.memref_slice %arg2[%dma_start3A_150, %dma_start3A_151] : memref<100096x8xf32, #tpu.memory_space<hbm>> -> memref<100096x8xf32, #tpu.memory_space<hbm>>
      tpu.enqueue_indirect_dma source(%dma_start3A_152 : memref<100096x8xf32, #tpu.memory_space<hbm>>) target(%dma_start3A_146 : memref<128x8xf32, #tpu.memory_space<vmem>>) offsets(%dma_start3A_149 : memref<128xi32, #tpu.memory_space<vmem>>) semaphore(%arg14 : memref<!tpu.dma_semaphore, #tpu.memory_space<semaphore_mem>>)
      %dma_start3A_153 = arith.constant 1 : i32
      %dma_start3A_154 = arith.constant 128 : i32
      %dma_start3A_155 = arith.constant 0 : i32
      %dma_start3A_156 = tpu.memref_slice %arg11[%dma_start3A_154, %dma_start3A_155] : memref<1024x8xf32, #tpu.memory_space<vmem>> -> memref<128x8xf32, #tpu.memory_space<vmem>>
      %dma_start3A_157 = arith.constant 0 : i32
      %dma_start3A_158 = tpu.memref_slice %arg9[%dma_start3A_153, %dma_start3A_157] : memref<8x128xi32, #tpu.memory_space<vmem>> -> memref<1x128xi32, #tpu.memory_space<vmem>>
      %dma_start3A_159 = tpu.memref_squeeze %dma_start3A_158 : memref<1x128xi32, #tpu.memory_space<vmem>> -> memref<128xi32, #tpu.memory_space<vmem>>
      %dma_start3A_160 = arith.constant 0 : i32
      %dma_start3A_161 = arith.constant 0 : i32
      %dma_start3A_162 = tpu.memref_slice %arg2[%dma_start3A_160, %dma_start3A_161] : memref<100096x8xf32, #tpu.memory_space<hbm>> -> memref<100096x8xf32, #tpu.memory_space<hbm>>
      tpu.enqueue_indirect_dma source(%dma_start3A_162 : memref<100096x8xf32, #tpu.memory_space<hbm>>) target(%dma_start3A_156 : memref<128x8xf32, #tpu.memory_space<vmem>>) offsets(%dma_start3A_159 : memref<128xi32, #tpu.memory_space<vmem>>) semaphore(%arg14 : memref<!tpu.dma_semaphore, #tpu.memory_space<semaphore_mem>>)
      %dma_start3A_163 = arith.constant 2 : i32
      %dma_start3A_164 = arith.constant 256 : i32
      %dma_start3A_165 = arith.constant 0 : i32
      %dma_start3A_166 = tpu.memref_slice %arg11[%dma_start3A_164, %dma_start3A_165] : memref<1024x8xf32, #tpu.memory_space<vmem>> -> memref<128x8xf32, #tpu.memory_space<vmem>>
      %dma_start3A_167 = arith.constant 0 : i32
      %dma_start3A_168 = tpu.memref_slice %arg9[%dma_start3A_163, %dma_start3A_167] : memref<8x128xi32, #tpu.memory_space<vmem>> -> memref<1x128xi32, #tpu.memory_space<vmem>>
      %dma_start3A_169 = tpu.memref_squeeze %dma_start3A_168 : memref<1x128xi32, #tpu.memory_space<vmem>> -> memref<128xi32, #tpu.memory_space<vmem>>
      %dma_start3A_170 = arith.constant 0 : i32
      %dma_start3A_171 = arith.constant 0 : i32
      %dma_start3A_172 = tpu.memref_slice %arg2[%dma_start3A_170, %dma_start3A_171] : memref<100096x8xf32, #tpu.memory_space<hbm>> -> memref<100096x8xf32, #tpu.memory_space<hbm>>
      tpu.enqueue_indirect_dma source(%dma_start3A_172 : memref<100096x8xf32, #tpu.memory_space<hbm>>) target(%dma_start3A_166 : memref<128x8xf32, #tpu.memory_space<vmem>>) offsets(%dma_start3A_169 : memref<128xi32, #tpu.memory_space<vmem>>) semaphore(%arg14 : memref<!tpu.dma_semaphore, #tpu.memory_space<semaphore_mem>>)
      %dma_start3A_173 = arith.constant 3 : i32
      %dma_start3A_174 = arith.constant 384 : i32
      %dma_start3A_175 = arith.constant 0 : i32
      %dma_start3A_176 = tpu.memref_slice %arg11[%dma_start3A_174, %dma_start3A_175] : memref<1024x8xf32, #tpu.memory_space<vmem>> -> memref<128x8xf32, #tpu.memory_space<vmem>>
      %dma_start3A_177 = arith.constant 0 : i32
      %dma_start3A_178 = tpu.memref_slice %arg9[%dma_start3A_173, %dma_start3A_177] : memref<8x128xi32, #tpu.memory_space<vmem>> -> memref<1x128xi32, #tpu.memory_space<vmem>>
      %dma_start3A_179 = tpu.memref_squeeze %dma_start3A_178 : memref<1x128xi32, #tpu.memory_space<vmem>> -> memref<128xi32, #tpu.memory_space<vmem>>
      %dma_start3A_180 = arith.constant 0 : i32
      %dma_start3A_181 = arith.constant 0 : i32
      %dma_start3A_182 = tpu.memref_slice %arg2[%dma_start3A_180, %dma_start3A_181] : memref<100096x8xf32, #tpu.memory_space<hbm>> -> memref<100096x8xf32, #tpu.memory_space<hbm>>
      tpu.enqueue_indirect_dma source(%dma_start3A_182 : memref<100096x8xf32, #tpu.memory_space<hbm>>) target(%dma_start3A_176 : memref<128x8xf32, #tpu.memory_space<vmem>>) offsets(%dma_start3A_179 : memref<128xi32, #tpu.memory_space<vmem>>) semaphore(%arg14 : memref<!tpu.dma_semaphore, #tpu.memory_space<semaphore_mem>>)
      %dma_start3A_183 = arith.constant 4 : i32
      %dma_start3A_184 = arith.constant 512 : i32
      %dma_start3A_185 = arith.constant 0 : i32
      %dma_start3A_186 = tpu.memref_slice %arg11[%dma_start3A_184, %dma_start3A_185] : memref<1024x8xf32, #tpu.memory_space<vmem>> -> memref<128x8xf32, #tpu.memory_space<vmem>>
      %dma_start3A_187 = arith.constant 0 : i32
      %dma_start3A_188 = tpu.memref_slice %arg9[%dma_start3A_183, %dma_start3A_187] : memref<8x128xi32, #tpu.memory_space<vmem>> -> memref<1x128xi32, #tpu.memory_space<vmem>>
      %dma_start3A_189 = tpu.memref_squeeze %dma_start3A_188 : memref<1x128xi32, #tpu.memory_space<vmem>> -> memref<128xi32, #tpu.memory_space<vmem>>
      %dma_start3A_190 = arith.constant 0 : i32
      %dma_start3A_191 = arith.constant 0 : i32
      %dma_start3A_192 = tpu.memref_slice %arg2[%dma_start3A_190, %dma_start3A_191] : memref<100096x8xf32, #tpu.memory_space<hbm>> -> memref<100096x8xf32, #tpu.memory_space<hbm>>
      tpu.enqueue_indirect_dma source(%dma_start3A_192 : memref<100096x8xf32, #tpu.memory_space<hbm>>) target(%dma_start3A_186 : memref<128x8xf32, #tpu.memory_space<vmem>>) offsets(%dma_start3A_189 : memref<128xi32, #tpu.memory_space<vmem>>) semaphore(%arg14 : memref<!tpu.dma_semaphore, #tpu.memory_space<semaphore_mem>>)
      %dma_start3A_193 = arith.constant 5 : i32
      %dma_start3A_194 = arith.constant 640 : i32
      %dma_start3A_195 = arith.constant 0 : i32
      %dma_start3A_196 = tpu.memref_slice %arg11[%dma_start3A_194, %dma_start3A_195] : memref<1024x8xf32, #tpu.memory_space<vmem>> -> memref<128x8xf32, #tpu.memory_space<vmem>>
      %dma_start3A_197 = arith.constant 0 : i32
      %dma_start3A_198 = tpu.memref_slice %arg9[%dma_start3A_193, %dma_start3A_197] : memref<8x128xi32, #tpu.memory_space<vmem>> -> memref<1x128xi32, #tpu.memory_space<vmem>>
      %dma_start3A_199 = tpu.memref_squeeze %dma_start3A_198 : memref<1x128xi32, #tpu.memory_space<vmem>> -> memref<128xi32, #tpu.memory_space<vmem>>
      %dma_start3A_200 = arith.constant 0 : i32
      %dma_start3A_201 = arith.constant 0 : i32
      %dma_start3A_202 = tpu.memref_slice %arg2[%dma_start3A_200, %dma_start3A_201] : memref<100096x8xf32, #tpu.memory_space<hbm>> -> memref<100096x8xf32, #tpu.memory_space<hbm>>
      tpu.enqueue_indirect_dma source(%dma_start3A_202 : memref<100096x8xf32, #tpu.memory_space<hbm>>) target(%dma_start3A_196 : memref<128x8xf32, #tpu.memory_space<vmem>>) offsets(%dma_start3A_199 : memref<128xi32, #tpu.memory_space<vmem>>) semaphore(%arg14 : memref<!tpu.dma_semaphore, #tpu.memory_space<semaphore_mem>>)
      %dma_start3A_203 = arith.constant 6 : i32
      %dma_start3A_204 = arith.constant 768 : i32
      %dma_start3A_205 = arith.constant 0 : i32
      %dma_start3A_206 = tpu.memref_slice %arg11[%dma_start3A_204, %dma_start3A_205] : memref<1024x8xf32, #tpu.memory_space<vmem>> -> memref<128x8xf32, #tpu.memory_space<vmem>>
      %dma_start3A_207 = arith.constant 0 : i32
      %dma_start3A_208 = tpu.memref_slice %arg9[%dma_start3A_203, %dma_start3A_207] : memref<8x128xi32, #tpu.memory_space<vmem>> -> memref<1x128xi32, #tpu.memory_space<vmem>>
      %dma_start3A_209 = tpu.memref_squeeze %dma_start3A_208 : memref<1x128xi32, #tpu.memory_space<vmem>> -> memref<128xi32, #tpu.memory_space<vmem>>
      %dma_start3A_210 = arith.constant 0 : i32
      %dma_start3A_211 = arith.constant 0 : i32
      %dma_start3A_212 = tpu.memref_slice %arg2[%dma_start3A_210, %dma_start3A_211] : memref<100096x8xf32, #tpu.memory_space<hbm>> -> memref<100096x8xf32, #tpu.memory_space<hbm>>
      tpu.enqueue_indirect_dma source(%dma_start3A_212 : memref<100096x8xf32, #tpu.memory_space<hbm>>) target(%dma_start3A_206 : memref<128x8xf32, #tpu.memory_space<vmem>>) offsets(%dma_start3A_209 : memref<128xi32, #tpu.memory_space<vmem>>) semaphore(%arg14 : memref<!tpu.dma_semaphore, #tpu.memory_space<semaphore_mem>>)
      %dma_start3A_213 = arith.constant 7 : i32
      %dma_start3A_214 = arith.constant 896 : i32
      %dma_start3A_215 = arith.constant 0 : i32
      %dma_start3A_216 = tpu.memref_slice %arg11[%dma_start3A_214, %dma_start3A_215] : memref<1024x8xf32, #tpu.memory_space<vmem>> -> memref<128x8xf32, #tpu.memory_space<vmem>>
      %dma_start3A_217 = arith.constant 0 : i32
      %dma_start3A_218 = tpu.memref_slice %arg9[%dma_start3A_213, %dma_start3A_217] : memref<8x128xi32, #tpu.memory_space<vmem>> -> memref<1x128xi32, #tpu.memory_space<vmem>>
      %dma_start3A_219 = tpu.memref_squeeze %dma_start3A_218 : memref<1x128xi32, #tpu.memory_space<vmem>> -> memref<128xi32, #tpu.memory_space<vmem>>
      %dma_start3A_220 = arith.constant 0 : i32
      %dma_start3A_221 = arith.constant 0 : i32
      %dma_start3A_222 = tpu.memref_slice %arg2[%dma_start3A_220, %dma_start3A_221] : memref<100096x8xf32, #tpu.memory_space<hbm>> -> memref<100096x8xf32, #tpu.memory_space<hbm>>
      tpu.enqueue_indirect_dma source(%dma_start3A_222 : memref<100096x8xf32, #tpu.memory_space<hbm>>) target(%dma_start3A_216 : memref<128x8xf32, #tpu.memory_space<vmem>>) offsets(%dma_start3A_219 : memref<128xi32, #tpu.memory_space<vmem>>) semaphore(%arg14 : memref<!tpu.dma_semaphore, #tpu.memory_space<semaphore_mem>>)
      %dma_wait3A_223 = arith.constant 0 : i32
      %dma_wait3A_224 = arith.constant 0 : i32
      %dma_wait3A_225 = tpu.memref_slice %arg2[%dma_wait3A_223, %dma_wait3A_224] : memref<100096x8xf32, #tpu.memory_space<hbm>> -> memref<1024x8xf32, #tpu.memory_space<hbm>>
      %dma_wait3A_226 = arith.constant 0 : i32
      %dma_wait3A_227 = arith.constant 0 : i32
      %dma_wait3A_228 = tpu.memref_slice %arg2[%dma_wait3A_226, %dma_wait3A_227] : memref<100096x8xf32, #tpu.memory_space<hbm>> -> memref<1024x8xf32, #tpu.memory_space<hbm>>
      tpu.wait_dma2 semaphore(%arg13 : memref<!tpu.dma_semaphore, #tpu.memory_space<semaphore_mem>>) src(%dma_wait3A_228 : memref<1024x8xf32, #tpu.memory_space<hbm>>) dst(%arg8 : memref<1024x8xf32, #tpu.memory_space<vmem>>)
      %run_scoped3A_229 = arith.constant 0 : i32
      "tpu.region"() ({
        %run_scoped3A_342 = tpu.sem_alloc : memref<!tpu.dma_semaphore, #tpu.memory_space<semaphore_mem>>
        %dma_start3A_343 = arith.constant 0 : i32
        %dma_start3A_344 = arith.constant 0 : i32
        %dma_start3A_345 = tpu.memref_slice %arg8[%dma_start3A_343, %dma_start3A_344] : memref<1024x8xf32, #tpu.memory_space<vmem>> -> memref<128x8xf32, #tpu.memory_space<vmem>>
        %dma_start3A_346 = arith.constant 0 : i32
        %dma_start3A_347 = tpu.memref_slice %arg7[%run_scoped3A_229, %dma_start3A_346] : memref<8x128xi32, #tpu.memory_space<vmem>> -> memref<1x128xi32, #tpu.memory_space<vmem>>
        %dma_start3A_348 = tpu.memref_squeeze %dma_start3A_347 : memref<1x128xi32, #tpu.memory_space<vmem>> -> memref<128xi32, #tpu.memory_space<vmem>>
        %dma_start3A_349 = arith.constant 0 : i32
        %dma_start3A_350 = arith.constant 0 : i32
        %dma_start3A_351 = tpu.memref_slice %arg12[%dma_start3A_349, %dma_start3A_350] : memref<100096x8xf32, #tpu.memory_space<vmem_shared>> -> memref<100096x8xf32, #tpu.memory_space<vmem_shared>>
        tpu.enqueue_indirect_dma source(%dma_start3A_345 : memref<128x8xf32, #tpu.memory_space<vmem>>) target(%dma_start3A_351 : memref<100096x8xf32, #tpu.memory_space<vmem_shared>>) offsets(%dma_start3A_348 : memref<128xi32, #tpu.memory_space<vmem>>) semaphore(%run_scoped3A_342 : memref<!tpu.dma_semaphore, #tpu.memory_space<semaphore_mem>>) {add = true}
        %dma_wait3A_352 = arith.constant 0 : i32
        %dma_wait3A_353 = arith.constant 0 : i32
        %dma_wait3A_354 = tpu.memref_slice %arg8[%dma_wait3A_352, %dma_wait3A_353] : memref<1024x8xf32, #tpu.memory_space<vmem>> -> memref<128x8xf32, #tpu.memory_space<vmem>>
        %dma_wait3A_355 = arith.constant 0 : i32
        %dma_wait3A_356 = tpu.memref_slice %arg7[%run_scoped3A_229, %dma_wait3A_355] : memref<8x128xi32, #tpu.memory_space<vmem>> -> memref<1x128xi32, #tpu.memory_space<vmem>>
        %dma_wait3A_357 = tpu.memref_squeeze %dma_wait3A_356 : memref<1x128xi32, #tpu.memory_space<vmem>> -> memref<128xi32, #tpu.memory_space<vmem>>
        %dma_wait3A_358 = arith.constant 0 : i32
        %dma_wait3A_359 = arith.constant 0 : i32
        %dma_wait3A_360 = tpu.memref_slice %arg12[%dma_wait3A_358, %dma_wait3A_359] : memref<100096x8xf32, #tpu.memory_space<vmem_shared>> -> memref<100096x8xf32, #tpu.memory_space<vmem_shared>>
        tpu.wait_indirect_dma semaphore(%run_scoped3A_342 : memref<!tpu.dma_semaphore, #tpu.memory_space<semaphore_mem>>) src(%dma_wait3A_354 : memref<128x8xf32, #tpu.memory_space<vmem>>) dst(%dma_wait3A_360 : memref<100096x8xf32, #tpu.memory_space<vmem_shared>>)
        tpu.yield
      }) : () -> ()
      %run_scoped3A_230 = arith.constant 1 : i32
      "tpu.region"() ({
        %run_scoped3A_342 = tpu.sem_alloc : memref<!tpu.dma_semaphore, #tpu.memory_space<semaphore_mem>>
        %dma_start3A_343 = arith.constant 128 : i32
        %dma_start3A_344 = arith.constant 0 : i32
        %dma_start3A_345 = tpu.memref_slice %arg8[%dma_start3A_343, %dma_start3A_344] : memref<1024x8xf32, #tpu.memory_space<vmem>> -> memref<128x8xf32, #tpu.memory_space<vmem>>
        %dma_start3A_346 = arith.constant 0 : i32
        %dma_start3A_347 = tpu.memref_slice %arg7[%run_scoped3A_230, %dma_start3A_346] : memref<8x128xi32, #tpu.memory_space<vmem>> -> memref<1x128xi32, #tpu.memory_space<vmem>>
        %dma_start3A_348 = tpu.memref_squeeze %dma_start3A_347 : memref<1x128xi32, #tpu.memory_space<vmem>> -> memref<128xi32, #tpu.memory_space<vmem>>
        %dma_start3A_349 = arith.constant 0 : i32
        %dma_start3A_350 = arith.constant 0 : i32
        %dma_start3A_351 = tpu.memref_slice %arg12[%dma_start3A_349, %dma_start3A_350] : memref<100096x8xf32, #tpu.memory_space<vmem_shared>> -> memref<100096x8xf32, #tpu.memory_space<vmem_shared>>
        tpu.enqueue_indirect_dma source(%dma_start3A_345 : memref<128x8xf32, #tpu.memory_space<vmem>>) target(%dma_start3A_351 : memref<100096x8xf32, #tpu.memory_space<vmem_shared>>) offsets(%dma_start3A_348 : memref<128xi32, #tpu.memory_space<vmem>>) semaphore(%run_scoped3A_342 : memref<!tpu.dma_semaphore, #tpu.memory_space<semaphore_mem>>) {add = true}
        %dma_wait3A_352 = arith.constant 128 : i32
        %dma_wait3A_353 = arith.constant 0 : i32
        %dma_wait3A_354 = tpu.memref_slice %arg8[%dma_wait3A_352, %dma_wait3A_353] : memref<1024x8xf32, #tpu.memory_space<vmem>> -> memref<128x8xf32, #tpu.memory_space<vmem>>
        %dma_wait3A_355 = arith.constant 0 : i32
        %dma_wait3A_356 = tpu.memref_slice %arg7[%run_scoped3A_230, %dma_wait3A_355] : memref<8x128xi32, #tpu.memory_space<vmem>> -> memref<1x128xi32, #tpu.memory_space<vmem>>
        %dma_wait3A_357 = tpu.memref_squeeze %dma_wait3A_356 : memref<1x128xi32, #tpu.memory_space<vmem>> -> memref<128xi32, #tpu.memory_space<vmem>>
        %dma_wait3A_358 = arith.constant 0 : i32
        %dma_wait3A_359 = arith.constant 0 : i32
        %dma_wait3A_360 = tpu.memref_slice %arg12[%dma_wait3A_358, %dma_wait3A_359] : memref<100096x8xf32, #tpu.memory_space<vmem_shared>> -> memref<100096x8xf32, #tpu.memory_space<vmem_shared>>
        tpu.wait_indirect_dma semaphore(%run_scoped3A_342 : memref<!tpu.dma_semaphore, #tpu.memory_space<semaphore_mem>>) src(%dma_wait3A_354 : memref<128x8xf32, #tpu.memory_space<vmem>>) dst(%dma_wait3A_360 : memref<100096x8xf32, #tpu.memory_space<vmem_shared>>)
        tpu.yield
      }) : () -> ()
      %run_scoped3A_231 = arith.constant 2 : i32
      "tpu.region"() ({
        %run_scoped3A_342 = tpu.sem_alloc : memref<!tpu.dma_semaphore, #tpu.memory_space<semaphore_mem>>
        %dma_start3A_343 = arith.constant 256 : i32
        %dma_start3A_344 = arith.constant 0 : i32
        %dma_start3A_345 = tpu.memref_slice %arg8[%dma_start3A_343, %dma_start3A_344] : memref<1024x8xf32, #tpu.memory_space<vmem>> -> memref<128x8xf32, #tpu.memory_space<vmem>>
        %dma_start3A_346 = arith.constant 0 : i32
        %dma_start3A_347 = tpu.memref_slice %arg7[%run_scoped3A_231, %dma_start3A_346] : memref<8x128xi32, #tpu.memory_space<vmem>> -> memref<1x128xi32, #tpu.memory_space<vmem>>
        %dma_start3A_348 = tpu.memref_squeeze %dma_start3A_347 : memref<1x128xi32, #tpu.memory_space<vmem>> -> memref<128xi32, #tpu.memory_space<vmem>>
        %dma_start3A_349 = arith.constant 0 : i32
        %dma_start3A_350 = arith.constant 0 : i32
        %dma_start3A_351 = tpu.memref_slice %arg12[%dma_start3A_349, %dma_start3A_350] : memref<100096x8xf32, #tpu.memory_space<vmem_shared>> -> memref<100096x8xf32, #tpu.memory_space<vmem_shared>>
        tpu.enqueue_indirect_dma source(%dma_start3A_345 : memref<128x8xf32, #tpu.memory_space<vmem>>) target(%dma_start3A_351 : memref<100096x8xf32, #tpu.memory_space<vmem_shared>>) offsets(%dma_start3A_348 : memref<128xi32, #tpu.memory_space<vmem>>) semaphore(%run_scoped3A_342 : memref<!tpu.dma_semaphore, #tpu.memory_space<semaphore_mem>>) {add = true}
        %dma_wait3A_352 = arith.constant 256 : i32
        %dma_wait3A_353 = arith.constant 0 : i32
        %dma_wait3A_354 = tpu.memref_slice %arg8[%dma_wait3A_352, %dma_wait3A_353] : memref<1024x8xf32, #tpu.memory_space<vmem>> -> memref<128x8xf32, #tpu.memory_space<vmem>>
        %dma_wait3A_355 = arith.constant 0 : i32
        %dma_wait3A_356 = tpu.memref_slice %arg7[%run_scoped3A_231, %dma_wait3A_355] : memref<8x128xi32, #tpu.memory_space<vmem>> -> memref<1x128xi32, #tpu.memory_space<vmem>>
        %dma_wait3A_357 = tpu.memref_squeeze %dma_wait3A_356 : memref<1x128xi32, #tpu.memory_space<vmem>> -> memref<128xi32, #tpu.memory_space<vmem>>
        %dma_wait3A_358 = arith.constant 0 : i32
        %dma_wait3A_359 = arith.constant 0 : i32
        %dma_wait3A_360 = tpu.memref_slice %arg12[%dma_wait3A_358, %dma_wait3A_359] : memref<100096x8xf32, #tpu.memory_space<vmem_shared>> -> memref<100096x8xf32, #tpu.memory_space<vmem_shared>>
        tpu.wait_indirect_dma semaphore(%run_scoped3A_342 : memref<!tpu.dma_semaphore, #tpu.memory_space<semaphore_mem>>) src(%dma_wait3A_354 : memref<128x8xf32, #tpu.memory_space<vmem>>) dst(%dma_wait3A_360 : memref<100096x8xf32, #tpu.memory_space<vmem_shared>>)
        tpu.yield
      }) : () -> ()
      %run_scoped3A_232 = arith.constant 3 : i32
      "tpu.region"() ({
        %run_scoped3A_342 = tpu.sem_alloc : memref<!tpu.dma_semaphore, #tpu.memory_space<semaphore_mem>>
        %dma_start3A_343 = arith.constant 384 : i32
        %dma_start3A_344 = arith.constant 0 : i32
        %dma_start3A_345 = tpu.memref_slice %arg8[%dma_start3A_343, %dma_start3A_344] : memref<1024x8xf32, #tpu.memory_space<vmem>> -> memref<128x8xf32, #tpu.memory_space<vmem>>
        %dma_start3A_346 = arith.constant 0 : i32
        %dma_start3A_347 = tpu.memref_slice %arg7[%run_scoped3A_232, %dma_start3A_346] : memref<8x128xi32, #tpu.memory_space<vmem>> -> memref<1x128xi32, #tpu.memory_space<vmem>>
        %dma_start3A_348 = tpu.memref_squeeze %dma_start3A_347 : memref<1x128xi32, #tpu.memory_space<vmem>> -> memref<128xi32, #tpu.memory_space<vmem>>
        %dma_start3A_349 = arith.constant 0 : i32
        %dma_start3A_350 = arith.constant 0 : i32
        %dma_start3A_351 = tpu.memref_slice %arg12[%dma_start3A_349, %dma_start3A_350] : memref<100096x8xf32, #tpu.memory_space<vmem_shared>> -> memref<100096x8xf32, #tpu.memory_space<vmem_shared>>
        tpu.enqueue_indirect_dma source(%dma_start3A_345 : memref<128x8xf32, #tpu.memory_space<vmem>>) target(%dma_start3A_351 : memref<100096x8xf32, #tpu.memory_space<vmem_shared>>) offsets(%dma_start3A_348 : memref<128xi32, #tpu.memory_space<vmem>>) semaphore(%run_scoped3A_342 : memref<!tpu.dma_semaphore, #tpu.memory_space<semaphore_mem>>) {add = true}
        %dma_wait3A_352 = arith.constant 384 : i32
        %dma_wait3A_353 = arith.constant 0 : i32
        %dma_wait3A_354 = tpu.memref_slice %arg8[%dma_wait3A_352, %dma_wait3A_353] : memref<1024x8xf32, #tpu.memory_space<vmem>> -> memref<128x8xf32, #tpu.memory_space<vmem>>
        %dma_wait3A_355 = arith.constant 0 : i32
        %dma_wait3A_356 = tpu.memref_slice %arg7[%run_scoped3A_232, %dma_wait3A_355] : memref<8x128xi32, #tpu.memory_space<vmem>> -> memref<1x128xi32, #tpu.memory_space<vmem>>
        %dma_wait3A_357 = tpu.memref_squeeze %dma_wait3A_356 : memref<1x128xi32, #tpu.memory_space<vmem>> -> memref<128xi32, #tpu.memory_space<vmem>>
        %dma_wait3A_358 = arith.constant 0 : i32
        %dma_wait3A_359 = arith.constant 0 : i32
        %dma_wait3A_360 = tpu.memref_slice %arg12[%dma_wait3A_358, %dma_wait3A_359] : memref<100096x8xf32, #tpu.memory_space<vmem_shared>> -> memref<100096x8xf32, #tpu.memory_space<vmem_shared>>
        tpu.wait_indirect_dma semaphore(%run_scoped3A_342 : memref<!tpu.dma_semaphore, #tpu.memory_space<semaphore_mem>>) src(%dma_wait3A_354 : memref<128x8xf32, #tpu.memory_space<vmem>>) dst(%dma_wait3A_360 : memref<100096x8xf32, #tpu.memory_space<vmem_shared>>)
        tpu.yield
      }) : () -> ()
      %run_scoped3A_233 = arith.constant 4 : i32
      "tpu.region"() ({
        %run_scoped3A_342 = tpu.sem_alloc : memref<!tpu.dma_semaphore, #tpu.memory_space<semaphore_mem>>
        %dma_start3A_343 = arith.constant 512 : i32
        %dma_start3A_344 = arith.constant 0 : i32
        %dma_start3A_345 = tpu.memref_slice %arg8[%dma_start3A_343, %dma_start3A_344] : memref<1024x8xf32, #tpu.memory_space<vmem>> -> memref<128x8xf32, #tpu.memory_space<vmem>>
        %dma_start3A_346 = arith.constant 0 : i32
        %dma_start3A_347 = tpu.memref_slice %arg7[%run_scoped3A_233, %dma_start3A_346] : memref<8x128xi32, #tpu.memory_space<vmem>> -> memref<1x128xi32, #tpu.memory_space<vmem>>
        %dma_start3A_348 = tpu.memref_squeeze %dma_start3A_347 : memref<1x128xi32, #tpu.memory_space<vmem>> -> memref<128xi32, #tpu.memory_space<vmem>>
        %dma_start3A_349 = arith.constant 0 : i32
        %dma_start3A_350 = arith.constant 0 : i32
        %dma_start3A_351 = tpu.memref_slice %arg12[%dma_start3A_349, %dma_start3A_350] : memref<100096x8xf32, #tpu.memory_space<vmem_shared>> -> memref<100096x8xf32, #tpu.memory_space<vmem_shared>>
        tpu.enqueue_indirect_dma source(%dma_start3A_345 : memref<128x8xf32, #tpu.memory_space<vmem>>) target(%dma_start3A_351 : memref<100096x8xf32, #tpu.memory_space<vmem_shared>>) offsets(%dma_start3A_348 : memref<128xi32, #tpu.memory_space<vmem>>) semaphore(%run_scoped3A_342 : memref<!tpu.dma_semaphore, #tpu.memory_space<semaphore_mem>>) {add = true}
        %dma_wait3A_352 = arith.constant 512 : i32
        %dma_wait3A_353 = arith.constant 0 : i32
        %dma_wait3A_354 = tpu.memref_slice %arg8[%dma_wait3A_352, %dma_wait3A_353] : memref<1024x8xf32, #tpu.memory_space<vmem>> -> memref<128x8xf32, #tpu.memory_space<vmem>>
        %dma_wait3A_355 = arith.constant 0 : i32
        %dma_wait3A_356 = tpu.memref_slice %arg7[%run_scoped3A_233, %dma_wait3A_355] : memref<8x128xi32, #tpu.memory_space<vmem>> -> memref<1x128xi32, #tpu.memory_space<vmem>>
        %dma_wait3A_357 = tpu.memref_squeeze %dma_wait3A_356 : memref<1x128xi32, #tpu.memory_space<vmem>> -> memref<128xi32, #tpu.memory_space<vmem>>
        %dma_wait3A_358 = arith.constant 0 : i32
        %dma_wait3A_359 = arith.constant 0 : i32
        %dma_wait3A_360 = tpu.memref_slice %arg12[%dma_wait3A_358, %dma_wait3A_359] : memref<100096x8xf32, #tpu.memory_space<vmem_shared>> -> memref<100096x8xf32, #tpu.memory_space<vmem_shared>>
        tpu.wait_indirect_dma semaphore(%run_scoped3A_342 : memref<!tpu.dma_semaphore, #tpu.memory_space<semaphore_mem>>) src(%dma_wait3A_354 : memref<128x8xf32, #tpu.memory_space<vmem>>) dst(%dma_wait3A_360 : memref<100096x8xf32, #tpu.memory_space<vmem_shared>>)
        tpu.yield
      }) : () -> ()
      %run_scoped3A_234 = arith.constant 5 : i32
      "tpu.region"() ({
        %run_scoped3A_342 = tpu.sem_alloc : memref<!tpu.dma_semaphore, #tpu.memory_space<semaphore_mem>>
        %dma_start3A_343 = arith.constant 640 : i32
        %dma_start3A_344 = arith.constant 0 : i32
        %dma_start3A_345 = tpu.memref_slice %arg8[%dma_start3A_343, %dma_start3A_344] : memref<1024x8xf32, #tpu.memory_space<vmem>> -> memref<128x8xf32, #tpu.memory_space<vmem>>
        %dma_start3A_346 = arith.constant 0 : i32
        %dma_start3A_347 = tpu.memref_slice %arg7[%run_scoped3A_234, %dma_start3A_346] : memref<8x128xi32, #tpu.memory_space<vmem>> -> memref<1x128xi32, #tpu.memory_space<vmem>>
        %dma_start3A_348 = tpu.memref_squeeze %dma_start3A_347 : memref<1x128xi32, #tpu.memory_space<vmem>> -> memref<128xi32, #tpu.memory_space<vmem>>
        %dma_start3A_349 = arith.constant 0 : i32
        %dma_start3A_350 = arith.constant 0 : i32
        %dma_start3A_351 = tpu.memref_slice %arg12[%dma_start3A_349, %dma_start3A_350] : memref<100096x8xf32, #tpu.memory_space<vmem_shared>> -> memref<100096x8xf32, #tpu.memory_space<vmem_shared>>
        tpu.enqueue_indirect_dma source(%dma_start3A_345 : memref<128x8xf32, #tpu.memory_space<vmem>>) target(%dma_start3A_351 : memref<100096x8xf32, #tpu.memory_space<vmem_shared>>) offsets(%dma_start3A_348 : memref<128xi32, #tpu.memory_space<vmem>>) semaphore(%run_scoped3A_342 : memref<!tpu.dma_semaphore, #tpu.memory_space<semaphore_mem>>) {add = true}
        %dma_wait3A_352 = arith.constant 640 : i32
        %dma_wait3A_353 = arith.constant 0 : i32
        %dma_wait3A_354 = tpu.memref_slice %arg8[%dma_wait3A_352, %dma_wait3A_353] : memref<1024x8xf32, #tpu.memory_space<vmem>> -> memref<128x8xf32, #tpu.memory_space<vmem>>
        %dma_wait3A_355 = arith.constant 0 : i32
        %dma_wait3A_356 = tpu.memref_slice %arg7[%run_scoped3A_234, %dma_wait3A_355] : memref<8x128xi32, #tpu.memory_space<vmem>> -> memref<1x128xi32, #tpu.memory_space<vmem>>
        %dma_wait3A_357 = tpu.memref_squeeze %dma_wait3A_356 : memref<1x128xi32, #tpu.memory_space<vmem>> -> memref<128xi32, #tpu.memory_space<vmem>>
        %dma_wait3A_358 = arith.constant 0 : i32
        %dma_wait3A_359 = arith.constant 0 : i32
        %dma_wait3A_360 = tpu.memref_slice %arg12[%dma_wait3A_358, %dma_wait3A_359] : memref<100096x8xf32, #tpu.memory_space<vmem_shared>> -> memref<100096x8xf32, #tpu.memory_space<vmem_shared>>
        tpu.wait_indirect_dma semaphore(%run_scoped3A_342 : memref<!tpu.dma_semaphore, #tpu.memory_space<semaphore_mem>>) src(%dma_wait3A_354 : memref<128x8xf32, #tpu.memory_space<vmem>>) dst(%dma_wait3A_360 : memref<100096x8xf32, #tpu.memory_space<vmem_shared>>)
        tpu.yield
      }) : () -> ()
      %run_scoped3A_235 = arith.constant 6 : i32
      "tpu.region"() ({
        %run_scoped3A_342 = tpu.sem_alloc : memref<!tpu.dma_semaphore, #tpu.memory_space<semaphore_mem>>
        %dma_start3A_343 = arith.constant 768 : i32
        %dma_start3A_344 = arith.constant 0 : i32
        %dma_start3A_345 = tpu.memref_slice %arg8[%dma_start3A_343, %dma_start3A_344] : memref<1024x8xf32, #tpu.memory_space<vmem>> -> memref<128x8xf32, #tpu.memory_space<vmem>>
        %dma_start3A_346 = arith.constant 0 : i32
        %dma_start3A_347 = tpu.memref_slice %arg7[%run_scoped3A_235, %dma_start3A_346] : memref<8x128xi32, #tpu.memory_space<vmem>> -> memref<1x128xi32, #tpu.memory_space<vmem>>
        %dma_start3A_348 = tpu.memref_squeeze %dma_start3A_347 : memref<1x128xi32, #tpu.memory_space<vmem>> -> memref<128xi32, #tpu.memory_space<vmem>>
        %dma_start3A_349 = arith.constant 0 : i32
        %dma_start3A_350 = arith.constant 0 : i32
        %dma_start3A_351 = tpu.memref_slice %arg12[%dma_start3A_349, %dma_start3A_350] : memref<100096x8xf32, #tpu.memory_space<vmem_shared>> -> memref<100096x8xf32, #tpu.memory_space<vmem_shared>>
        tpu.enqueue_indirect_dma source(%dma_start3A_345 : memref<128x8xf32, #tpu.memory_space<vmem>>) target(%dma_start3A_351 : memref<100096x8xf32, #tpu.memory_space<vmem_shared>>) offsets(%dma_start3A_348 : memref<128xi32, #tpu.memory_space<vmem>>) semaphore(%run_scoped3A_342 : memref<!tpu.dma_semaphore, #tpu.memory_space<semaphore_mem>>) {add = true}
        %dma_wait3A_352 = arith.constant 768 : i32
        %dma_wait3A_353 = arith.constant 0 : i32
        %dma_wait3A_354 = tpu.memref_slice %arg8[%dma_wait3A_352, %dma_wait3A_353] : memref<1024x8xf32, #tpu.memory_space<vmem>> -> memref<128x8xf32, #tpu.memory_space<vmem>>
        %dma_wait3A_355 = arith.constant 0 : i32
        %dma_wait3A_356 = tpu.memref_slice %arg7[%run_scoped3A_235, %dma_wait3A_355] : memref<8x128xi32, #tpu.memory_space<vmem>> -> memref<1x128xi32, #tpu.memory_space<vmem>>
        %dma_wait3A_357 = tpu.memref_squeeze %dma_wait3A_356 : memref<1x128xi32, #tpu.memory_space<vmem>> -> memref<128xi32, #tpu.memory_space<vmem>>
        %dma_wait3A_358 = arith.constant 0 : i32
        %dma_wait3A_359 = arith.constant 0 : i32
        %dma_wait3A_360 = tpu.memref_slice %arg12[%dma_wait3A_358, %dma_wait3A_359] : memref<100096x8xf32, #tpu.memory_space<vmem_shared>> -> memref<100096x8xf32, #tpu.memory_space<vmem_shared>>
        tpu.wait_indirect_dma semaphore(%run_scoped3A_342 : memref<!tpu.dma_semaphore, #tpu.memory_space<semaphore_mem>>) src(%dma_wait3A_354 : memref<128x8xf32, #tpu.memory_space<vmem>>) dst(%dma_wait3A_360 : memref<100096x8xf32, #tpu.memory_space<vmem_shared>>)
        tpu.yield
      }) : () -> ()
      %run_scoped3A_236 = arith.constant 7 : i32
      "tpu.region"() ({
        %run_scoped3A_342 = tpu.sem_alloc : memref<!tpu.dma_semaphore, #tpu.memory_space<semaphore_mem>>
        %dma_start3A_343 = arith.constant 896 : i32
        %dma_start3A_344 = arith.constant 0 : i32
        %dma_start3A_345 = tpu.memref_slice %arg8[%dma_start3A_343, %dma_start3A_344] : memref<1024x8xf32, #tpu.memory_space<vmem>> -> memref<128x8xf32, #tpu.memory_space<vmem>>
        %dma_start3A_346 = arith.constant 0 : i32
        %dma_start3A_347 = tpu.memref_slice %arg7[%run_scoped3A_236, %dma_start3A_346] : memref<8x128xi32, #tpu.memory_space<vmem>> -> memref<1x128xi32, #tpu.memory_space<vmem>>
        %dma_start3A_348 = tpu.memref_squeeze %dma_start3A_347 : memref<1x128xi32, #tpu.memory_space<vmem>> -> memref<128xi32, #tpu.memory_space<vmem>>
        %dma_start3A_349 = arith.constant 0 : i32
        %dma_start3A_350 = arith.constant 0 : i32
        %dma_start3A_351 = tpu.memref_slice %arg12[%dma_start3A_349, %dma_start3A_350] : memref<100096x8xf32, #tpu.memory_space<vmem_shared>> -> memref<100096x8xf32, #tpu.memory_space<vmem_shared>>
        tpu.enqueue_indirect_dma source(%dma_start3A_345 : memref<128x8xf32, #tpu.memory_space<vmem>>) target(%dma_start3A_351 : memref<100096x8xf32, #tpu.memory_space<vmem_shared>>) offsets(%dma_start3A_348 : memref<128xi32, #tpu.memory_space<vmem>>) semaphore(%run_scoped3A_342 : memref<!tpu.dma_semaphore, #tpu.memory_space<semaphore_mem>>) {add = true}
        %dma_wait3A_352 = arith.constant 896 : i32
        %dma_wait3A_353 = arith.constant 0 : i32
        %dma_wait3A_354 = tpu.memref_slice %arg8[%dma_wait3A_352, %dma_wait3A_353] : memref<1024x8xf32, #tpu.memory_space<vmem>> -> memref<128x8xf32, #tpu.memory_space<vmem>>
        %dma_wait3A_355 = arith.constant 0 : i32
        %dma_wait3A_356 = tpu.memref_slice %arg7[%run_scoped3A_236, %dma_wait3A_355] : memref<8x128xi32, #tpu.memory_space<vmem>> -> memref<1x128xi32, #tpu.memory_space<vmem>>
        %dma_wait3A_357 = tpu.memref_squeeze %dma_wait3A_356 : memref<1x128xi32, #tpu.memory_space<vmem>> -> memref<128xi32, #tpu.memory_space<vmem>>
        %dma_wait3A_358 = arith.constant 0 : i32
        %dma_wait3A_359 = arith.constant 0 : i32
        %dma_wait3A_360 = tpu.memref_slice %arg12[%dma_wait3A_358, %dma_wait3A_359] : memref<100096x8xf32, #tpu.memory_space<vmem_shared>> -> memref<100096x8xf32, #tpu.memory_space<vmem_shared>>
        tpu.wait_indirect_dma semaphore(%run_scoped3A_342 : memref<!tpu.dma_semaphore, #tpu.memory_space<semaphore_mem>>) src(%dma_wait3A_354 : memref<128x8xf32, #tpu.memory_space<vmem>>) dst(%dma_wait3A_360 : memref<100096x8xf32, #tpu.memory_space<vmem_shared>>)
        tpu.yield
      }) : () -> ()
      %mul3A_237 = arith.constant 2 : i32
      %mul3A_238 = arith.muli %mul3A_237, %scan3A_131 : i32
      %add3A_239 = arith.constant 1 : i32
      %add3A_240 = arith.addi %mul3A_238, %add3A_239 : i32
      %add3A_241 = arith.constant 1 : i32
      %add3A_242 = arith.addi %add3A_240, %add3A_241 : i32
      %mul3A_243 = arith.constant 8 : i32
      %mul3A_244 = arith.muli %add3A_242, %mul3A_243 : i32
      %add3A_245 = arith.addi %add3A_4, %mul3A_244 : i32
      %run_scoped3A_246 = arith.constant 0 : i32
      "tpu.region"() ({
        %run_scoped3A_342 = tpu.sem_alloc : memref<!tpu.dma_semaphore, #tpu.memory_space<semaphore_mem>>
        %dma_start3A_343 = arith.constant 0 : i32
        %dma_start3A_344 = tpu.memref_slice %arg3[%run_scoped3A_246, %add3A_245, %dma_start3A_343] : memref<2x50000x128xi32, #tpu.memory_space<hbm>> -> memref<1x8x128xi32, #tpu.memory_space<hbm>>
        %dma_start3A_345 = tpu.memref_squeeze %dma_start3A_344 : memref<1x8x128xi32, #tpu.memory_space<hbm>> -> memref<8x128xi32, #tpu.memory_space<hbm>>
        %dma_start3A_346 = arith.constant 0 : i32
        %dma_start3A_347 = tpu.memref_slice %arg3[%run_scoped3A_246, %add3A_245, %dma_start3A_346] : memref<2x50000x128xi32, #tpu.memory_space<hbm>> -> memref<1x8x128xi32, #tpu.memory_space<hbm>>
        %dma_start3A_348 = tpu.memref_squeeze %dma_start3A_347 : memref<1x8x128xi32, #tpu.memory_space<hbm>> -> memref<8x128xi32, #tpu.memory_space<hbm>>
        tpu.enqueue_dma source(%dma_start3A_348 : memref<8x128xi32, #tpu.memory_space<hbm>>) target(%arg6 : memref<8x128xi32, #tpu.memory_space<vmem>>) target_semaphore(%run_scoped3A_342 : memref<!tpu.dma_semaphore, #tpu.memory_space<semaphore_mem>>)
        %dma_wait3A_349 = arith.constant 0 : i32
        %dma_wait3A_350 = tpu.memref_slice %arg3[%run_scoped3A_246, %add3A_245, %dma_wait3A_349] : memref<2x50000x128xi32, #tpu.memory_space<hbm>> -> memref<1x8x128xi32, #tpu.memory_space<hbm>>
        %dma_wait3A_351 = tpu.memref_squeeze %dma_wait3A_350 : memref<1x8x128xi32, #tpu.memory_space<hbm>> -> memref<8x128xi32, #tpu.memory_space<hbm>>
        %dma_wait3A_352 = arith.constant 0 : i32
        %dma_wait3A_353 = tpu.memref_slice %arg3[%run_scoped3A_246, %add3A_245, %dma_wait3A_352] : memref<2x50000x128xi32, #tpu.memory_space<hbm>> -> memref<1x8x128xi32, #tpu.memory_space<hbm>>
        %dma_wait3A_354 = tpu.memref_squeeze %dma_wait3A_353 : memref<1x8x128xi32, #tpu.memory_space<hbm>> -> memref<8x128xi32, #tpu.memory_space<hbm>>
        tpu.wait_dma2 semaphore(%run_scoped3A_342 : memref<!tpu.dma_semaphore, #tpu.memory_space<semaphore_mem>>) src(%dma_wait3A_354 : memref<8x128xi32, #tpu.memory_space<hbm>>) dst(%arg6 : memref<8x128xi32, #tpu.memory_space<vmem>>)
        tpu.yield
      }) : () -> ()
      %run_scoped3A_247 = arith.constant 1 : i32
      "tpu.region"() ({
        %run_scoped3A_342 = tpu.sem_alloc : memref<!tpu.dma_semaphore, #tpu.memory_space<semaphore_mem>>
        %dma_start3A_343 = arith.constant 0 : i32
        %dma_start3A_344 = tpu.memref_slice %arg3[%run_scoped3A_247, %add3A_245, %dma_start3A_343] : memref<2x50000x128xi32, #tpu.memory_space<hbm>> -> memref<1x8x128xi32, #tpu.memory_space<hbm>>
        %dma_start3A_345 = tpu.memref_squeeze %dma_start3A_344 : memref<1x8x128xi32, #tpu.memory_space<hbm>> -> memref<8x128xi32, #tpu.memory_space<hbm>>
        %dma_start3A_346 = arith.constant 0 : i32
        %dma_start3A_347 = tpu.memref_slice %arg3[%run_scoped3A_247, %add3A_245, %dma_start3A_346] : memref<2x50000x128xi32, #tpu.memory_space<hbm>> -> memref<1x8x128xi32, #tpu.memory_space<hbm>>
        %dma_start3A_348 = tpu.memref_squeeze %dma_start3A_347 : memref<1x8x128xi32, #tpu.memory_space<hbm>> -> memref<8x128xi32, #tpu.memory_space<hbm>>
        tpu.enqueue_dma source(%dma_start3A_348 : memref<8x128xi32, #tpu.memory_space<hbm>>) target(%arg7 : memref<8x128xi32, #tpu.memory_space<vmem>>) target_semaphore(%run_scoped3A_342 : memref<!tpu.dma_semaphore, #tpu.memory_space<semaphore_mem>>)
        %dma_wait3A_349 = arith.constant 0 : i32
        %dma_wait3A_350 = tpu.memref_slice %arg3[%run_scoped3A_247, %add3A_245, %dma_wait3A_349] : memref<2x50000x128xi32, #tpu.memory_space<hbm>> -> memref<1x8x128xi32, #tpu.memory_space<hbm>>
        %dma_wait3A_351 = tpu.memref_squeeze %dma_wait3A_350 : memref<1x8x128xi32, #tpu.memory_space<hbm>> -> memref<8x128xi32, #tpu.memory_space<hbm>>
        %dma_wait3A_352 = arith.constant 0 : i32
        %dma_wait3A_353 = tpu.memref_slice %arg3[%run_scoped3A_247, %add3A_245, %dma_wait3A_352] : memref<2x50000x128xi32, #tpu.memory_space<hbm>> -> memref<1x8x128xi32, #tpu.memory_space<hbm>>
        %dma_wait3A_354 = tpu.memref_squeeze %dma_wait3A_353 : memref<1x8x128xi32, #tpu.memory_space<hbm>> -> memref<8x128xi32, #tpu.memory_space<hbm>>
        tpu.wait_dma2 semaphore(%run_scoped3A_342 : memref<!tpu.dma_semaphore, #tpu.memory_space<semaphore_mem>>) src(%dma_wait3A_354 : memref<8x128xi32, #tpu.memory_space<hbm>>) dst(%arg7 : memref<8x128xi32, #tpu.memory_space<vmem>>)
        tpu.yield
      }) : () -> ()
      %dma_start3A_248 = arith.constant 0 : i32
      %dma_start3A_249 = arith.constant 0 : i32
      %dma_start3A_250 = arith.constant 0 : i32
      %dma_start3A_251 = tpu.memref_slice %arg8[%dma_start3A_249, %dma_start3A_250] : memref<1024x8xf32, #tpu.memory_space<vmem>> -> memref<128x8xf32, #tpu.memory_space<vmem>>
      %dma_start3A_252 = arith.constant 0 : i32
      %dma_start3A_253 = tpu.memref_slice %arg6[%dma_start3A_248, %dma_start3A_252] : memref<8x128xi32, #tpu.memory_space<vmem>> -> memref<1x128xi32, #tpu.memory_space<vmem>>
      %dma_start3A_254 = tpu.memref_squeeze %dma_start3A_253 : memref<1x128xi32, #tpu.memory_space<vmem>> -> memref<128xi32, #tpu.memory_space<vmem>>
      %dma_start3A_255 = arith.constant 0 : i32
      %dma_start3A_256 = arith.constant 0 : i32
      %dma_start3A_257 = tpu.memref_slice %arg2[%dma_start3A_255, %dma_start3A_256] : memref<100096x8xf32, #tpu.memory_space<hbm>> -> memref<100096x8xf32, #tpu.memory_space<hbm>>
      tpu.enqueue_indirect_dma source(%dma_start3A_257 : memref<100096x8xf32, #tpu.memory_space<hbm>>) target(%dma_start3A_251 : memref<128x8xf32, #tpu.memory_space<vmem>>) offsets(%dma_start3A_254 : memref<128xi32, #tpu.memory_space<vmem>>) semaphore(%arg13 : memref<!tpu.dma_semaphore, #tpu.memory_space<semaphore_mem>>)
      %dma_start3A_258 = arith.constant 1 : i32
      %dma_start3A_259 = arith.constant 128 : i32
      %dma_start3A_260 = arith.constant 0 : i32
      %dma_start3A_261 = tpu.memref_slice %arg8[%dma_start3A_259, %dma_start3A_260] : memref<1024x8xf32, #tpu.memory_space<vmem>> -> memref<128x8xf32, #tpu.memory_space<vmem>>
      %dma_start3A_262 = arith.constant 0 : i32
      %dma_start3A_263 = tpu.memref_slice %arg6[%dma_start3A_258, %dma_start3A_262] : memref<8x128xi32, #tpu.memory_space<vmem>> -> memref<1x128xi32, #tpu.memory_space<vmem>>
      %dma_start3A_264 = tpu.memref_squeeze %dma_start3A_263 : memref<1x128xi32, #tpu.memory_space<vmem>> -> memref<128xi32, #tpu.memory_space<vmem>>
      %dma_start3A_265 = arith.constant 0 : i32
      %dma_start3A_266 = arith.constant 0 : i32
      %dma_start3A_267 = tpu.memref_slice %arg2[%dma_start3A_265, %dma_start3A_266] : memref<100096x8xf32, #tpu.memory_space<hbm>> -> memref<100096x8xf32, #tpu.memory_space<hbm>>
      tpu.enqueue_indirect_dma source(%dma_start3A_267 : memref<100096x8xf32, #tpu.memory_space<hbm>>) target(%dma_start3A_261 : memref<128x8xf32, #tpu.memory_space<vmem>>) offsets(%dma_start3A_264 : memref<128xi32, #tpu.memory_space<vmem>>) semaphore(%arg13 : memref<!tpu.dma_semaphore, #tpu.memory_space<semaphore_mem>>)
      %dma_start3A_268 = arith.constant 2 : i32
      %dma_start3A_269 = arith.constant 256 : i32
      %dma_start3A_270 = arith.constant 0 : i32
      %dma_start3A_271 = tpu.memref_slice %arg8[%dma_start3A_269, %dma_start3A_270] : memref<1024x8xf32, #tpu.memory_space<vmem>> -> memref<128x8xf32, #tpu.memory_space<vmem>>
      %dma_start3A_272 = arith.constant 0 : i32
      %dma_start3A_273 = tpu.memref_slice %arg6[%dma_start3A_268, %dma_start3A_272] : memref<8x128xi32, #tpu.memory_space<vmem>> -> memref<1x128xi32, #tpu.memory_space<vmem>>
      %dma_start3A_274 = tpu.memref_squeeze %dma_start3A_273 : memref<1x128xi32, #tpu.memory_space<vmem>> -> memref<128xi32, #tpu.memory_space<vmem>>
      %dma_start3A_275 = arith.constant 0 : i32
      %dma_start3A_276 = arith.constant 0 : i32
      %dma_start3A_277 = tpu.memref_slice %arg2[%dma_start3A_275, %dma_start3A_276] : memref<100096x8xf32, #tpu.memory_space<hbm>> -> memref<100096x8xf32, #tpu.memory_space<hbm>>
      tpu.enqueue_indirect_dma source(%dma_start3A_277 : memref<100096x8xf32, #tpu.memory_space<hbm>>) target(%dma_start3A_271 : memref<128x8xf32, #tpu.memory_space<vmem>>) offsets(%dma_start3A_274 : memref<128xi32, #tpu.memory_space<vmem>>) semaphore(%arg13 : memref<!tpu.dma_semaphore, #tpu.memory_space<semaphore_mem>>)
      %dma_start3A_278 = arith.constant 3 : i32
      %dma_start3A_279 = arith.constant 384 : i32
      %dma_start3A_280 = arith.constant 0 : i32
      %dma_start3A_281 = tpu.memref_slice %arg8[%dma_start3A_279, %dma_start3A_280] : memref<1024x8xf32, #tpu.memory_space<vmem>> -> memref<128x8xf32, #tpu.memory_space<vmem>>
      %dma_start3A_282 = arith.constant 0 : i32
      %dma_start3A_283 = tpu.memref_slice %arg6[%dma_start3A_278, %dma_start3A_282] : memref<8x128xi32, #tpu.memory_space<vmem>> -> memref<1x128xi32, #tpu.memory_space<vmem>>
      %dma_start3A_284 = tpu.memref_squeeze %dma_start3A_283 : memref<1x128xi32, #tpu.memory_space<vmem>> -> memref<128xi32, #tpu.memory_space<vmem>>
      %dma_start3A_285 = arith.constant 0 : i32
      %dma_start3A_286 = arith.constant 0 : i32
      %dma_start3A_287 = tpu.memref_slice %arg2[%dma_start3A_285, %dma_start3A_286] : memref<100096x8xf32, #tpu.memory_space<hbm>> -> memref<100096x8xf32, #tpu.memory_space<hbm>>
      tpu.enqueue_indirect_dma source(%dma_start3A_287 : memref<100096x8xf32, #tpu.memory_space<hbm>>) target(%dma_start3A_281 : memref<128x8xf32, #tpu.memory_space<vmem>>) offsets(%dma_start3A_284 : memref<128xi32, #tpu.memory_space<vmem>>) semaphore(%arg13 : memref<!tpu.dma_semaphore, #tpu.memory_space<semaphore_mem>>)
      %dma_start3A_288 = arith.constant 4 : i32
      %dma_start3A_289 = arith.constant 512 : i32
      %dma_start3A_290 = arith.constant 0 : i32
      %dma_start3A_291 = tpu.memref_slice %arg8[%dma_start3A_289, %dma_start3A_290] : memref<1024x8xf32, #tpu.memory_space<vmem>> -> memref<128x8xf32, #tpu.memory_space<vmem>>
      %dma_start3A_292 = arith.constant 0 : i32
      %dma_start3A_293 = tpu.memref_slice %arg6[%dma_start3A_288, %dma_start3A_292] : memref<8x128xi32, #tpu.memory_space<vmem>> -> memref<1x128xi32, #tpu.memory_space<vmem>>
      %dma_start3A_294 = tpu.memref_squeeze %dma_start3A_293 : memref<1x128xi32, #tpu.memory_space<vmem>> -> memref<128xi32, #tpu.memory_space<vmem>>
      %dma_start3A_295 = arith.constant 0 : i32
      %dma_start3A_296 = arith.constant 0 : i32
      %dma_start3A_297 = tpu.memref_slice %arg2[%dma_start3A_295, %dma_start3A_296] : memref<100096x8xf32, #tpu.memory_space<hbm>> -> memref<100096x8xf32, #tpu.memory_space<hbm>>
      tpu.enqueue_indirect_dma source(%dma_start3A_297 : memref<100096x8xf32, #tpu.memory_space<hbm>>) target(%dma_start3A_291 : memref<128x8xf32, #tpu.memory_space<vmem>>) offsets(%dma_start3A_294 : memref<128xi32, #tpu.memory_space<vmem>>) semaphore(%arg13 : memref<!tpu.dma_semaphore, #tpu.memory_space<semaphore_mem>>)
      %dma_start3A_298 = arith.constant 5 : i32
      %dma_start3A_299 = arith.constant 640 : i32
      %dma_start3A_300 = arith.constant 0 : i32
      %dma_start3A_301 = tpu.memref_slice %arg8[%dma_start3A_299, %dma_start3A_300] : memref<1024x8xf32, #tpu.memory_space<vmem>> -> memref<128x8xf32, #tpu.memory_space<vmem>>
      %dma_start3A_302 = arith.constant 0 : i32
      %dma_start3A_303 = tpu.memref_slice %arg6[%dma_start3A_298, %dma_start3A_302] : memref<8x128xi32, #tpu.memory_space<vmem>> -> memref<1x128xi32, #tpu.memory_space<vmem>>
      %dma_start3A_304 = tpu.memref_squeeze %dma_start3A_303 : memref<1x128xi32, #tpu.memory_space<vmem>> -> memref<128xi32, #tpu.memory_space<vmem>>
      %dma_start3A_305 = arith.constant 0 : i32
      %dma_start3A_306 = arith.constant 0 : i32
      %dma_start3A_307 = tpu.memref_slice %arg2[%dma_start3A_305, %dma_start3A_306] : memref<100096x8xf32, #tpu.memory_space<hbm>> -> memref<100096x8xf32, #tpu.memory_space<hbm>>
      tpu.enqueue_indirect_dma source(%dma_start3A_307 : memref<100096x8xf32, #tpu.memory_space<hbm>>) target(%dma_start3A_301 : memref<128x8xf32, #tpu.memory_space<vmem>>) offsets(%dma_start3A_304 : memref<128xi32, #tpu.memory_space<vmem>>) semaphore(%arg13 : memref<!tpu.dma_semaphore, #tpu.memory_space<semaphore_mem>>)
      %dma_start3A_308 = arith.constant 6 : i32
      %dma_start3A_309 = arith.constant 768 : i32
      %dma_start3A_310 = arith.constant 0 : i32
      %dma_start3A_311 = tpu.memref_slice %arg8[%dma_start3A_309, %dma_start3A_310] : memref<1024x8xf32, #tpu.memory_space<vmem>> -> memref<128x8xf32, #tpu.memory_space<vmem>>
      %dma_start3A_312 = arith.constant 0 : i32
      %dma_start3A_313 = tpu.memref_slice %arg6[%dma_start3A_308, %dma_start3A_312] : memref<8x128xi32, #tpu.memory_space<vmem>> -> memref<1x128xi32, #tpu.memory_space<vmem>>
      %dma_start3A_314 = tpu.memref_squeeze %dma_start3A_313 : memref<1x128xi32, #tpu.memory_space<vmem>> -> memref<128xi32, #tpu.memory_space<vmem>>
      %dma_start3A_315 = arith.constant 0 : i32
      %dma_start3A_316 = arith.constant 0 : i32
      %dma_start3A_317 = tpu.memref_slice %arg2[%dma_start3A_315, %dma_start3A_316] : memref<100096x8xf32, #tpu.memory_space<hbm>> -> memref<100096x8xf32, #tpu.memory_space<hbm>>
      tpu.enqueue_indirect_dma source(%dma_start3A_317 : memref<100096x8xf32, #tpu.memory_space<hbm>>) target(%dma_start3A_311 : memref<128x8xf32, #tpu.memory_space<vmem>>) offsets(%dma_start3A_314 : memref<128xi32, #tpu.memory_space<vmem>>) semaphore(%arg13 : memref<!tpu.dma_semaphore, #tpu.memory_space<semaphore_mem>>)
      %dma_start3A_318 = arith.constant 7 : i32
      %dma_start3A_319 = arith.constant 896 : i32
      %dma_start3A_320 = arith.constant 0 : i32
      %dma_start3A_321 = tpu.memref_slice %arg8[%dma_start3A_319, %dma_start3A_320] : memref<1024x8xf32, #tpu.memory_space<vmem>> -> memref<128x8xf32, #tpu.memory_space<vmem>>
      %dma_start3A_322 = arith.constant 0 : i32
      %dma_start3A_323 = tpu.memref_slice %arg6[%dma_start3A_318, %dma_start3A_322] : memref<8x128xi32, #tpu.memory_space<vmem>> -> memref<1x128xi32, #tpu.memory_space<vmem>>
      %dma_start3A_324 = tpu.memref_squeeze %dma_start3A_323 : memref<1x128xi32, #tpu.memory_space<vmem>> -> memref<128xi32, #tpu.memory_space<vmem>>
      %dma_start3A_325 = arith.constant 0 : i32
      %dma_start3A_326 = arith.constant 0 : i32
      %dma_start3A_327 = tpu.memref_slice %arg2[%dma_start3A_325, %dma_start3A_326] : memref<100096x8xf32, #tpu.memory_space<hbm>> -> memref<100096x8xf32, #tpu.memory_space<hbm>>
      tpu.enqueue_indirect_dma source(%dma_start3A_327 : memref<100096x8xf32, #tpu.memory_space<hbm>>) target(%dma_start3A_321 : memref<128x8xf32, #tpu.memory_space<vmem>>) offsets(%dma_start3A_324 : memref<128xi32, #tpu.memory_space<vmem>>) semaphore(%arg13 : memref<!tpu.dma_semaphore, #tpu.memory_space<semaphore_mem>>)
      %dma_wait3A_328 = arith.constant 0 : i32
      %dma_wait3A_329 = arith.constant 0 : i32
      %dma_wait3A_330 = tpu.memref_slice %arg2[%dma_wait3A_328, %dma_wait3A_329] : memref<100096x8xf32, #tpu.memory_space<hbm>> -> memref<1024x8xf32, #tpu.memory_space<hbm>>
      %dma_wait3A_331 = arith.constant 0 : i32
      %dma_wait3A_332 = arith.constant 0 : i32
      %dma_wait3A_333 = tpu.memref_slice %arg2[%dma_wait3A_331, %dma_wait3A_332] : memref<100096x8xf32, #tpu.memory_space<hbm>> -> memref<1024x8xf32, #tpu.memory_space<hbm>>
      tpu.wait_dma2 semaphore(%arg14 : memref<!tpu.dma_semaphore, #tpu.memory_space<semaphore_mem>>) src(%dma_wait3A_333 : memref<1024x8xf32, #tpu.memory_space<hbm>>) dst(%arg11 : memref<1024x8xf32, #tpu.memory_space<vmem>>)
      %run_scoped3A_334 = arith.constant 0 : i32
      "tpu.region"() ({
        %run_scoped3A_342 = tpu.sem_alloc : memref<!tpu.dma_semaphore, #tpu.memory_space<semaphore_mem>>
        %dma_start3A_343 = arith.constant 0 : i32
        %dma_start3A_344 = arith.constant 0 : i32
        %dma_start3A_345 = tpu.memref_slice %arg11[%dma_start3A_343, %dma_start3A_344] : memref<1024x8xf32, #tpu.memory_space<vmem>> -> memref<128x8xf32, #tpu.memory_space<vmem>>
        %dma_start3A_346 = arith.constant 0 : i32
        %dma_start3A_347 = tpu.memref_slice %arg10[%run_scoped3A_334, %dma_start3A_346] : memref<8x128xi32, #tpu.memory_space<vmem>> -> memref<1x128xi32, #tpu.memory_space<vmem>>
        %dma_start3A_348 = tpu.memref_squeeze %dma_start3A_347 : memref<1x128xi32, #tpu.memory_space<vmem>> -> memref<128xi32, #tpu.memory_space<vmem>>
        %dma_start3A_349 = arith.constant 0 : i32
        %dma_start3A_350 = arith.constant 0 : i32
        %dma_start3A_351 = tpu.memref_slice %arg12[%dma_start3A_349, %dma_start3A_350] : memref<100096x8xf32, #tpu.memory_space<vmem_shared>> -> memref<100096x8xf32, #tpu.memory_space<vmem_shared>>
        tpu.enqueue_indirect_dma source(%dma_start3A_345 : memref<128x8xf32, #tpu.memory_space<vmem>>) target(%dma_start3A_351 : memref<100096x8xf32, #tpu.memory_space<vmem_shared>>) offsets(%dma_start3A_348 : memref<128xi32, #tpu.memory_space<vmem>>) semaphore(%run_scoped3A_342 : memref<!tpu.dma_semaphore, #tpu.memory_space<semaphore_mem>>) {add = true}
        %dma_wait3A_352 = arith.constant 0 : i32
        %dma_wait3A_353 = arith.constant 0 : i32
        %dma_wait3A_354 = tpu.memref_slice %arg11[%dma_wait3A_352, %dma_wait3A_353] : memref<1024x8xf32, #tpu.memory_space<vmem>> -> memref<128x8xf32, #tpu.memory_space<vmem>>
        %dma_wait3A_355 = arith.constant 0 : i32
        %dma_wait3A_356 = tpu.memref_slice %arg10[%run_scoped3A_334, %dma_wait3A_355] : memref<8x128xi32, #tpu.memory_space<vmem>> -> memref<1x128xi32, #tpu.memory_space<vmem>>
        %dma_wait3A_357 = tpu.memref_squeeze %dma_wait3A_356 : memref<1x128xi32, #tpu.memory_space<vmem>> -> memref<128xi32, #tpu.memory_space<vmem>>
        %dma_wait3A_358 = arith.constant 0 : i32
        %dma_wait3A_359 = arith.constant 0 : i32
        %dma_wait3A_360 = tpu.memref_slice %arg12[%dma_wait3A_358, %dma_wait3A_359] : memref<100096x8xf32, #tpu.memory_space<vmem_shared>> -> memref<100096x8xf32, #tpu.memory_space<vmem_shared>>
        tpu.wait_indirect_dma semaphore(%run_scoped3A_342 : memref<!tpu.dma_semaphore, #tpu.memory_space<semaphore_mem>>) src(%dma_wait3A_354 : memref<128x8xf32, #tpu.memory_space<vmem>>) dst(%dma_wait3A_360 : memref<100096x8xf32, #tpu.memory_space<vmem_shared>>)
        tpu.yield
      }) : () -> ()
      %run_scoped3A_335 = arith.constant 1 : i32
      "tpu.region"() ({
        %run_scoped3A_342 = tpu.sem_alloc : memref<!tpu.dma_semaphore, #tpu.memory_space<semaphore_mem>>
        %dma_start3A_343 = arith.constant 128 : i32
        %dma_start3A_344 = arith.constant 0 : i32
        %dma_start3A_345 = tpu.memref_slice %arg11[%dma_start3A_343, %dma_start3A_344] : memref<1024x8xf32, #tpu.memory_space<vmem>> -> memref<128x8xf32, #tpu.memory_space<vmem>>
        %dma_start3A_346 = arith.constant 0 : i32
        %dma_start3A_347 = tpu.memref_slice %arg10[%run_scoped3A_335, %dma_start3A_346] : memref<8x128xi32, #tpu.memory_space<vmem>> -> memref<1x128xi32, #tpu.memory_space<vmem>>
        %dma_start3A_348 = tpu.memref_squeeze %dma_start3A_347 : memref<1x128xi32, #tpu.memory_space<vmem>> -> memref<128xi32, #tpu.memory_space<vmem>>
        %dma_start3A_349 = arith.constant 0 : i32
        %dma_start3A_350 = arith.constant 0 : i32
        %dma_start3A_351 = tpu.memref_slice %arg12[%dma_start3A_349, %dma_start3A_350] : memref<100096x8xf32, #tpu.memory_space<vmem_shared>> -> memref<100096x8xf32, #tpu.memory_space<vmem_shared>>
        tpu.enqueue_indirect_dma source(%dma_start3A_345 : memref<128x8xf32, #tpu.memory_space<vmem>>) target(%dma_start3A_351 : memref<100096x8xf32, #tpu.memory_space<vmem_shared>>) offsets(%dma_start3A_348 : memref<128xi32, #tpu.memory_space<vmem>>) semaphore(%run_scoped3A_342 : memref<!tpu.dma_semaphore, #tpu.memory_space<semaphore_mem>>) {add = true}
        %dma_wait3A_352 = arith.constant 128 : i32
        %dma_wait3A_353 = arith.constant 0 : i32
        %dma_wait3A_354 = tpu.memref_slice %arg11[%dma_wait3A_352, %dma_wait3A_353] : memref<1024x8xf32, #tpu.memory_space<vmem>> -> memref<128x8xf32, #tpu.memory_space<vmem>>
        %dma_wait3A_355 = arith.constant 0 : i32
        %dma_wait3A_356 = tpu.memref_slice %arg10[%run_scoped3A_335, %dma_wait3A_355] : memref<8x128xi32, #tpu.memory_space<vmem>> -> memref<1x128xi32, #tpu.memory_space<vmem>>
        %dma_wait3A_357 = tpu.memref_squeeze %dma_wait3A_356 : memref<1x128xi32, #tpu.memory_space<vmem>> -> memref<128xi32, #tpu.memory_space<vmem>>
        %dma_wait3A_358 = arith.constant 0 : i32
        %dma_wait3A_359 = arith.constant 0 : i32
        %dma_wait3A_360 = tpu.memref_slice %arg12[%dma_wait3A_358, %dma_wait3A_359] : memref<100096x8xf32, #tpu.memory_space<vmem_shared>> -> memref<100096x8xf32, #tpu.memory_space<vmem_shared>>
        tpu.wait_indirect_dma semaphore(%run_scoped3A_342 : memref<!tpu.dma_semaphore, #tpu.memory_space<semaphore_mem>>) src(%dma_wait3A_354 : memref<128x8xf32, #tpu.memory_space<vmem>>) dst(%dma_wait3A_360 : memref<100096x8xf32, #tpu.memory_space<vmem_shared>>)
        tpu.yield
      }) : () -> ()
      %run_scoped3A_336 = arith.constant 2 : i32
      "tpu.region"() ({
        %run_scoped3A_342 = tpu.sem_alloc : memref<!tpu.dma_semaphore, #tpu.memory_space<semaphore_mem>>
        %dma_start3A_343 = arith.constant 256 : i32
        %dma_start3A_344 = arith.constant 0 : i32
        %dma_start3A_345 = tpu.memref_slice %arg11[%dma_start3A_343, %dma_start3A_344] : memref<1024x8xf32, #tpu.memory_space<vmem>> -> memref<128x8xf32, #tpu.memory_space<vmem>>
        %dma_start3A_346 = arith.constant 0 : i32
        %dma_start3A_347 = tpu.memref_slice %arg10[%run_scoped3A_336, %dma_start3A_346] : memref<8x128xi32, #tpu.memory_space<vmem>> -> memref<1x128xi32, #tpu.memory_space<vmem>>
        %dma_start3A_348 = tpu.memref_squeeze %dma_start3A_347 : memref<1x128xi32, #tpu.memory_space<vmem>> -> memref<128xi32, #tpu.memory_space<vmem>>
        %dma_start3A_349 = arith.constant 0 : i32
        %dma_start3A_350 = arith.constant 0 : i32
        %dma_start3A_351 = tpu.memref_slice %arg12[%dma_start3A_349, %dma_start3A_350] : memref<100096x8xf32, #tpu.memory_space<vmem_shared>> -> memref<100096x8xf32, #tpu.memory_space<vmem_shared>>
        tpu.enqueue_indirect_dma source(%dma_start3A_345 : memref<128x8xf32, #tpu.memory_space<vmem>>) target(%dma_start3A_351 : memref<100096x8xf32, #tpu.memory_space<vmem_shared>>) offsets(%dma_start3A_348 : memref<128xi32, #tpu.memory_space<vmem>>) semaphore(%run_scoped3A_342 : memref<!tpu.dma_semaphore, #tpu.memory_space<semaphore_mem>>) {add = true}
        %dma_wait3A_352 = arith.constant 256 : i32
        %dma_wait3A_353 = arith.constant 0 : i32
        %dma_wait3A_354 = tpu.memref_slice %arg11[%dma_wait3A_352, %dma_wait3A_353] : memref<1024x8xf32, #tpu.memory_space<vmem>> -> memref<128x8xf32, #tpu.memory_space<vmem>>
        %dma_wait3A_355 = arith.constant 0 : i32
        %dma_wait3A_356 = tpu.memref_slice %arg10[%run_scoped3A_336, %dma_wait3A_355] : memref<8x128xi32, #tpu.memory_space<vmem>> -> memref<1x128xi32, #tpu.memory_space<vmem>>
        %dma_wait3A_357 = tpu.memref_squeeze %dma_wait3A_356 : memref<1x128xi32, #tpu.memory_space<vmem>> -> memref<128xi32, #tpu.memory_space<vmem>>
        %dma_wait3A_358 = arith.constant 0 : i32
        %dma_wait3A_359 = arith.constant 0 : i32
        %dma_wait3A_360 = tpu.memref_slice %arg12[%dma_wait3A_358, %dma_wait3A_359] : memref<100096x8xf32, #tpu.memory_space<vmem_shared>> -> memref<100096x8xf32, #tpu.memory_space<vmem_shared>>
        tpu.wait_indirect_dma semaphore(%run_scoped3A_342 : memref<!tpu.dma_semaphore, #tpu.memory_space<semaphore_mem>>) src(%dma_wait3A_354 : memref<128x8xf32, #tpu.memory_space<vmem>>) dst(%dma_wait3A_360 : memref<100096x8xf32, #tpu.memory_space<vmem_shared>>)
        tpu.yield
      }) : () -> ()
      %run_scoped3A_337 = arith.constant 3 : i32
      "tpu.region"() ({
        %run_scoped3A_342 = tpu.sem_alloc : memref<!tpu.dma_semaphore, #tpu.memory_space<semaphore_mem>>
        %dma_start3A_343 = arith.constant 384 : i32
        %dma_start3A_344 = arith.constant 0 : i32
        %dma_start3A_345 = tpu.memref_slice %arg11[%dma_start3A_343, %dma_start3A_344] : memref<1024x8xf32, #tpu.memory_space<vmem>> -> memref<128x8xf32, #tpu.memory_space<vmem>>
        %dma_start3A_346 = arith.constant 0 : i32
        %dma_start3A_347 = tpu.memref_slice %arg10[%run_scoped3A_337, %dma_start3A_346] : memref<8x128xi32, #tpu.memory_space<vmem>> -> memref<1x128xi32, #tpu.memory_space<vmem>>
        %dma_start3A_348 = tpu.memref_squeeze %dma_start3A_347 : memref<1x128xi32, #tpu.memory_space<vmem>> -> memref<128xi32, #tpu.memory_space<vmem>>
        %dma_start3A_349 = arith.constant 0 : i32
        %dma_start3A_350 = arith.constant 0 : i32
        %dma_start3A_351 = tpu.memref_slice %arg12[%dma_start3A_349, %dma_start3A_350] : memref<100096x8xf32, #tpu.memory_space<vmem_shared>> -> memref<100096x8xf32, #tpu.memory_space<vmem_shared>>
        tpu.enqueue_indirect_dma source(%dma_start3A_345 : memref<128x8xf32, #tpu.memory_space<vmem>>) target(%dma_start3A_351 : memref<100096x8xf32, #tpu.memory_space<vmem_shared>>) offsets(%dma_start3A_348 : memref<128xi32, #tpu.memory_space<vmem>>) semaphore(%run_scoped3A_342 : memref<!tpu.dma_semaphore, #tpu.memory_space<semaphore_mem>>) {add = true}
        %dma_wait3A_352 = arith.constant 384 : i32
        %dma_wait3A_353 = arith.constant 0 : i32
        %dma_wait3A_354 = tpu.memref_slice %arg11[%dma_wait3A_352, %dma_wait3A_353] : memref<1024x8xf32, #tpu.memory_space<vmem>> -> memref<128x8xf32, #tpu.memory_space<vmem>>
        %dma_wait3A_355 = arith.constant 0 : i32
        %dma_wait3A_356 = tpu.memref_slice %arg10[%run_scoped3A_337, %dma_wait3A_355] : memref<8x128xi32, #tpu.memory_space<vmem>> -> memref<1x128xi32, #tpu.memory_space<vmem>>
        %dma_wait3A_357 = tpu.memref_squeeze %dma_wait3A_356 : memref<1x128xi32, #tpu.memory_space<vmem>> -> memref<128xi32, #tpu.memory_space<vmem>>
        %dma_wait3A_358 = arith.constant 0 : i32
        %dma_wait3A_359 = arith.constant 0 : i32
        %dma_wait3A_360 = tpu.memref_slice %arg12[%dma_wait3A_358, %dma_wait3A_359] : memref<100096x8xf32, #tpu.memory_space<vmem_shared>> -> memref<100096x8xf32, #tpu.memory_space<vmem_shared>>
        tpu.wait_indirect_dma semaphore(%run_scoped3A_342 : memref<!tpu.dma_semaphore, #tpu.memory_space<semaphore_mem>>) src(%dma_wait3A_354 : memref<128x8xf32, #tpu.memory_space<vmem>>) dst(%dma_wait3A_360 : memref<100096x8xf32, #tpu.memory_space<vmem_shared>>)
        tpu.yield
      }) : () -> ()
      %run_scoped3A_338 = arith.constant 4 : i32
      "tpu.region"() ({
        %run_scoped3A_342 = tpu.sem_alloc : memref<!tpu.dma_semaphore, #tpu.memory_space<semaphore_mem>>
        %dma_start3A_343 = arith.constant 512 : i32
        %dma_start3A_344 = arith.constant 0 : i32
        %dma_start3A_345 = tpu.memref_slice %arg11[%dma_start3A_343, %dma_start3A_344] : memref<1024x8xf32, #tpu.memory_space<vmem>> -> memref<128x8xf32, #tpu.memory_space<vmem>>
        %dma_start3A_346 = arith.constant 0 : i32
        %dma_start3A_347 = tpu.memref_slice %arg10[%run_scoped3A_338, %dma_start3A_346] : memref<8x128xi32, #tpu.memory_space<vmem>> -> memref<1x128xi32, #tpu.memory_space<vmem>>
        %dma_start3A_348 = tpu.memref_squeeze %dma_start3A_347 : memref<1x128xi32, #tpu.memory_space<vmem>> -> memref<128xi32, #tpu.memory_space<vmem>>
        %dma_start3A_349 = arith.constant 0 : i32
        %dma_start3A_350 = arith.constant 0 : i32
        %dma_start3A_351 = tpu.memref_slice %arg12[%dma_start3A_349, %dma_start3A_350] : memref<100096x8xf32, #tpu.memory_space<vmem_shared>> -> memref<100096x8xf32, #tpu.memory_space<vmem_shared>>
        tpu.enqueue_indirect_dma source(%dma_start3A_345 : memref<128x8xf32, #tpu.memory_space<vmem>>) target(%dma_start3A_351 : memref<100096x8xf32, #tpu.memory_space<vmem_shared>>) offsets(%dma_start3A_348 : memref<128xi32, #tpu.memory_space<vmem>>) semaphore(%run_scoped3A_342 : memref<!tpu.dma_semaphore, #tpu.memory_space<semaphore_mem>>) {add = true}
        %dma_wait3A_352 = arith.constant 512 : i32
        %dma_wait3A_353 = arith.constant 0 : i32
        %dma_wait3A_354 = tpu.memref_slice %arg11[%dma_wait3A_352, %dma_wait3A_353] : memref<1024x8xf32, #tpu.memory_space<vmem>> -> memref<128x8xf32, #tpu.memory_space<vmem>>
        %dma_wait3A_355 = arith.constant 0 : i32
        %dma_wait3A_356 = tpu.memref_slice %arg10[%run_scoped3A_338, %dma_wait3A_355] : memref<8x128xi32, #tpu.memory_space<vmem>> -> memref<1x128xi32, #tpu.memory_space<vmem>>
        %dma_wait3A_357 = tpu.memref_squeeze %dma_wait3A_356 : memref<1x128xi32, #tpu.memory_space<vmem>> -> memref<128xi32, #tpu.memory_space<vmem>>
        %dma_wait3A_358 = arith.constant 0 : i32
        %dma_wait3A_359 = arith.constant 0 : i32
        %dma_wait3A_360 = tpu.memref_slice %arg12[%dma_wait3A_358, %dma_wait3A_359] : memref<100096x8xf32, #tpu.memory_space<vmem_shared>> -> memref<100096x8xf32, #tpu.memory_space<vmem_shared>>
        tpu.wait_indirect_dma semaphore(%run_scoped3A_342 : memref<!tpu.dma_semaphore, #tpu.memory_space<semaphore_mem>>) src(%dma_wait3A_354 : memref<128x8xf32, #tpu.memory_space<vmem>>) dst(%dma_wait3A_360 : memref<100096x8xf32, #tpu.memory_space<vmem_shared>>)
        tpu.yield
      }) : () -> ()
      %run_scoped3A_339 = arith.constant 5 : i32
      "tpu.region"() ({
        %run_scoped3A_342 = tpu.sem_alloc : memref<!tpu.dma_semaphore, #tpu.memory_space<semaphore_mem>>
        %dma_start3A_343 = arith.constant 640 : i32
        %dma_start3A_344 = arith.constant 0 : i32
        %dma_start3A_345 = tpu.memref_slice %arg11[%dma_start3A_343, %dma_start3A_344] : memref<1024x8xf32, #tpu.memory_space<vmem>> -> memref<128x8xf32, #tpu.memory_space<vmem>>
        %dma_start3A_346 = arith.constant 0 : i32
        %dma_start3A_347 = tpu.memref_slice %arg10[%run_scoped3A_339, %dma_start3A_346] : memref<8x128xi32, #tpu.memory_space<vmem>> -> memref<1x128xi32, #tpu.memory_space<vmem>>
        %dma_start3A_348 = tpu.memref_squeeze %dma_start3A_347 : memref<1x128xi32, #tpu.memory_space<vmem>> -> memref<128xi32, #tpu.memory_space<vmem>>
        %dma_start3A_349 = arith.constant 0 : i32
        %dma_start3A_350 = arith.constant 0 : i32
        %dma_start3A_351 = tpu.memref_slice %arg12[%dma_start3A_349, %dma_start3A_350] : memref<100096x8xf32, #tpu.memory_space<vmem_shared>> -> memref<100096x8xf32, #tpu.memory_space<vmem_shared>>
        tpu.enqueue_indirect_dma source(%dma_start3A_345 : memref<128x8xf32, #tpu.memory_space<vmem>>) target(%dma_start3A_351 : memref<100096x8xf32, #tpu.memory_space<vmem_shared>>) offsets(%dma_start3A_348 : memref<128xi32, #tpu.memory_space<vmem>>) semaphore(%run_scoped3A_342 : memref<!tpu.dma_semaphore, #tpu.memory_space<semaphore_mem>>) {add = true}
        %dma_wait3A_352 = arith.constant 640 : i32
        %dma_wait3A_353 = arith.constant 0 : i32
        %dma_wait3A_354 = tpu.memref_slice %arg11[%dma_wait3A_352, %dma_wait3A_353] : memref<1024x8xf32, #tpu.memory_space<vmem>> -> memref<128x8xf32, #tpu.memory_space<vmem>>
        %dma_wait3A_355 = arith.constant 0 : i32
        %dma_wait3A_356 = tpu.memref_slice %arg10[%run_scoped3A_339, %dma_wait3A_355] : memref<8x128xi32, #tpu.memory_space<vmem>> -> memref<1x128xi32, #tpu.memory_space<vmem>>
        %dma_wait3A_357 = tpu.memref_squeeze %dma_wait3A_356 : memref<1x128xi32, #tpu.memory_space<vmem>> -> memref<128xi32, #tpu.memory_space<vmem>>
        %dma_wait3A_358 = arith.constant 0 : i32
        %dma_wait3A_359 = arith.constant 0 : i32
        %dma_wait3A_360 = tpu.memref_slice %arg12[%dma_wait3A_358, %dma_wait3A_359] : memref<100096x8xf32, #tpu.memory_space<vmem_shared>> -> memref<100096x8xf32, #tpu.memory_space<vmem_shared>>
        tpu.wait_indirect_dma semaphore(%run_scoped3A_342 : memref<!tpu.dma_semaphore, #tpu.memory_space<semaphore_mem>>) src(%dma_wait3A_354 : memref<128x8xf32, #tpu.memory_space<vmem>>) dst(%dma_wait3A_360 : memref<100096x8xf32, #tpu.memory_space<vmem_shared>>)
        tpu.yield
      }) : () -> ()
      %run_scoped3A_340 = arith.constant 6 : i32
      "tpu.region"() ({
        %run_scoped3A_342 = tpu.sem_alloc : memref<!tpu.dma_semaphore, #tpu.memory_space<semaphore_mem>>
        %dma_start3A_343 = arith.constant 768 : i32
        %dma_start3A_344 = arith.constant 0 : i32
        %dma_start3A_345 = tpu.memref_slice %arg11[%dma_start3A_343, %dma_start3A_344] : memref<1024x8xf32, #tpu.memory_space<vmem>> -> memref<128x8xf32, #tpu.memory_space<vmem>>
        %dma_start3A_346 = arith.constant 0 : i32
        %dma_start3A_347 = tpu.memref_slice %arg10[%run_scoped3A_340, %dma_start3A_346] : memref<8x128xi32, #tpu.memory_space<vmem>> -> memref<1x128xi32, #tpu.memory_space<vmem>>
        %dma_start3A_348 = tpu.memref_squeeze %dma_start3A_347 : memref<1x128xi32, #tpu.memory_space<vmem>> -> memref<128xi32, #tpu.memory_space<vmem>>
        %dma_start3A_349 = arith.constant 0 : i32
        %dma_start3A_350 = arith.constant 0 : i32
        %dma_start3A_351 = tpu.memref_slice %arg12[%dma_start3A_349, %dma_start3A_350] : memref<100096x8xf32, #tpu.memory_space<vmem_shared>> -> memref<100096x8xf32, #tpu.memory_space<vmem_shared>>
        tpu.enqueue_indirect_dma source(%dma_start3A_345 : memref<128x8xf32, #tpu.memory_space<vmem>>) target(%dma_start3A_351 : memref<100096x8xf32, #tpu.memory_space<vmem_shared>>) offsets(%dma_start3A_348 : memref<128xi32, #tpu.memory_space<vmem>>) semaphore(%run_scoped3A_342 : memref<!tpu.dma_semaphore, #tpu.memory_space<semaphore_mem>>) {add = true}
        %dma_wait3A_352 = arith.constant 768 : i32
        %dma_wait3A_353 = arith.constant 0 : i32
        %dma_wait3A_354 = tpu.memref_slice %arg11[%dma_wait3A_352, %dma_wait3A_353] : memref<1024x8xf32, #tpu.memory_space<vmem>> -> memref<128x8xf32, #tpu.memory_space<vmem>>
        %dma_wait3A_355 = arith.constant 0 : i32
        %dma_wait3A_356 = tpu.memref_slice %arg10[%run_scoped3A_340, %dma_wait3A_355] : memref<8x128xi32, #tpu.memory_space<vmem>> -> memref<1x128xi32, #tpu.memory_space<vmem>>
        %dma_wait3A_357 = tpu.memref_squeeze %dma_wait3A_356 : memref<1x128xi32, #tpu.memory_space<vmem>> -> memref<128xi32, #tpu.memory_space<vmem>>
        %dma_wait3A_358 = arith.constant 0 : i32
        %dma_wait3A_359 = arith.constant 0 : i32
        %dma_wait3A_360 = tpu.memref_slice %arg12[%dma_wait3A_358, %dma_wait3A_359] : memref<100096x8xf32, #tpu.memory_space<vmem_shared>> -> memref<100096x8xf32, #tpu.memory_space<vmem_shared>>
        tpu.wait_indirect_dma semaphore(%run_scoped3A_342 : memref<!tpu.dma_semaphore, #tpu.memory_space<semaphore_mem>>) src(%dma_wait3A_354 : memref<128x8xf32, #tpu.memory_space<vmem>>) dst(%dma_wait3A_360 : memref<100096x8xf32, #tpu.memory_space<vmem_shared>>)
        tpu.yield
      }) : () -> ()
      %run_scoped3A_341 = arith.constant 7 : i32
      "tpu.region"() ({
        %run_scoped3A_342 = tpu.sem_alloc : memref<!tpu.dma_semaphore, #tpu.memory_space<semaphore_mem>>
        %dma_start3A_343 = arith.constant 896 : i32
        %dma_start3A_344 = arith.constant 0 : i32
        %dma_start3A_345 = tpu.memref_slice %arg11[%dma_start3A_343, %dma_start3A_344] : memref<1024x8xf32, #tpu.memory_space<vmem>> -> memref<128x8xf32, #tpu.memory_space<vmem>>
        %dma_start3A_346 = arith.constant 0 : i32
        %dma_start3A_347 = tpu.memref_slice %arg10[%run_scoped3A_341, %dma_start3A_346] : memref<8x128xi32, #tpu.memory_space<vmem>> -> memref<1x128xi32, #tpu.memory_space<vmem>>
        %dma_start3A_348 = tpu.memref_squeeze %dma_start3A_347 : memref<1x128xi32, #tpu.memory_space<vmem>> -> memref<128xi32, #tpu.memory_space<vmem>>
        %dma_start3A_349 = arith.constant 0 : i32
        %dma_start3A_350 = arith.constant 0 : i32
        %dma_start3A_351 = tpu.memref_slice %arg12[%dma_start3A_349, %dma_start3A_350] : memref<100096x8xf32, #tpu.memory_space<vmem_shared>> -> memref<100096x8xf32, #tpu.memory_space<vmem_shared>>
        tpu.enqueue_indirect_dma source(%dma_start3A_345 : memref<128x8xf32, #tpu.memory_space<vmem>>) target(%dma_start3A_351 : memref<100096x8xf32, #tpu.memory_space<vmem_shared>>) offsets(%dma_start3A_348 : memref<128xi32, #tpu.memory_space<vmem>>) semaphore(%run_scoped3A_342 : memref<!tpu.dma_semaphore, #tpu.memory_space<semaphore_mem>>) {add = true}
        %dma_wait3A_352 = arith.constant 896 : i32
        %dma_wait3A_353 = arith.constant 0 : i32
        %dma_wait3A_354 = tpu.memref_slice %arg11[%dma_wait3A_352, %dma_wait3A_353] : memref<1024x8xf32, #tpu.memory_space<vmem>> -> memref<128x8xf32, #tpu.memory_space<vmem>>
        %dma_wait3A_355 = arith.constant 0 : i32
        %dma_wait3A_356 = tpu.memref_slice %arg10[%run_scoped3A_341, %dma_wait3A_355] : memref<8x128xi32, #tpu.memory_space<vmem>> -> memref<1x128xi32, #tpu.memory_space<vmem>>
        %dma_wait3A_357 = tpu.memref_squeeze %dma_wait3A_356 : memref<1x128xi32, #tpu.memory_space<vmem>> -> memref<128xi32, #tpu.memory_space<vmem>>
        %dma_wait3A_358 = arith.constant 0 : i32
        %dma_wait3A_359 = arith.constant 0 : i32
        %dma_wait3A_360 = tpu.memref_slice %arg12[%dma_wait3A_358, %dma_wait3A_359] : memref<100096x8xf32, #tpu.memory_space<vmem_shared>> -> memref<100096x8xf32, #tpu.memory_space<vmem_shared>>
        tpu.wait_indirect_dma semaphore(%run_scoped3A_342 : memref<!tpu.dma_semaphore, #tpu.memory_space<semaphore_mem>>) src(%dma_wait3A_354 : memref<128x8xf32, #tpu.memory_space<vmem>>) dst(%dma_wait3A_360 : memref<100096x8xf32, #tpu.memory_space<vmem_shared>>)
        tpu.yield
      }) : () -> ()
    }
    %scan3A_95 = arith.constant 97 : i32
    %dma_wait3A = arith.constant 0 : i32
    %dma_wait3A_96 = arith.constant 0 : i32
    %dma_wait3A_97 = tpu.memref_slice %arg2[%dma_wait3A, %dma_wait3A_96] : memref<100096x8xf32, #tpu.memory_space<hbm>> -> memref<1024x8xf32, #tpu.memory_space<hbm>>
    %dma_wait3A_98 = arith.constant 0 : i32
    %dma_wait3A_99 = arith.constant 0 : i32
    %dma_wait3A_100 = tpu.memref_slice %arg2[%dma_wait3A_98, %dma_wait3A_99] : memref<100096x8xf32, #tpu.memory_space<hbm>> -> memref<1024x8xf32, #tpu.memory_space<hbm>>
    tpu.wait_dma2 semaphore(%arg13 : memref<!tpu.dma_semaphore, #tpu.memory_space<semaphore_mem>>) src(%dma_wait3A_100 : memref<1024x8xf32, #tpu.memory_space<hbm>>) dst(%arg8 : memref<1024x8xf32, #tpu.memory_space<vmem>>)
    %run_scoped3A_101 = arith.constant 0 : i32
    "tpu.region"() ({
      %run_scoped3A_131 = tpu.sem_alloc : memref<!tpu.dma_semaphore, #tpu.memory_space<semaphore_mem>>
      %dma_start3A_132 = arith.constant 0 : i32
      %dma_start3A_133 = arith.constant 0 : i32
      %dma_start3A_134 = tpu.memref_slice %arg8[%dma_start3A_132, %dma_start3A_133] : memref<1024x8xf32, #tpu.memory_space<vmem>> -> memref<128x8xf32, #tpu.memory_space<vmem>>
      %dma_start3A_135 = arith.constant 0 : i32
      %dma_start3A_136 = tpu.memref_slice %arg7[%run_scoped3A_101, %dma_start3A_135] : memref<8x128xi32, #tpu.memory_space<vmem>> -> memref<1x128xi32, #tpu.memory_space<vmem>>
      %dma_start3A_137 = tpu.memref_squeeze %dma_start3A_136 : memref<1x128xi32, #tpu.memory_space<vmem>> -> memref<128xi32, #tpu.memory_space<vmem>>
      %dma_start3A_138 = arith.constant 0 : i32
      %dma_start3A_139 = arith.constant 0 : i32
      %dma_start3A_140 = tpu.memref_slice %arg12[%dma_start3A_138, %dma_start3A_139] : memref<100096x8xf32, #tpu.memory_space<vmem_shared>> -> memref<100096x8xf32, #tpu.memory_space<vmem_shared>>
      tpu.enqueue_indirect_dma source(%dma_start3A_134 : memref<128x8xf32, #tpu.memory_space<vmem>>) target(%dma_start3A_140 : memref<100096x8xf32, #tpu.memory_space<vmem_shared>>) offsets(%dma_start3A_137 : memref<128xi32, #tpu.memory_space<vmem>>) semaphore(%run_scoped3A_131 : memref<!tpu.dma_semaphore, #tpu.memory_space<semaphore_mem>>) {add = true}
      %dma_wait3A_141 = arith.constant 0 : i32
      %dma_wait3A_142 = arith.constant 0 : i32
      %dma_wait3A_143 = tpu.memref_slice %arg8[%dma_wait3A_141, %dma_wait3A_142] : memref<1024x8xf32, #tpu.memory_space<vmem>> -> memref<128x8xf32, #tpu.memory_space<vmem>>
      %dma_wait3A_144 = arith.constant 0 : i32
      %dma_wait3A_145 = tpu.memref_slice %arg7[%run_scoped3A_101, %dma_wait3A_144] : memref<8x128xi32, #tpu.memory_space<vmem>> -> memref<1x128xi32, #tpu.memory_space<vmem>>
      %dma_wait3A_146 = tpu.memref_squeeze %dma_wait3A_145 : memref<1x128xi32, #tpu.memory_space<vmem>> -> memref<128xi32, #tpu.memory_space<vmem>>
      %dma_wait3A_147 = arith.constant 0 : i32
      %dma_wait3A_148 = arith.constant 0 : i32
      %dma_wait3A_149 = tpu.memref_slice %arg12[%dma_wait3A_147, %dma_wait3A_148] : memref<100096x8xf32, #tpu.memory_space<vmem_shared>> -> memref<100096x8xf32, #tpu.memory_space<vmem_shared>>
      tpu.wait_indirect_dma semaphore(%run_scoped3A_131 : memref<!tpu.dma_semaphore, #tpu.memory_space<semaphore_mem>>) src(%dma_wait3A_143 : memref<128x8xf32, #tpu.memory_space<vmem>>) dst(%dma_wait3A_149 : memref<100096x8xf32, #tpu.memory_space<vmem_shared>>)
      tpu.yield
    }) : () -> ()
    %run_scoped3A_102 = arith.constant 1 : i32
    "tpu.region"() ({
      %run_scoped3A_131 = tpu.sem_alloc : memref<!tpu.dma_semaphore, #tpu.memory_space<semaphore_mem>>
      %dma_start3A_132 = arith.constant 128 : i32
      %dma_start3A_133 = arith.constant 0 : i32
      %dma_start3A_134 = tpu.memref_slice %arg8[%dma_start3A_132, %dma_start3A_133] : memref<1024x8xf32, #tpu.memory_space<vmem>> -> memref<128x8xf32, #tpu.memory_space<vmem>>
      %dma_start3A_135 = arith.constant 0 : i32
      %dma_start3A_136 = tpu.memref_slice %arg7[%run_scoped3A_102, %dma_start3A_135] : memref<8x128xi32, #tpu.memory_space<vmem>> -> memref<1x128xi32, #tpu.memory_space<vmem>>
      %dma_start3A_137 = tpu.memref_squeeze %dma_start3A_136 : memref<1x128xi32, #tpu.memory_space<vmem>> -> memref<128xi32, #tpu.memory_space<vmem>>
      %dma_start3A_138 = arith.constant 0 : i32
      %dma_start3A_139 = arith.constant 0 : i32
      %dma_start3A_140 = tpu.memref_slice %arg12[%dma_start3A_138, %dma_start3A_139] : memref<100096x8xf32, #tpu.memory_space<vmem_shared>> -> memref<100096x8xf32, #tpu.memory_space<vmem_shared>>
      tpu.enqueue_indirect_dma source(%dma_start3A_134 : memref<128x8xf32, #tpu.memory_space<vmem>>) target(%dma_start3A_140 : memref<100096x8xf32, #tpu.memory_space<vmem_shared>>) offsets(%dma_start3A_137 : memref<128xi32, #tpu.memory_space<vmem>>) semaphore(%run_scoped3A_131 : memref<!tpu.dma_semaphore, #tpu.memory_space<semaphore_mem>>) {add = true}
      %dma_wait3A_141 = arith.constant 128 : i32
      %dma_wait3A_142 = arith.constant 0 : i32
      %dma_wait3A_143 = tpu.memref_slice %arg8[%dma_wait3A_141, %dma_wait3A_142] : memref<1024x8xf32, #tpu.memory_space<vmem>> -> memref<128x8xf32, #tpu.memory_space<vmem>>
      %dma_wait3A_144 = arith.constant 0 : i32
      %dma_wait3A_145 = tpu.memref_slice %arg7[%run_scoped3A_102, %dma_wait3A_144] : memref<8x128xi32, #tpu.memory_space<vmem>> -> memref<1x128xi32, #tpu.memory_space<vmem>>
      %dma_wait3A_146 = tpu.memref_squeeze %dma_wait3A_145 : memref<1x128xi32, #tpu.memory_space<vmem>> -> memref<128xi32, #tpu.memory_space<vmem>>
      %dma_wait3A_147 = arith.constant 0 : i32
      %dma_wait3A_148 = arith.constant 0 : i32
      %dma_wait3A_149 = tpu.memref_slice %arg12[%dma_wait3A_147, %dma_wait3A_148] : memref<100096x8xf32, #tpu.memory_space<vmem_shared>> -> memref<100096x8xf32, #tpu.memory_space<vmem_shared>>
      tpu.wait_indirect_dma semaphore(%run_scoped3A_131 : memref<!tpu.dma_semaphore, #tpu.memory_space<semaphore_mem>>) src(%dma_wait3A_143 : memref<128x8xf32, #tpu.memory_space<vmem>>) dst(%dma_wait3A_149 : memref<100096x8xf32, #tpu.memory_space<vmem_shared>>)
      tpu.yield
    }) : () -> ()
    %run_scoped3A_103 = arith.constant 2 : i32
    "tpu.region"() ({
      %run_scoped3A_131 = tpu.sem_alloc : memref<!tpu.dma_semaphore, #tpu.memory_space<semaphore_mem>>
      %dma_start3A_132 = arith.constant 256 : i32
      %dma_start3A_133 = arith.constant 0 : i32
      %dma_start3A_134 = tpu.memref_slice %arg8[%dma_start3A_132, %dma_start3A_133] : memref<1024x8xf32, #tpu.memory_space<vmem>> -> memref<128x8xf32, #tpu.memory_space<vmem>>
      %dma_start3A_135 = arith.constant 0 : i32
      %dma_start3A_136 = tpu.memref_slice %arg7[%run_scoped3A_103, %dma_start3A_135] : memref<8x128xi32, #tpu.memory_space<vmem>> -> memref<1x128xi32, #tpu.memory_space<vmem>>
      %dma_start3A_137 = tpu.memref_squeeze %dma_start3A_136 : memref<1x128xi32, #tpu.memory_space<vmem>> -> memref<128xi32, #tpu.memory_space<vmem>>
      %dma_start3A_138 = arith.constant 0 : i32
      %dma_start3A_139 = arith.constant 0 : i32
      %dma_start3A_140 = tpu.memref_slice %arg12[%dma_start3A_138, %dma_start3A_139] : memref<100096x8xf32, #tpu.memory_space<vmem_shared>> -> memref<100096x8xf32, #tpu.memory_space<vmem_shared>>
      tpu.enqueue_indirect_dma source(%dma_start3A_134 : memref<128x8xf32, #tpu.memory_space<vmem>>) target(%dma_start3A_140 : memref<100096x8xf32, #tpu.memory_space<vmem_shared>>) offsets(%dma_start3A_137 : memref<128xi32, #tpu.memory_space<vmem>>) semaphore(%run_scoped3A_131 : memref<!tpu.dma_semaphore, #tpu.memory_space<semaphore_mem>>) {add = true}
      %dma_wait3A_141 = arith.constant 256 : i32
      %dma_wait3A_142 = arith.constant 0 : i32
      %dma_wait3A_143 = tpu.memref_slice %arg8[%dma_wait3A_141, %dma_wait3A_142] : memref<1024x8xf32, #tpu.memory_space<vmem>> -> memref<128x8xf32, #tpu.memory_space<vmem>>
      %dma_wait3A_144 = arith.constant 0 : i32
      %dma_wait3A_145 = tpu.memref_slice %arg7[%run_scoped3A_103, %dma_wait3A_144] : memref<8x128xi32, #tpu.memory_space<vmem>> -> memref<1x128xi32, #tpu.memory_space<vmem>>
      %dma_wait3A_146 = tpu.memref_squeeze %dma_wait3A_145 : memref<1x128xi32, #tpu.memory_space<vmem>> -> memref<128xi32, #tpu.memory_space<vmem>>
      %dma_wait3A_147 = arith.constant 0 : i32
      %dma_wait3A_148 = arith.constant 0 : i32
      %dma_wait3A_149 = tpu.memref_slice %arg12[%dma_wait3A_147, %dma_wait3A_148] : memref<100096x8xf32, #tpu.memory_space<vmem_shared>> -> memref<100096x8xf32, #tpu.memory_space<vmem_shared>>
      tpu.wait_indirect_dma semaphore(%run_scoped3A_131 : memref<!tpu.dma_semaphore, #tpu.memory_space<semaphore_mem>>) src(%dma_wait3A_143 : memref<128x8xf32, #tpu.memory_space<vmem>>) dst(%dma_wait3A_149 : memref<100096x8xf32, #tpu.memory_space<vmem_shared>>)
      tpu.yield
    }) : () -> ()
    %run_scoped3A_104 = arith.constant 3 : i32
    "tpu.region"() ({
      %run_scoped3A_131 = tpu.sem_alloc : memref<!tpu.dma_semaphore, #tpu.memory_space<semaphore_mem>>
      %dma_start3A_132 = arith.constant 384 : i32
      %dma_start3A_133 = arith.constant 0 : i32
      %dma_start3A_134 = tpu.memref_slice %arg8[%dma_start3A_132, %dma_start3A_133] : memref<1024x8xf32, #tpu.memory_space<vmem>> -> memref<128x8xf32, #tpu.memory_space<vmem>>
      %dma_start3A_135 = arith.constant 0 : i32
      %dma_start3A_136 = tpu.memref_slice %arg7[%run_scoped3A_104, %dma_start3A_135] : memref<8x128xi32, #tpu.memory_space<vmem>> -> memref<1x128xi32, #tpu.memory_space<vmem>>
      %dma_start3A_137 = tpu.memref_squeeze %dma_start3A_136 : memref<1x128xi32, #tpu.memory_space<vmem>> -> memref<128xi32, #tpu.memory_space<vmem>>
      %dma_start3A_138 = arith.constant 0 : i32
      %dma_start3A_139 = arith.constant 0 : i32
      %dma_start3A_140 = tpu.memref_slice %arg12[%dma_start3A_138, %dma_start3A_139] : memref<100096x8xf32, #tpu.memory_space<vmem_shared>> -> memref<100096x8xf32, #tpu.memory_space<vmem_shared>>
      tpu.enqueue_indirect_dma source(%dma_start3A_134 : memref<128x8xf32, #tpu.memory_space<vmem>>) target(%dma_start3A_140 : memref<100096x8xf32, #tpu.memory_space<vmem_shared>>) offsets(%dma_start3A_137 : memref<128xi32, #tpu.memory_space<vmem>>) semaphore(%run_scoped3A_131 : memref<!tpu.dma_semaphore, #tpu.memory_space<semaphore_mem>>) {add = true}
      %dma_wait3A_141 = arith.constant 384 : i32
      %dma_wait3A_142 = arith.constant 0 : i32
      %dma_wait3A_143 = tpu.memref_slice %arg8[%dma_wait3A_141, %dma_wait3A_142] : memref<1024x8xf32, #tpu.memory_space<vmem>> -> memref<128x8xf32, #tpu.memory_space<vmem>>
      %dma_wait3A_144 = arith.constant 0 : i32
      %dma_wait3A_145 = tpu.memref_slice %arg7[%run_scoped3A_104, %dma_wait3A_144] : memref<8x128xi32, #tpu.memory_space<vmem>> -> memref<1x128xi32, #tpu.memory_space<vmem>>
      %dma_wait3A_146 = tpu.memref_squeeze %dma_wait3A_145 : memref<1x128xi32, #tpu.memory_space<vmem>> -> memref<128xi32, #tpu.memory_space<vmem>>
      %dma_wait3A_147 = arith.constant 0 : i32
      %dma_wait3A_148 = arith.constant 0 : i32
      %dma_wait3A_149 = tpu.memref_slice %arg12[%dma_wait3A_147, %dma_wait3A_148] : memref<100096x8xf32, #tpu.memory_space<vmem_shared>> -> memref<100096x8xf32, #tpu.memory_space<vmem_shared>>
      tpu.wait_indirect_dma semaphore(%run_scoped3A_131 : memref<!tpu.dma_semaphore, #tpu.memory_space<semaphore_mem>>) src(%dma_wait3A_143 : memref<128x8xf32, #tpu.memory_space<vmem>>) dst(%dma_wait3A_149 : memref<100096x8xf32, #tpu.memory_space<vmem_shared>>)
      tpu.yield
    }) : () -> ()
    %run_scoped3A_105 = arith.constant 4 : i32
    "tpu.region"() ({
      %run_scoped3A_131 = tpu.sem_alloc : memref<!tpu.dma_semaphore, #tpu.memory_space<semaphore_mem>>
      %dma_start3A_132 = arith.constant 512 : i32
      %dma_start3A_133 = arith.constant 0 : i32
      %dma_start3A_134 = tpu.memref_slice %arg8[%dma_start3A_132, %dma_start3A_133] : memref<1024x8xf32, #tpu.memory_space<vmem>> -> memref<128x8xf32, #tpu.memory_space<vmem>>
      %dma_start3A_135 = arith.constant 0 : i32
      %dma_start3A_136 = tpu.memref_slice %arg7[%run_scoped3A_105, %dma_start3A_135] : memref<8x128xi32, #tpu.memory_space<vmem>> -> memref<1x128xi32, #tpu.memory_space<vmem>>
      %dma_start3A_137 = tpu.memref_squeeze %dma_start3A_136 : memref<1x128xi32, #tpu.memory_space<vmem>> -> memref<128xi32, #tpu.memory_space<vmem>>
      %dma_start3A_138 = arith.constant 0 : i32
      %dma_start3A_139 = arith.constant 0 : i32
      %dma_start3A_140 = tpu.memref_slice %arg12[%dma_start3A_138, %dma_start3A_139] : memref<100096x8xf32, #tpu.memory_space<vmem_shared>> -> memref<100096x8xf32, #tpu.memory_space<vmem_shared>>
      tpu.enqueue_indirect_dma source(%dma_start3A_134 : memref<128x8xf32, #tpu.memory_space<vmem>>) target(%dma_start3A_140 : memref<100096x8xf32, #tpu.memory_space<vmem_shared>>) offsets(%dma_start3A_137 : memref<128xi32, #tpu.memory_space<vmem>>) semaphore(%run_scoped3A_131 : memref<!tpu.dma_semaphore, #tpu.memory_space<semaphore_mem>>) {add = true}
      %dma_wait3A_141 = arith.constant 512 : i32
      %dma_wait3A_142 = arith.constant 0 : i32
      %dma_wait3A_143 = tpu.memref_slice %arg8[%dma_wait3A_141, %dma_wait3A_142] : memref<1024x8xf32, #tpu.memory_space<vmem>> -> memref<128x8xf32, #tpu.memory_space<vmem>>
      %dma_wait3A_144 = arith.constant 0 : i32
      %dma_wait3A_145 = tpu.memref_slice %arg7[%run_scoped3A_105, %dma_wait3A_144] : memref<8x128xi32, #tpu.memory_space<vmem>> -> memref<1x128xi32, #tpu.memory_space<vmem>>
      %dma_wait3A_146 = tpu.memref_squeeze %dma_wait3A_145 : memref<1x128xi32, #tpu.memory_space<vmem>> -> memref<128xi32, #tpu.memory_space<vmem>>
      %dma_wait3A_147 = arith.constant 0 : i32
      %dma_wait3A_148 = arith.constant 0 : i32
      %dma_wait3A_149 = tpu.memref_slice %arg12[%dma_wait3A_147, %dma_wait3A_148] : memref<100096x8xf32, #tpu.memory_space<vmem_shared>> -> memref<100096x8xf32, #tpu.memory_space<vmem_shared>>
      tpu.wait_indirect_dma semaphore(%run_scoped3A_131 : memref<!tpu.dma_semaphore, #tpu.memory_space<semaphore_mem>>) src(%dma_wait3A_143 : memref<128x8xf32, #tpu.memory_space<vmem>>) dst(%dma_wait3A_149 : memref<100096x8xf32, #tpu.memory_space<vmem_shared>>)
      tpu.yield
    }) : () -> ()
    %run_scoped3A_106 = arith.constant 5 : i32
    "tpu.region"() ({
      %run_scoped3A_131 = tpu.sem_alloc : memref<!tpu.dma_semaphore, #tpu.memory_space<semaphore_mem>>
      %dma_start3A_132 = arith.constant 640 : i32
      %dma_start3A_133 = arith.constant 0 : i32
      %dma_start3A_134 = tpu.memref_slice %arg8[%dma_start3A_132, %dma_start3A_133] : memref<1024x8xf32, #tpu.memory_space<vmem>> -> memref<128x8xf32, #tpu.memory_space<vmem>>
      %dma_start3A_135 = arith.constant 0 : i32
      %dma_start3A_136 = tpu.memref_slice %arg7[%run_scoped3A_106, %dma_start3A_135] : memref<8x128xi32, #tpu.memory_space<vmem>> -> memref<1x128xi32, #tpu.memory_space<vmem>>
      %dma_start3A_137 = tpu.memref_squeeze %dma_start3A_136 : memref<1x128xi32, #tpu.memory_space<vmem>> -> memref<128xi32, #tpu.memory_space<vmem>>
      %dma_start3A_138 = arith.constant 0 : i32
      %dma_start3A_139 = arith.constant 0 : i32
      %dma_start3A_140 = tpu.memref_slice %arg12[%dma_start3A_138, %dma_start3A_139] : memref<100096x8xf32, #tpu.memory_space<vmem_shared>> -> memref<100096x8xf32, #tpu.memory_space<vmem_shared>>
      tpu.enqueue_indirect_dma source(%dma_start3A_134 : memref<128x8xf32, #tpu.memory_space<vmem>>) target(%dma_start3A_140 : memref<100096x8xf32, #tpu.memory_space<vmem_shared>>) offsets(%dma_start3A_137 : memref<128xi32, #tpu.memory_space<vmem>>) semaphore(%run_scoped3A_131 : memref<!tpu.dma_semaphore, #tpu.memory_space<semaphore_mem>>) {add = true}
      %dma_wait3A_141 = arith.constant 640 : i32
      %dma_wait3A_142 = arith.constant 0 : i32
      %dma_wait3A_143 = tpu.memref_slice %arg8[%dma_wait3A_141, %dma_wait3A_142] : memref<1024x8xf32, #tpu.memory_space<vmem>> -> memref<128x8xf32, #tpu.memory_space<vmem>>
      %dma_wait3A_144 = arith.constant 0 : i32
      %dma_wait3A_145 = tpu.memref_slice %arg7[%run_scoped3A_106, %dma_wait3A_144] : memref<8x128xi32, #tpu.memory_space<vmem>> -> memref<1x128xi32, #tpu.memory_space<vmem>>
      %dma_wait3A_146 = tpu.memref_squeeze %dma_wait3A_145 : memref<1x128xi32, #tpu.memory_space<vmem>> -> memref<128xi32, #tpu.memory_space<vmem>>
      %dma_wait3A_147 = arith.constant 0 : i32
      %dma_wait3A_148 = arith.constant 0 : i32
      %dma_wait3A_149 = tpu.memref_slice %arg12[%dma_wait3A_147, %dma_wait3A_148] : memref<100096x8xf32, #tpu.memory_space<vmem_shared>> -> memref<100096x8xf32, #tpu.memory_space<vmem_shared>>
      tpu.wait_indirect_dma semaphore(%run_scoped3A_131 : memref<!tpu.dma_semaphore, #tpu.memory_space<semaphore_mem>>) src(%dma_wait3A_143 : memref<128x8xf32, #tpu.memory_space<vmem>>) dst(%dma_wait3A_149 : memref<100096x8xf32, #tpu.memory_space<vmem_shared>>)
      tpu.yield
    }) : () -> ()
    %run_scoped3A_107 = arith.constant 6 : i32
    "tpu.region"() ({
      %run_scoped3A_131 = tpu.sem_alloc : memref<!tpu.dma_semaphore, #tpu.memory_space<semaphore_mem>>
      %dma_start3A_132 = arith.constant 768 : i32
      %dma_start3A_133 = arith.constant 0 : i32
      %dma_start3A_134 = tpu.memref_slice %arg8[%dma_start3A_132, %dma_start3A_133] : memref<1024x8xf32, #tpu.memory_space<vmem>> -> memref<128x8xf32, #tpu.memory_space<vmem>>
      %dma_start3A_135 = arith.constant 0 : i32
      %dma_start3A_136 = tpu.memref_slice %arg7[%run_scoped3A_107, %dma_start3A_135] : memref<8x128xi32, #tpu.memory_space<vmem>> -> memref<1x128xi32, #tpu.memory_space<vmem>>
      %dma_start3A_137 = tpu.memref_squeeze %dma_start3A_136 : memref<1x128xi32, #tpu.memory_space<vmem>> -> memref<128xi32, #tpu.memory_space<vmem>>
      %dma_start3A_138 = arith.constant 0 : i32
      %dma_start3A_139 = arith.constant 0 : i32
      %dma_start3A_140 = tpu.memref_slice %arg12[%dma_start3A_138, %dma_start3A_139] : memref<100096x8xf32, #tpu.memory_space<vmem_shared>> -> memref<100096x8xf32, #tpu.memory_space<vmem_shared>>
      tpu.enqueue_indirect_dma source(%dma_start3A_134 : memref<128x8xf32, #tpu.memory_space<vmem>>) target(%dma_start3A_140 : memref<100096x8xf32, #tpu.memory_space<vmem_shared>>) offsets(%dma_start3A_137 : memref<128xi32, #tpu.memory_space<vmem>>) semaphore(%run_scoped3A_131 : memref<!tpu.dma_semaphore, #tpu.memory_space<semaphore_mem>>) {add = true}
      %dma_wait3A_141 = arith.constant 768 : i32
      %dma_wait3A_142 = arith.constant 0 : i32
      %dma_wait3A_143 = tpu.memref_slice %arg8[%dma_wait3A_141, %dma_wait3A_142] : memref<1024x8xf32, #tpu.memory_space<vmem>> -> memref<128x8xf32, #tpu.memory_space<vmem>>
      %dma_wait3A_144 = arith.constant 0 : i32
      %dma_wait3A_145 = tpu.memref_slice %arg7[%run_scoped3A_107, %dma_wait3A_144] : memref<8x128xi32, #tpu.memory_space<vmem>> -> memref<1x128xi32, #tpu.memory_space<vmem>>
      %dma_wait3A_146 = tpu.memref_squeeze %dma_wait3A_145 : memref<1x128xi32, #tpu.memory_space<vmem>> -> memref<128xi32, #tpu.memory_space<vmem>>
      %dma_wait3A_147 = arith.constant 0 : i32
      %dma_wait3A_148 = arith.constant 0 : i32
      %dma_wait3A_149 = tpu.memref_slice %arg12[%dma_wait3A_147, %dma_wait3A_148] : memref<100096x8xf32, #tpu.memory_space<vmem_shared>> -> memref<100096x8xf32, #tpu.memory_space<vmem_shared>>
      tpu.wait_indirect_dma semaphore(%run_scoped3A_131 : memref<!tpu.dma_semaphore, #tpu.memory_space<semaphore_mem>>) src(%dma_wait3A_143 : memref<128x8xf32, #tpu.memory_space<vmem>>) dst(%dma_wait3A_149 : memref<100096x8xf32, #tpu.memory_space<vmem_shared>>)
      tpu.yield
    }) : () -> ()
    %run_scoped3A_108 = arith.constant 7 : i32
    "tpu.region"() ({
      %run_scoped3A_131 = tpu.sem_alloc : memref<!tpu.dma_semaphore, #tpu.memory_space<semaphore_mem>>
      %dma_start3A_132 = arith.constant 896 : i32
      %dma_start3A_133 = arith.constant 0 : i32
      %dma_start3A_134 = tpu.memref_slice %arg8[%dma_start3A_132, %dma_start3A_133] : memref<1024x8xf32, #tpu.memory_space<vmem>> -> memref<128x8xf32, #tpu.memory_space<vmem>>
      %dma_start3A_135 = arith.constant 0 : i32
      %dma_start3A_136 = tpu.memref_slice %arg7[%run_scoped3A_108, %dma_start3A_135] : memref<8x128xi32, #tpu.memory_space<vmem>> -> memref<1x128xi32, #tpu.memory_space<vmem>>
      %dma_start3A_137 = tpu.memref_squeeze %dma_start3A_136 : memref<1x128xi32, #tpu.memory_space<vmem>> -> memref<128xi32, #tpu.memory_space<vmem>>
      %dma_start3A_138 = arith.constant 0 : i32
      %dma_start3A_139 = arith.constant 0 : i32
      %dma_start3A_140 = tpu.memref_slice %arg12[%dma_start3A_138, %dma_start3A_139] : memref<100096x8xf32, #tpu.memory_space<vmem_shared>> -> memref<100096x8xf32, #tpu.memory_space<vmem_shared>>
      tpu.enqueue_indirect_dma source(%dma_start3A_134 : memref<128x8xf32, #tpu.memory_space<vmem>>) target(%dma_start3A_140 : memref<100096x8xf32, #tpu.memory_space<vmem_shared>>) offsets(%dma_start3A_137 : memref<128xi32, #tpu.memory_space<vmem>>) semaphore(%run_scoped3A_131 : memref<!tpu.dma_semaphore, #tpu.memory_space<semaphore_mem>>) {add = true}
      %dma_wait3A_141 = arith.constant 896 : i32
      %dma_wait3A_142 = arith.constant 0 : i32
      %dma_wait3A_143 = tpu.memref_slice %arg8[%dma_wait3A_141, %dma_wait3A_142] : memref<1024x8xf32, #tpu.memory_space<vmem>> -> memref<128x8xf32, #tpu.memory_space<vmem>>
      %dma_wait3A_144 = arith.constant 0 : i32
      %dma_wait3A_145 = tpu.memref_slice %arg7[%run_scoped3A_108, %dma_wait3A_144] : memref<8x128xi32, #tpu.memory_space<vmem>> -> memref<1x128xi32, #tpu.memory_space<vmem>>
      %dma_wait3A_146 = tpu.memref_squeeze %dma_wait3A_145 : memref<1x128xi32, #tpu.memory_space<vmem>> -> memref<128xi32, #tpu.memory_space<vmem>>
      %dma_wait3A_147 = arith.constant 0 : i32
      %dma_wait3A_148 = arith.constant 0 : i32
      %dma_wait3A_149 = tpu.memref_slice %arg12[%dma_wait3A_147, %dma_wait3A_148] : memref<100096x8xf32, #tpu.memory_space<vmem_shared>> -> memref<100096x8xf32, #tpu.memory_space<vmem_shared>>
      tpu.wait_indirect_dma semaphore(%run_scoped3A_131 : memref<!tpu.dma_semaphore, #tpu.memory_space<semaphore_mem>>) src(%dma_wait3A_143 : memref<128x8xf32, #tpu.memory_space<vmem>>) dst(%dma_wait3A_149 : memref<100096x8xf32, #tpu.memory_space<vmem_shared>>)
      tpu.yield
    }) : () -> ()
    %sub3A = arith.constant 1560 : i32
    %sub3A_109 = arith.subi %select_n3A, %sub3A : i32
    %gt3A = arith.constant 0 : i32
    %gt3A_110 = arith.cmpi sgt, %sub3A_109, %gt3A : i32
    %convert_element_type3A = arith.extui %gt3A_110 : i1 to i32
    %cond3A = arith.constant 0 : i32
    %cond3A_111 = arith.cmpi ne, %convert_element_type3A, %cond3A : i32
    scf.if %cond3A_111 {
      %add3A_131 = arith.constant 1560 : i32
      %add3A_132 = arith.addi %add3A_4, %add3A_131 : i32
      %add3A_133 = arith.constant 0 : i32
      %add3A_134 = arith.addi %add3A_132, %add3A_133 : i32
      %run_scoped3A_135 = arith.constant 0 : i32
      %run_scoped3A_136 = arith.constant 0 : i32
      "tpu.region"() ({
        %run_scoped3A_160 = tpu.sem_alloc : memref<!tpu.dma_semaphore, #tpu.memory_space<semaphore_mem>>
        %dma_start3A_161 = arith.constant 0 : i32
        %dma_start3A_162 = tpu.memref_slice %arg9[%run_scoped3A_136, %dma_start3A_161] : memref<8x128xi32, #tpu.memory_space<vmem>> -> memref<1x128xi32, #tpu.memory_space<vmem>>
        %dma_start3A_163 = tpu.memref_squeeze %dma_start3A_162 : memref<1x128xi32, #tpu.memory_space<vmem>> -> memref<128xi32, #tpu.memory_space<vmem>>
        %dma_start3A_164 = arith.constant 0 : i32
        %dma_start3A_165 = tpu.memref_slice %arg3[%run_scoped3A_135, %add3A_134, %dma_start3A_164] : memref<2x50000x128xi32, #tpu.memory_space<hbm>> -> memref<1x1x128xi32, #tpu.memory_space<hbm>>
        %dma_start3A_166 = tpu.memref_squeeze %dma_start3A_165 : memref<1x1x128xi32, #tpu.memory_space<hbm>> -> memref<128xi32, #tpu.memory_space<hbm>>
        %dma_start3A_167 = arith.constant 0 : i32
        %dma_start3A_168 = tpu.memref_slice %arg9[%run_scoped3A_136, %dma_start3A_167] : memref<8x128xi32, #tpu.memory_space<vmem>> -> memref<1x128xi32, #tpu.memory_space<vmem>>
        %dma_start3A_169 = tpu.memref_squeeze %dma_start3A_168 : memref<1x128xi32, #tpu.memory_space<vmem>> -> memref<128xi32, #tpu.memory_space<vmem>>
        %dma_start3A_170 = arith.constant 0 : i32
        %dma_start3A_171 = tpu.memref_slice %arg3[%run_scoped3A_135, %add3A_134, %dma_start3A_170] : memref<2x50000x128xi32, #tpu.memory_space<hbm>> -> memref<1x1x128xi32, #tpu.memory_space<hbm>>
        %dma_start3A_172 = tpu.memref_squeeze %dma_start3A_171 : memref<1x1x128xi32, #tpu.memory_space<hbm>> -> memref<128xi32, #tpu.memory_space<hbm>>
        tpu.enqueue_dma source(%dma_start3A_172 : memref<128xi32, #tpu.memory_space<hbm>>) target(%dma_start3A_169 : memref<128xi32, #tpu.memory_space<vmem>>) target_semaphore(%run_scoped3A_160 : memref<!tpu.dma_semaphore, #tpu.memory_space<semaphore_mem>>)
        %dma_wait3A_173 = arith.constant 0 : i32
        %dma_wait3A_174 = tpu.memref_slice %arg9[%run_scoped3A_136, %dma_wait3A_173] : memref<8x128xi32, #tpu.memory_space<vmem>> -> memref<1x128xi32, #tpu.memory_space<vmem>>
        %dma_wait3A_175 = tpu.memref_squeeze %dma_wait3A_174 : memref<1x128xi32, #tpu.memory_space<vmem>> -> memref<128xi32, #tpu.memory_space<vmem>>
        %dma_wait3A_176 = arith.constant 0 : i32
        %dma_wait3A_177 = tpu.memref_slice %arg3[%run_scoped3A_135, %add3A_134, %dma_wait3A_176] : memref<2x50000x128xi32, #tpu.memory_space<hbm>> -> memref<1x1x128xi32, #tpu.memory_space<hbm>>
        %dma_wait3A_178 = tpu.memref_squeeze %dma_wait3A_177 : memref<1x1x128xi32, #tpu.memory_space<hbm>> -> memref<128xi32, #tpu.memory_space<hbm>>
        %dma_wait3A_179 = arith.constant 0 : i32
        %dma_wait3A_180 = tpu.memref_slice %arg9[%run_scoped3A_136, %dma_wait3A_179] : memref<8x128xi32, #tpu.memory_space<vmem>> -> memref<1x128xi32, #tpu.memory_space<vmem>>
        %dma_wait3A_181 = tpu.memref_squeeze %dma_wait3A_180 : memref<1x128xi32, #tpu.memory_space<vmem>> -> memref<128xi32, #tpu.memory_space<vmem>>
        %dma_wait3A_182 = arith.constant 0 : i32
        %dma_wait3A_183 = tpu.memref_slice %arg3[%run_scoped3A_135, %add3A_134, %dma_wait3A_182] : memref<2x50000x128xi32, #tpu.memory_space<hbm>> -> memref<1x1x128xi32, #tpu.memory_space<hbm>>
        %dma_wait3A_184 = tpu.memref_squeeze %dma_wait3A_183 : memref<1x1x128xi32, #tpu.memory_space<hbm>> -> memref<128xi32, #tpu.memory_space<hbm>>
        tpu.wait_dma2 semaphore(%run_scoped3A_160 : memref<!tpu.dma_semaphore, #tpu.memory_space<semaphore_mem>>) src(%dma_wait3A_184 : memref<128xi32, #tpu.memory_space<hbm>>) dst(%dma_wait3A_181 : memref<128xi32, #tpu.memory_space<vmem>>)
        tpu.yield
      }) : () -> ()
      %run_scoped3A_137 = arith.constant 1 : i32
      %run_scoped3A_138 = arith.constant 0 : i32
      "tpu.region"() ({
        %run_scoped3A_160 = tpu.sem_alloc : memref<!tpu.dma_semaphore, #tpu.memory_space<semaphore_mem>>
        %dma_start3A_161 = arith.constant 0 : i32
        %dma_start3A_162 = tpu.memref_slice %arg10[%run_scoped3A_138, %dma_start3A_161] : memref<8x128xi32, #tpu.memory_space<vmem>> -> memref<1x128xi32, #tpu.memory_space<vmem>>
        %dma_start3A_163 = tpu.memref_squeeze %dma_start3A_162 : memref<1x128xi32, #tpu.memory_space<vmem>> -> memref<128xi32, #tpu.memory_space<vmem>>
        %dma_start3A_164 = arith.constant 0 : i32
        %dma_start3A_165 = tpu.memref_slice %arg3[%run_scoped3A_137, %add3A_134, %dma_start3A_164] : memref<2x50000x128xi32, #tpu.memory_space<hbm>> -> memref<1x1x128xi32, #tpu.memory_space<hbm>>
        %dma_start3A_166 = tpu.memref_squeeze %dma_start3A_165 : memref<1x1x128xi32, #tpu.memory_space<hbm>> -> memref<128xi32, #tpu.memory_space<hbm>>
        %dma_start3A_167 = arith.constant 0 : i32
        %dma_start3A_168 = tpu.memref_slice %arg10[%run_scoped3A_138, %dma_start3A_167] : memref<8x128xi32, #tpu.memory_space<vmem>> -> memref<1x128xi32, #tpu.memory_space<vmem>>
        %dma_start3A_169 = tpu.memref_squeeze %dma_start3A_168 : memref<1x128xi32, #tpu.memory_space<vmem>> -> memref<128xi32, #tpu.memory_space<vmem>>
        %dma_start3A_170 = arith.constant 0 : i32
        %dma_start3A_171 = tpu.memref_slice %arg3[%run_scoped3A_137, %add3A_134, %dma_start3A_170] : memref<2x50000x128xi32, #tpu.memory_space<hbm>> -> memref<1x1x128xi32, #tpu.memory_space<hbm>>
        %dma_start3A_172 = tpu.memref_squeeze %dma_start3A_171 : memref<1x1x128xi32, #tpu.memory_space<hbm>> -> memref<128xi32, #tpu.memory_space<hbm>>
        tpu.enqueue_dma source(%dma_start3A_172 : memref<128xi32, #tpu.memory_space<hbm>>) target(%dma_start3A_169 : memref<128xi32, #tpu.memory_space<vmem>>) target_semaphore(%run_scoped3A_160 : memref<!tpu.dma_semaphore, #tpu.memory_space<semaphore_mem>>)
        %dma_wait3A_173 = arith.constant 0 : i32
        %dma_wait3A_174 = tpu.memref_slice %arg10[%run_scoped3A_138, %dma_wait3A_173] : memref<8x128xi32, #tpu.memory_space<vmem>> -> memref<1x128xi32, #tpu.memory_space<vmem>>
        %dma_wait3A_175 = tpu.memref_squeeze %dma_wait3A_174 : memref<1x128xi32, #tpu.memory_space<vmem>> -> memref<128xi32, #tpu.memory_space<vmem>>
        %dma_wait3A_176 = arith.constant 0 : i32
        %dma_wait3A_177 = tpu.memref_slice %arg3[%run_scoped3A_137, %add3A_134, %dma_wait3A_176] : memref<2x50000x128xi32, #tpu.memory_space<hbm>> -> memref<1x1x128xi32, #tpu.memory_space<hbm>>
        %dma_wait3A_178 = tpu.memref_squeeze %dma_wait3A_177 : memref<1x1x128xi32, #tpu.memory_space<hbm>> -> memref<128xi32, #tpu.memory_space<hbm>>
        %dma_wait3A_179 = arith.constant 0 : i32
        %dma_wait3A_180 = tpu.memref_slice %arg10[%run_scoped3A_138, %dma_wait3A_179] : memref<8x128xi32, #tpu.memory_space<vmem>> -> memref<1x128xi32, #tpu.memory_space<vmem>>
        %dma_wait3A_181 = tpu.memref_squeeze %dma_wait3A_180 : memref<1x128xi32, #tpu.memory_space<vmem>> -> memref<128xi32, #tpu.memory_space<vmem>>
        %dma_wait3A_182 = arith.constant 0 : i32
        %dma_wait3A_183 = tpu.memref_slice %arg3[%run_scoped3A_137, %add3A_134, %dma_wait3A_182] : memref<2x50000x128xi32, #tpu.memory_space<hbm>> -> memref<1x1x128xi32, #tpu.memory_space<hbm>>
        %dma_wait3A_184 = tpu.memref_squeeze %dma_wait3A_183 : memref<1x1x128xi32, #tpu.memory_space<hbm>> -> memref<128xi32, #tpu.memory_space<hbm>>
        tpu.wait_dma2 semaphore(%run_scoped3A_160 : memref<!tpu.dma_semaphore, #tpu.memory_space<semaphore_mem>>) src(%dma_wait3A_184 : memref<128xi32, #tpu.memory_space<hbm>>) dst(%dma_wait3A_181 : memref<128xi32, #tpu.memory_space<vmem>>)
        tpu.yield
      }) : () -> ()
      %dma_start3A_139 = arith.constant 0 : i32
      %dma_start3A_140 = arith.constant 0 : i32
      %dma_start3A_141 = arith.constant 0 : i32
      %dma_start3A_142 = tpu.memref_slice %arg11[%dma_start3A_140, %dma_start3A_141] : memref<1024x8xf32, #tpu.memory_space<vmem>> -> memref<128x8xf32, #tpu.memory_space<vmem>>
      %dma_start3A_143 = arith.constant 0 : i32
      %dma_start3A_144 = tpu.memref_slice %arg9[%dma_start3A_139, %dma_start3A_143] : memref<8x128xi32, #tpu.memory_space<vmem>> -> memref<1x128xi32, #tpu.memory_space<vmem>>
      %dma_start3A_145 = tpu.memref_squeeze %dma_start3A_144 : memref<1x128xi32, #tpu.memory_space<vmem>> -> memref<128xi32, #tpu.memory_space<vmem>>
      %dma_start3A_146 = arith.constant 0 : i32
      %dma_start3A_147 = arith.constant 0 : i32
      %dma_start3A_148 = tpu.memref_slice %arg2[%dma_start3A_146, %dma_start3A_147] : memref<100096x8xf32, #tpu.memory_space<hbm>> -> memref<100096x8xf32, #tpu.memory_space<hbm>>
      tpu.enqueue_indirect_dma source(%dma_start3A_148 : memref<100096x8xf32, #tpu.memory_space<hbm>>) target(%dma_start3A_142 : memref<128x8xf32, #tpu.memory_space<vmem>>) offsets(%dma_start3A_145 : memref<128xi32, #tpu.memory_space<vmem>>) semaphore(%arg14 : memref<!tpu.dma_semaphore, #tpu.memory_space<semaphore_mem>>)
      %dma_wait3A_149 = arith.constant 0 : i32
      %dma_wait3A_150 = arith.constant 0 : i32
      %dma_wait3A_151 = arith.constant 0 : i32
      %dma_wait3A_152 = tpu.memref_slice %arg11[%dma_wait3A_150, %dma_wait3A_151] : memref<1024x8xf32, #tpu.memory_space<vmem>> -> memref<128x8xf32, #tpu.memory_space<vmem>>
      %dma_wait3A_153 = arith.constant 0 : i32
      %dma_wait3A_154 = tpu.memref_slice %arg9[%dma_wait3A_149, %dma_wait3A_153] : memref<8x128xi32, #tpu.memory_space<vmem>> -> memref<1x128xi32, #tpu.memory_space<vmem>>
      %dma_wait3A_155 = tpu.memref_squeeze %dma_wait3A_154 : memref<1x128xi32, #tpu.memory_space<vmem>> -> memref<128xi32, #tpu.memory_space<vmem>>
      %dma_wait3A_156 = arith.constant 0 : i32
      %dma_wait3A_157 = arith.constant 0 : i32
      %dma_wait3A_158 = tpu.memref_slice %arg2[%dma_wait3A_156, %dma_wait3A_157] : memref<100096x8xf32, #tpu.memory_space<hbm>> -> memref<100096x8xf32, #tpu.memory_space<hbm>>
      tpu.wait_indirect_dma semaphore(%arg14 : memref<!tpu.dma_semaphore, #tpu.memory_space<semaphore_mem>>) src(%dma_wait3A_158 : memref<100096x8xf32, #tpu.memory_space<hbm>>) dst(%dma_wait3A_152 : memref<128x8xf32, #tpu.memory_space<vmem>>)
      %run_scoped3A_159 = arith.constant 0 : i32
      "tpu.region"() ({
        %run_scoped3A_160 = tpu.sem_alloc : memref<!tpu.dma_semaphore, #tpu.memory_space<semaphore_mem>>
        %dma_start3A_161 = arith.constant 0 : i32
        %dma_start3A_162 = arith.constant 0 : i32
        %dma_start3A_163 = tpu.memref_slice %arg11[%dma_start3A_161, %dma_start3A_162] : memref<1024x8xf32, #tpu.memory_space<vmem>> -> memref<128x8xf32, #tpu.memory_space<vmem>>
        %dma_start3A_164 = arith.constant 0 : i32
        %dma_start3A_165 = tpu.memref_slice %arg10[%run_scoped3A_159, %dma_start3A_164] : memref<8x128xi32, #tpu.memory_space<vmem>> -> memref<1x128xi32, #tpu.memory_space<vmem>>
        %dma_start3A_166 = tpu.memref_squeeze %dma_start3A_165 : memref<1x128xi32, #tpu.memory_space<vmem>> -> memref<128xi32, #tpu.memory_space<vmem>>
        %dma_start3A_167 = arith.constant 0 : i32
        %dma_start3A_168 = arith.constant 0 : i32
        %dma_start3A_169 = tpu.memref_slice %arg12[%dma_start3A_167, %dma_start3A_168] : memref<100096x8xf32, #tpu.memory_space<vmem_shared>> -> memref<100096x8xf32, #tpu.memory_space<vmem_shared>>
        tpu.enqueue_indirect_dma source(%dma_start3A_163 : memref<128x8xf32, #tpu.memory_space<vmem>>) target(%dma_start3A_169 : memref<100096x8xf32, #tpu.memory_space<vmem_shared>>) offsets(%dma_start3A_166 : memref<128xi32, #tpu.memory_space<vmem>>) semaphore(%run_scoped3A_160 : memref<!tpu.dma_semaphore, #tpu.memory_space<semaphore_mem>>) {add = true}
        %dma_wait3A_170 = arith.constant 0 : i32
        %dma_wait3A_171 = arith.constant 0 : i32
        %dma_wait3A_172 = tpu.memref_slice %arg11[%dma_wait3A_170, %dma_wait3A_171] : memref<1024x8xf32, #tpu.memory_space<vmem>> -> memref<128x8xf32, #tpu.memory_space<vmem>>
        %dma_wait3A_173 = arith.constant 0 : i32
        %dma_wait3A_174 = tpu.memref_slice %arg10[%run_scoped3A_159, %dma_wait3A_173] : memref<8x128xi32, #tpu.memory_space<vmem>> -> memref<1x128xi32, #tpu.memory_space<vmem>>
        %dma_wait3A_175 = tpu.memref_squeeze %dma_wait3A_174 : memref<1x128xi32, #tpu.memory_space<vmem>> -> memref<128xi32, #tpu.memory_space<vmem>>
        %dma_wait3A_176 = arith.constant 0 : i32
        %dma_wait3A_177 = arith.constant 0 : i32
        %dma_wait3A_178 = tpu.memref_slice %arg12[%dma_wait3A_176, %dma_wait3A_177] : memref<100096x8xf32, #tpu.memory_space<vmem_shared>> -> memref<100096x8xf32, #tpu.memory_space<vmem_shared>>
        tpu.wait_indirect_dma semaphore(%run_scoped3A_160 : memref<!tpu.dma_semaphore, #tpu.memory_space<semaphore_mem>>) src(%dma_wait3A_172 : memref<128x8xf32, #tpu.memory_space<vmem>>) dst(%dma_wait3A_178 : memref<100096x8xf32, #tpu.memory_space<vmem_shared>>)
        tpu.yield
      }) : () -> ()
    } else {
    }
    %sub3A_112 = arith.constant 1560 : i32
    %sub3A_113 = arith.subi %select_n3A, %sub3A_112 : i32
    %gt3A_114 = arith.constant 1 : i32
    %gt3A_115 = arith.cmpi sgt, %sub3A_113, %gt3A_114 : i32
    %convert_element_type3A_116 = arith.extui %gt3A_115 : i1 to i32
    %cond3A_117 = arith.constant 0 : i32
    %cond3A_118 = arith.cmpi ne, %convert_element_type3A_116, %cond3A_117 : i32
    scf.if %cond3A_118 {
      %add3A_131 = arith.constant 1560 : i32
      %add3A_132 = arith.addi %add3A_4, %add3A_131 : i32
      %add3A_133 = arith.constant 1 : i32
      %add3A_134 = arith.addi %add3A_132, %add3A_133 : i32
      %run_scoped3A_135 = arith.constant 0 : i32
      %run_scoped3A_136 = arith.constant 0 : i32
      "tpu.region"() ({
        %run_scoped3A_160 = tpu.sem_alloc : memref<!tpu.dma_semaphore, #tpu.memory_space<semaphore_mem>>
        %dma_start3A_161 = arith.constant 0 : i32
        %dma_start3A_162 = tpu.memref_slice %arg9[%run_scoped3A_136, %dma_start3A_161] : memref<8x128xi32, #tpu.memory_space<vmem>> -> memref<1x128xi32, #tpu.memory_space<vmem>>
        %dma_start3A_163 = tpu.memref_squeeze %dma_start3A_162 : memref<1x128xi32, #tpu.memory_space<vmem>> -> memref<128xi32, #tpu.memory_space<vmem>>
        %dma_start3A_164 = arith.constant 0 : i32
        %dma_start3A_165 = tpu.memref_slice %arg3[%run_scoped3A_135, %add3A_134, %dma_start3A_164] : memref<2x50000x128xi32, #tpu.memory_space<hbm>> -> memref<1x1x128xi32, #tpu.memory_space<hbm>>
        %dma_start3A_166 = tpu.memref_squeeze %dma_start3A_165 : memref<1x1x128xi32, #tpu.memory_space<hbm>> -> memref<128xi32, #tpu.memory_space<hbm>>
        %dma_start3A_167 = arith.constant 0 : i32
        %dma_start3A_168 = tpu.memref_slice %arg9[%run_scoped3A_136, %dma_start3A_167] : memref<8x128xi32, #tpu.memory_space<vmem>> -> memref<1x128xi32, #tpu.memory_space<vmem>>
        %dma_start3A_169 = tpu.memref_squeeze %dma_start3A_168 : memref<1x128xi32, #tpu.memory_space<vmem>> -> memref<128xi32, #tpu.memory_space<vmem>>
        %dma_start3A_170 = arith.constant 0 : i32
        %dma_start3A_171 = tpu.memref_slice %arg3[%run_scoped3A_135, %add3A_134, %dma_start3A_170] : memref<2x50000x128xi32, #tpu.memory_space<hbm>> -> memref<1x1x128xi32, #tpu.memory_space<hbm>>
        %dma_start3A_172 = tpu.memref_squeeze %dma_start3A_171 : memref<1x1x128xi32, #tpu.memory_space<hbm>> -> memref<128xi32, #tpu.memory_space<hbm>>
        tpu.enqueue_dma source(%dma_start3A_172 : memref<128xi32, #tpu.memory_space<hbm>>) target(%dma_start3A_169 : memref<128xi32, #tpu.memory_space<vmem>>) target_semaphore(%run_scoped3A_160 : memref<!tpu.dma_semaphore, #tpu.memory_space<semaphore_mem>>)
        %dma_wait3A_173 = arith.constant 0 : i32
        %dma_wait3A_174 = tpu.memref_slice %arg9[%run_scoped3A_136, %dma_wait3A_173] : memref<8x128xi32, #tpu.memory_space<vmem>> -> memref<1x128xi32, #tpu.memory_space<vmem>>
        %dma_wait3A_175 = tpu.memref_squeeze %dma_wait3A_174 : memref<1x128xi32, #tpu.memory_space<vmem>> -> memref<128xi32, #tpu.memory_space<vmem>>
        %dma_wait3A_176 = arith.constant 0 : i32
        %dma_wait3A_177 = tpu.memref_slice %arg3[%run_scoped3A_135, %add3A_134, %dma_wait3A_176] : memref<2x50000x128xi32, #tpu.memory_space<hbm>> -> memref<1x1x128xi32, #tpu.memory_space<hbm>>
        %dma_wait3A_178 = tpu.memref_squeeze %dma_wait3A_177 : memref<1x1x128xi32, #tpu.memory_space<hbm>> -> memref<128xi32, #tpu.memory_space<hbm>>
        %dma_wait3A_179 = arith.constant 0 : i32
        %dma_wait3A_180 = tpu.memref_slice %arg9[%run_scoped3A_136, %dma_wait3A_179] : memref<8x128xi32, #tpu.memory_space<vmem>> -> memref<1x128xi32, #tpu.memory_space<vmem>>
        %dma_wait3A_181 = tpu.memref_squeeze %dma_wait3A_180 : memref<1x128xi32, #tpu.memory_space<vmem>> -> memref<128xi32, #tpu.memory_space<vmem>>
        %dma_wait3A_182 = arith.constant 0 : i32
        %dma_wait3A_183 = tpu.memref_slice %arg3[%run_scoped3A_135, %add3A_134, %dma_wait3A_182] : memref<2x50000x128xi32, #tpu.memory_space<hbm>> -> memref<1x1x128xi32, #tpu.memory_space<hbm>>
        %dma_wait3A_184 = tpu.memref_squeeze %dma_wait3A_183 : memref<1x1x128xi32, #tpu.memory_space<hbm>> -> memref<128xi32, #tpu.memory_space<hbm>>
        tpu.wait_dma2 semaphore(%run_scoped3A_160 : memref<!tpu.dma_semaphore, #tpu.memory_space<semaphore_mem>>) src(%dma_wait3A_184 : memref<128xi32, #tpu.memory_space<hbm>>) dst(%dma_wait3A_181 : memref<128xi32, #tpu.memory_space<vmem>>)
        tpu.yield
      }) : () -> ()
      %run_scoped3A_137 = arith.constant 1 : i32
      %run_scoped3A_138 = arith.constant 0 : i32
      "tpu.region"() ({
        %run_scoped3A_160 = tpu.sem_alloc : memref<!tpu.dma_semaphore, #tpu.memory_space<semaphore_mem>>
        %dma_start3A_161 = arith.constant 0 : i32
        %dma_start3A_162 = tpu.memref_slice %arg10[%run_scoped3A_138, %dma_start3A_161] : memref<8x128xi32, #tpu.memory_space<vmem>> -> memref<1x128xi32, #tpu.memory_space<vmem>>
        %dma_start3A_163 = tpu.memref_squeeze %dma_start3A_162 : memref<1x128xi32, #tpu.memory_space<vmem>> -> memref<128xi32, #tpu.memory_space<vmem>>
        %dma_start3A_164 = arith.constant 0 : i32
        %dma_start3A_165 = tpu.memref_slice %arg3[%run_scoped3A_137, %add3A_134, %dma_start3A_164] : memref<2x50000x128xi32, #tpu.memory_space<hbm>> -> memref<1x1x128xi32, #tpu.memory_space<hbm>>
        %dma_start3A_166 = tpu.memref_squeeze %dma_start3A_165 : memref<1x1x128xi32, #tpu.memory_space<hbm>> -> memref<128xi32, #tpu.memory_space<hbm>>
        %dma_start3A_167 = arith.constant 0 : i32
        %dma_start3A_168 = tpu.memref_slice %arg10[%run_scoped3A_138, %dma_start3A_167] : memref<8x128xi32, #tpu.memory_space<vmem>> -> memref<1x128xi32, #tpu.memory_space<vmem>>
        %dma_start3A_169 = tpu.memref_squeeze %dma_start3A_168 : memref<1x128xi32, #tpu.memory_space<vmem>> -> memref<128xi32, #tpu.memory_space<vmem>>
        %dma_start3A_170 = arith.constant 0 : i32
        %dma_start3A_171 = tpu.memref_slice %arg3[%run_scoped3A_137, %add3A_134, %dma_start3A_170] : memref<2x50000x128xi32, #tpu.memory_space<hbm>> -> memref<1x1x128xi32, #tpu.memory_space<hbm>>
        %dma_start3A_172 = tpu.memref_squeeze %dma_start3A_171 : memref<1x1x128xi32, #tpu.memory_space<hbm>> -> memref<128xi32, #tpu.memory_space<hbm>>
        tpu.enqueue_dma source(%dma_start3A_172 : memref<128xi32, #tpu.memory_space<hbm>>) target(%dma_start3A_169 : memref<128xi32, #tpu.memory_space<vmem>>) target_semaphore(%run_scoped3A_160 : memref<!tpu.dma_semaphore, #tpu.memory_space<semaphore_mem>>)
        %dma_wait3A_173 = arith.constant 0 : i32
        %dma_wait3A_174 = tpu.memref_slice %arg10[%run_scoped3A_138, %dma_wait3A_173] : memref<8x128xi32, #tpu.memory_space<vmem>> -> memref<1x128xi32, #tpu.memory_space<vmem>>
        %dma_wait3A_175 = tpu.memref_squeeze %dma_wait3A_174 : memref<1x128xi32, #tpu.memory_space<vmem>> -> memref<128xi32, #tpu.memory_space<vmem>>
        %dma_wait3A_176 = arith.constant 0 : i32
        %dma_wait3A_177 = tpu.memref_slice %arg3[%run_scoped3A_137, %add3A_134, %dma_wait3A_176] : memref<2x50000x128xi32, #tpu.memory_space<hbm>> -> memref<1x1x128xi32, #tpu.memory_space<hbm>>
        %dma_wait3A_178 = tpu.memref_squeeze %dma_wait3A_177 : memref<1x1x128xi32, #tpu.memory_space<hbm>> -> memref<128xi32, #tpu.memory_space<hbm>>
        %dma_wait3A_179 = arith.constant 0 : i32
        %dma_wait3A_180 = tpu.memref_slice %arg10[%run_scoped3A_138, %dma_wait3A_179] : memref<8x128xi32, #tpu.memory_space<vmem>> -> memref<1x128xi32, #tpu.memory_space<vmem>>
        %dma_wait3A_181 = tpu.memref_squeeze %dma_wait3A_180 : memref<1x128xi32, #tpu.memory_space<vmem>> -> memref<128xi32, #tpu.memory_space<vmem>>
        %dma_wait3A_182 = arith.constant 0 : i32
        %dma_wait3A_183 = tpu.memref_slice %arg3[%run_scoped3A_137, %add3A_134, %dma_wait3A_182] : memref<2x50000x128xi32, #tpu.memory_space<hbm>> -> memref<1x1x128xi32, #tpu.memory_space<hbm>>
        %dma_wait3A_184 = tpu.memref_squeeze %dma_wait3A_183 : memref<1x1x128xi32, #tpu.memory_space<hbm>> -> memref<128xi32, #tpu.memory_space<hbm>>
        tpu.wait_dma2 semaphore(%run_scoped3A_160 : memref<!tpu.dma_semaphore, #tpu.memory_space<semaphore_mem>>) src(%dma_wait3A_184 : memref<128xi32, #tpu.memory_space<hbm>>) dst(%dma_wait3A_181 : memref<128xi32, #tpu.memory_space<vmem>>)
        tpu.yield
      }) : () -> ()
      %dma_start3A_139 = arith.constant 0 : i32
      %dma_start3A_140 = arith.constant 0 : i32
      %dma_start3A_141 = arith.constant 0 : i32
      %dma_start3A_142 = tpu.memref_slice %arg11[%dma_start3A_140, %dma_start3A_141] : memref<1024x8xf32, #tpu.memory_space<vmem>> -> memref<128x8xf32, #tpu.memory_space<vmem>>
      %dma_start3A_143 = arith.constant 0 : i32
      %dma_start3A_144 = tpu.memref_slice %arg9[%dma_start3A_139, %dma_start3A_143] : memref<8x128xi32, #tpu.memory_space<vmem>> -> memref<1x128xi32, #tpu.memory_space<vmem>>
      %dma_start3A_145 = tpu.memref_squeeze %dma_start3A_144 : memref<1x128xi32, #tpu.memory_space<vmem>> -> memref<128xi32, #tpu.memory_space<vmem>>
      %dma_start3A_146 = arith.constant 0 : i32
      %dma_start3A_147 = arith.constant 0 : i32
      %dma_start3A_148 = tpu.memref_slice %arg2[%dma_start3A_146, %dma_start3A_147] : memref<100096x8xf32, #tpu.memory_space<hbm>> -> memref<100096x8xf32, #tpu.memory_space<hbm>>
      tpu.enqueue_indirect_dma source(%dma_start3A_148 : memref<100096x8xf32, #tpu.memory_space<hbm>>) target(%dma_start3A_142 : memref<128x8xf32, #tpu.memory_space<vmem>>) offsets(%dma_start3A_145 : memref<128xi32, #tpu.memory_space<vmem>>) semaphore(%arg14 : memref<!tpu.dma_semaphore, #tpu.memory_space<semaphore_mem>>)
      %dma_wait3A_149 = arith.constant 0 : i32
      %dma_wait3A_150 = arith.constant 0 : i32
      %dma_wait3A_151 = arith.constant 0 : i32
      %dma_wait3A_152 = tpu.memref_slice %arg11[%dma_wait3A_150, %dma_wait3A_151] : memref<1024x8xf32, #tpu.memory_space<vmem>> -> memref<128x8xf32, #tpu.memory_space<vmem>>
      %dma_wait3A_153 = arith.constant 0 : i32
      %dma_wait3A_154 = tpu.memref_slice %arg9[%dma_wait3A_149, %dma_wait3A_153] : memref<8x128xi32, #tpu.memory_space<vmem>> -> memref<1x128xi32, #tpu.memory_space<vmem>>
      %dma_wait3A_155 = tpu.memref_squeeze %dma_wait3A_154 : memref<1x128xi32, #tpu.memory_space<vmem>> -> memref<128xi32, #tpu.memory_space<vmem>>
      %dma_wait3A_156 = arith.constant 0 : i32
      %dma_wait3A_157 = arith.constant 0 : i32
      %dma_wait3A_158 = tpu.memref_slice %arg2[%dma_wait3A_156, %dma_wait3A_157] : memref<100096x8xf32, #tpu.memory_space<hbm>> -> memref<100096x8xf32, #tpu.memory_space<hbm>>
      tpu.wait_indirect_dma semaphore(%arg14 : memref<!tpu.dma_semaphore, #tpu.memory_space<semaphore_mem>>) src(%dma_wait3A_158 : memref<100096x8xf32, #tpu.memory_space<hbm>>) dst(%dma_wait3A_152 : memref<128x8xf32, #tpu.memory_space<vmem>>)
      %run_scoped3A_159 = arith.constant 0 : i32
      "tpu.region"() ({
        %run_scoped3A_160 = tpu.sem_alloc : memref<!tpu.dma_semaphore, #tpu.memory_space<semaphore_mem>>
        %dma_start3A_161 = arith.constant 0 : i32
        %dma_start3A_162 = arith.constant 0 : i32
        %dma_start3A_163 = tpu.memref_slice %arg11[%dma_start3A_161, %dma_start3A_162] : memref<1024x8xf32, #tpu.memory_space<vmem>> -> memref<128x8xf32, #tpu.memory_space<vmem>>
        %dma_start3A_164 = arith.constant 0 : i32
        %dma_start3A_165 = tpu.memref_slice %arg10[%run_scoped3A_159, %dma_start3A_164] : memref<8x128xi32, #tpu.memory_space<vmem>> -> memref<1x128xi32, #tpu.memory_space<vmem>>
        %dma_start3A_166 = tpu.memref_squeeze %dma_start3A_165 : memref<1x128xi32, #tpu.memory_space<vmem>> -> memref<128xi32, #tpu.memory_space<vmem>>
        %dma_start3A_167 = arith.constant 0 : i32
        %dma_start3A_168 = arith.constant 0 : i32
        %dma_start3A_169 = tpu.memref_slice %arg12[%dma_start3A_167, %dma_start3A_168] : memref<100096x8xf32, #tpu.memory_space<vmem_shared>> -> memref<100096x8xf32, #tpu.memory_space<vmem_shared>>
        tpu.enqueue_indirect_dma source(%dma_start3A_163 : memref<128x8xf32, #tpu.memory_space<vmem>>) target(%dma_start3A_169 : memref<100096x8xf32, #tpu.memory_space<vmem_shared>>) offsets(%dma_start3A_166 : memref<128xi32, #tpu.memory_space<vmem>>) semaphore(%run_scoped3A_160 : memref<!tpu.dma_semaphore, #tpu.memory_space<semaphore_mem>>) {add = true}
        %dma_wait3A_170 = arith.constant 0 : i32
        %dma_wait3A_171 = arith.constant 0 : i32
        %dma_wait3A_172 = tpu.memref_slice %arg11[%dma_wait3A_170, %dma_wait3A_171] : memref<1024x8xf32, #tpu.memory_space<vmem>> -> memref<128x8xf32, #tpu.memory_space<vmem>>
        %dma_wait3A_173 = arith.constant 0 : i32
        %dma_wait3A_174 = tpu.memref_slice %arg10[%run_scoped3A_159, %dma_wait3A_173] : memref<8x128xi32, #tpu.memory_space<vmem>> -> memref<1x128xi32, #tpu.memory_space<vmem>>
        %dma_wait3A_175 = tpu.memref_squeeze %dma_wait3A_174 : memref<1x128xi32, #tpu.memory_space<vmem>> -> memref<128xi32, #tpu.memory_space<vmem>>
        %dma_wait3A_176 = arith.constant 0 : i32
        %dma_wait3A_177 = arith.constant 0 : i32
        %dma_wait3A_178 = tpu.memref_slice %arg12[%dma_wait3A_176, %dma_wait3A_177] : memref<100096x8xf32, #tpu.memory_space<vmem_shared>> -> memref<100096x8xf32, #tpu.memory_space<vmem_shared>>
        tpu.wait_indirect_dma semaphore(%run_scoped3A_160 : memref<!tpu.dma_semaphore, #tpu.memory_space<semaphore_mem>>) src(%dma_wait3A_172 : memref<128x8xf32, #tpu.memory_space<vmem>>) dst(%dma_wait3A_178 : memref<100096x8xf32, #tpu.memory_space<vmem_shared>>)
        tpu.yield
      }) : () -> ()
    } else {
    }
    %sub3A_119 = arith.constant 1560 : i32
    %sub3A_120 = arith.subi %select_n3A, %sub3A_119 : i32
    %gt3A_121 = arith.constant 2 : i32
    %gt3A_122 = arith.cmpi sgt, %sub3A_120, %gt3A_121 : i32
    %convert_element_type3A_123 = arith.extui %gt3A_122 : i1 to i32
    %cond3A_124 = arith.constant 0 : i32
    %cond3A_125 = arith.cmpi ne, %convert_element_type3A_123, %cond3A_124 : i32
    scf.if %cond3A_125 {
      %add3A_131 = arith.constant 1560 : i32
      %add3A_132 = arith.addi %add3A_4, %add3A_131 : i32
      %add3A_133 = arith.constant 2 : i32
      %add3A_134 = arith.addi %add3A_132, %add3A_133 : i32
      %run_scoped3A_135 = arith.constant 0 : i32
      %run_scoped3A_136 = arith.constant 0 : i32
      "tpu.region"() ({
        %run_scoped3A_160 = tpu.sem_alloc : memref<!tpu.dma_semaphore, #tpu.memory_space<semaphore_mem>>
        %dma_start3A_161 = arith.constant 0 : i32
        %dma_start3A_162 = tpu.memref_slice %arg9[%run_scoped3A_136, %dma_start3A_161] : memref<8x128xi32, #tpu.memory_space<vmem>> -> memref<1x128xi32, #tpu.memory_space<vmem>>
        %dma_start3A_163 = tpu.memref_squeeze %dma_start3A_162 : memref<1x128xi32, #tpu.memory_space<vmem>> -> memref<128xi32, #tpu.memory_space<vmem>>
        %dma_start3A_164 = arith.constant 0 : i32
        %dma_start3A_165 = tpu.memref_slice %arg3[%run_scoped3A_135, %add3A_134, %dma_start3A_164] : memref<2x50000x128xi32, #tpu.memory_space<hbm>> -> memref<1x1x128xi32, #tpu.memory_space<hbm>>
        %dma_start3A_166 = tpu.memref_squeeze %dma_start3A_165 : memref<1x1x128xi32, #tpu.memory_space<hbm>> -> memref<128xi32, #tpu.memory_space<hbm>>
        %dma_start3A_167 = arith.constant 0 : i32
        %dma_start3A_168 = tpu.memref_slice %arg9[%run_scoped3A_136, %dma_start3A_167] : memref<8x128xi32, #tpu.memory_space<vmem>> -> memref<1x128xi32, #tpu.memory_space<vmem>>
        %dma_start3A_169 = tpu.memref_squeeze %dma_start3A_168 : memref<1x128xi32, #tpu.memory_space<vmem>> -> memref<128xi32, #tpu.memory_space<vmem>>
        %dma_start3A_170 = arith.constant 0 : i32
        %dma_start3A_171 = tpu.memref_slice %arg3[%run_scoped3A_135, %add3A_134, %dma_start3A_170] : memref<2x50000x128xi32, #tpu.memory_space<hbm>> -> memref<1x1x128xi32, #tpu.memory_space<hbm>>
        %dma_start3A_172 = tpu.memref_squeeze %dma_start3A_171 : memref<1x1x128xi32, #tpu.memory_space<hbm>> -> memref<128xi32, #tpu.memory_space<hbm>>
        tpu.enqueue_dma source(%dma_start3A_172 : memref<128xi32, #tpu.memory_space<hbm>>) target(%dma_start3A_169 : memref<128xi32, #tpu.memory_space<vmem>>) target_semaphore(%run_scoped3A_160 : memref<!tpu.dma_semaphore, #tpu.memory_space<semaphore_mem>>)
        %dma_wait3A_173 = arith.constant 0 : i32
        %dma_wait3A_174 = tpu.memref_slice %arg9[%run_scoped3A_136, %dma_wait3A_173] : memref<8x128xi32, #tpu.memory_space<vmem>> -> memref<1x128xi32, #tpu.memory_space<vmem>>
        %dma_wait3A_175 = tpu.memref_squeeze %dma_wait3A_174 : memref<1x128xi32, #tpu.memory_space<vmem>> -> memref<128xi32, #tpu.memory_space<vmem>>
        %dma_wait3A_176 = arith.constant 0 : i32
        %dma_wait3A_177 = tpu.memref_slice %arg3[%run_scoped3A_135, %add3A_134, %dma_wait3A_176] : memref<2x50000x128xi32, #tpu.memory_space<hbm>> -> memref<1x1x128xi32, #tpu.memory_space<hbm>>
        %dma_wait3A_178 = tpu.memref_squeeze %dma_wait3A_177 : memref<1x1x128xi32, #tpu.memory_space<hbm>> -> memref<128xi32, #tpu.memory_space<hbm>>
        %dma_wait3A_179 = arith.constant 0 : i32
        %dma_wait3A_180 = tpu.memref_slice %arg9[%run_scoped3A_136, %dma_wait3A_179] : memref<8x128xi32, #tpu.memory_space<vmem>> -> memref<1x128xi32, #tpu.memory_space<vmem>>
        %dma_wait3A_181 = tpu.memref_squeeze %dma_wait3A_180 : memref<1x128xi32, #tpu.memory_space<vmem>> -> memref<128xi32, #tpu.memory_space<vmem>>
        %dma_wait3A_182 = arith.constant 0 : i32
        %dma_wait3A_183 = tpu.memref_slice %arg3[%run_scoped3A_135, %add3A_134, %dma_wait3A_182] : memref<2x50000x128xi32, #tpu.memory_space<hbm>> -> memref<1x1x128xi32, #tpu.memory_space<hbm>>
        %dma_wait3A_184 = tpu.memref_squeeze %dma_wait3A_183 : memref<1x1x128xi32, #tpu.memory_space<hbm>> -> memref<128xi32, #tpu.memory_space<hbm>>
        tpu.wait_dma2 semaphore(%run_scoped3A_160 : memref<!tpu.dma_semaphore, #tpu.memory_space<semaphore_mem>>) src(%dma_wait3A_184 : memref<128xi32, #tpu.memory_space<hbm>>) dst(%dma_wait3A_181 : memref<128xi32, #tpu.memory_space<vmem>>)
        tpu.yield
      }) : () -> ()
      %run_scoped3A_137 = arith.constant 1 : i32
      %run_scoped3A_138 = arith.constant 0 : i32
      "tpu.region"() ({
        %run_scoped3A_160 = tpu.sem_alloc : memref<!tpu.dma_semaphore, #tpu.memory_space<semaphore_mem>>
        %dma_start3A_161 = arith.constant 0 : i32
        %dma_start3A_162 = tpu.memref_slice %arg10[%run_scoped3A_138, %dma_start3A_161] : memref<8x128xi32, #tpu.memory_space<vmem>> -> memref<1x128xi32, #tpu.memory_space<vmem>>
        %dma_start3A_163 = tpu.memref_squeeze %dma_start3A_162 : memref<1x128xi32, #tpu.memory_space<vmem>> -> memref<128xi32, #tpu.memory_space<vmem>>
        %dma_start3A_164 = arith.constant 0 : i32
        %dma_start3A_165 = tpu.memref_slice %arg3[%run_scoped3A_137, %add3A_134, %dma_start3A_164] : memref<2x50000x128xi32, #tpu.memory_space<hbm>> -> memref<1x1x128xi32, #tpu.memory_space<hbm>>
        %dma_start3A_166 = tpu.memref_squeeze %dma_start3A_165 : memref<1x1x128xi32, #tpu.memory_space<hbm>> -> memref<128xi32, #tpu.memory_space<hbm>>
        %dma_start3A_167 = arith.constant 0 : i32
        %dma_start3A_168 = tpu.memref_slice %arg10[%run_scoped3A_138, %dma_start3A_167] : memref<8x128xi32, #tpu.memory_space<vmem>> -> memref<1x128xi32, #tpu.memory_space<vmem>>
        %dma_start3A_169 = tpu.memref_squeeze %dma_start3A_168 : memref<1x128xi32, #tpu.memory_space<vmem>> -> memref<128xi32, #tpu.memory_space<vmem>>
        %dma_start3A_170 = arith.constant 0 : i32
        %dma_start3A_171 = tpu.memref_slice %arg3[%run_scoped3A_137, %add3A_134, %dma_start3A_170] : memref<2x50000x128xi32, #tpu.memory_space<hbm>> -> memref<1x1x128xi32, #tpu.memory_space<hbm>>
        %dma_start3A_172 = tpu.memref_squeeze %dma_start3A_171 : memref<1x1x128xi32, #tpu.memory_space<hbm>> -> memref<128xi32, #tpu.memory_space<hbm>>
        tpu.enqueue_dma source(%dma_start3A_172 : memref<128xi32, #tpu.memory_space<hbm>>) target(%dma_start3A_169 : memref<128xi32, #tpu.memory_space<vmem>>) target_semaphore(%run_scoped3A_160 : memref<!tpu.dma_semaphore, #tpu.memory_space<semaphore_mem>>)
        %dma_wait3A_173 = arith.constant 0 : i32
        %dma_wait3A_174 = tpu.memref_slice %arg10[%run_scoped3A_138, %dma_wait3A_173] : memref<8x128xi32, #tpu.memory_space<vmem>> -> memref<1x128xi32, #tpu.memory_space<vmem>>
        %dma_wait3A_175 = tpu.memref_squeeze %dma_wait3A_174 : memref<1x128xi32, #tpu.memory_space<vmem>> -> memref<128xi32, #tpu.memory_space<vmem>>
        %dma_wait3A_176 = arith.constant 0 : i32
        %dma_wait3A_177 = tpu.memref_slice %arg3[%run_scoped3A_137, %add3A_134, %dma_wait3A_176] : memref<2x50000x128xi32, #tpu.memory_space<hbm>> -> memref<1x1x128xi32, #tpu.memory_space<hbm>>
        %dma_wait3A_178 = tpu.memref_squeeze %dma_wait3A_177 : memref<1x1x128xi32, #tpu.memory_space<hbm>> -> memref<128xi32, #tpu.memory_space<hbm>>
        %dma_wait3A_179 = arith.constant 0 : i32
        %dma_wait3A_180 = tpu.memref_slice %arg10[%run_scoped3A_138, %dma_wait3A_179] : memref<8x128xi32, #tpu.memory_space<vmem>> -> memref<1x128xi32, #tpu.memory_space<vmem>>
        %dma_wait3A_181 = tpu.memref_squeeze %dma_wait3A_180 : memref<1x128xi32, #tpu.memory_space<vmem>> -> memref<128xi32, #tpu.memory_space<vmem>>
        %dma_wait3A_182 = arith.constant 0 : i32
        %dma_wait3A_183 = tpu.memref_slice %arg3[%run_scoped3A_137, %add3A_134, %dma_wait3A_182] : memref<2x50000x128xi32, #tpu.memory_space<hbm>> -> memref<1x1x128xi32, #tpu.memory_space<hbm>>
        %dma_wait3A_184 = tpu.memref_squeeze %dma_wait3A_183 : memref<1x1x128xi32, #tpu.memory_space<hbm>> -> memref<128xi32, #tpu.memory_space<hbm>>
        tpu.wait_dma2 semaphore(%run_scoped3A_160 : memref<!tpu.dma_semaphore, #tpu.memory_space<semaphore_mem>>) src(%dma_wait3A_184 : memref<128xi32, #tpu.memory_space<hbm>>) dst(%dma_wait3A_181 : memref<128xi32, #tpu.memory_space<vmem>>)
        tpu.yield
      }) : () -> ()
      %dma_start3A_139 = arith.constant 0 : i32
      %dma_start3A_140 = arith.constant 0 : i32
      %dma_start3A_141 = arith.constant 0 : i32
      %dma_start3A_142 = tpu.memref_slice %arg11[%dma_start3A_140, %dma_start3A_141] : memref<1024x8xf32, #tpu.memory_space<vmem>> -> memref<128x8xf32, #tpu.memory_space<vmem>>
      %dma_start3A_143 = arith.constant 0 : i32
      %dma_start3A_144 = tpu.memref_slice %arg9[%dma_start3A_139, %dma_start3A_143] : memref<8x128xi32, #tpu.memory_space<vmem>> -> memref<1x128xi32, #tpu.memory_space<vmem>>
      %dma_start3A_145 = tpu.memref_squeeze %dma_start3A_144 : memref<1x128xi32, #tpu.memory_space<vmem>> -> memref<128xi32, #tpu.memory_space<vmem>>
      %dma_start3A_146 = arith.constant 0 : i32
      %dma_start3A_147 = arith.constant 0 : i32
      %dma_start3A_148 = tpu.memref_slice %arg2[%dma_start3A_146, %dma_start3A_147] : memref<100096x8xf32, #tpu.memory_space<hbm>> -> memref<100096x8xf32, #tpu.memory_space<hbm>>
      tpu.enqueue_indirect_dma source(%dma_start3A_148 : memref<100096x8xf32, #tpu.memory_space<hbm>>) target(%dma_start3A_142 : memref<128x8xf32, #tpu.memory_space<vmem>>) offsets(%dma_start3A_145 : memref<128xi32, #tpu.memory_space<vmem>>) semaphore(%arg14 : memref<!tpu.dma_semaphore, #tpu.memory_space<semaphore_mem>>)
      %dma_wait3A_149 = arith.constant 0 : i32
      %dma_wait3A_150 = arith.constant 0 : i32
      %dma_wait3A_151 = arith.constant 0 : i32
      %dma_wait3A_152 = tpu.memref_slice %arg11[%dma_wait3A_150, %dma_wait3A_151] : memref<1024x8xf32, #tpu.memory_space<vmem>> -> memref<128x8xf32, #tpu.memory_space<vmem>>
      %dma_wait3A_153 = arith.constant 0 : i32
      %dma_wait3A_154 = tpu.memref_slice %arg9[%dma_wait3A_149, %dma_wait3A_153] : memref<8x128xi32, #tpu.memory_space<vmem>> -> memref<1x128xi32, #tpu.memory_space<vmem>>
      %dma_wait3A_155 = tpu.memref_squeeze %dma_wait3A_154 : memref<1x128xi32, #tpu.memory_space<vmem>> -> memref<128xi32, #tpu.memory_space<vmem>>
      %dma_wait3A_156 = arith.constant 0 : i32
      %dma_wait3A_157 = arith.constant 0 : i32
      %dma_wait3A_158 = tpu.memref_slice %arg2[%dma_wait3A_156, %dma_wait3A_157] : memref<100096x8xf32, #tpu.memory_space<hbm>> -> memref<100096x8xf32, #tpu.memory_space<hbm>>
      tpu.wait_indirect_dma semaphore(%arg14 : memref<!tpu.dma_semaphore, #tpu.memory_space<semaphore_mem>>) src(%dma_wait3A_158 : memref<100096x8xf32, #tpu.memory_space<hbm>>) dst(%dma_wait3A_152 : memref<128x8xf32, #tpu.memory_space<vmem>>)
      %run_scoped3A_159 = arith.constant 0 : i32
      "tpu.region"() ({
        %run_scoped3A_160 = tpu.sem_alloc : memref<!tpu.dma_semaphore, #tpu.memory_space<semaphore_mem>>
        %dma_start3A_161 = arith.constant 0 : i32
        %dma_start3A_162 = arith.constant 0 : i32
        %dma_start3A_163 = tpu.memref_slice %arg11[%dma_start3A_161, %dma_start3A_162] : memref<1024x8xf32, #tpu.memory_space<vmem>> -> memref<128x8xf32, #tpu.memory_space<vmem>>
        %dma_start3A_164 = arith.constant 0 : i32
        %dma_start3A_165 = tpu.memref_slice %arg10[%run_scoped3A_159, %dma_start3A_164] : memref<8x128xi32, #tpu.memory_space<vmem>> -> memref<1x128xi32, #tpu.memory_space<vmem>>
        %dma_start3A_166 = tpu.memref_squeeze %dma_start3A_165 : memref<1x128xi32, #tpu.memory_space<vmem>> -> memref<128xi32, #tpu.memory_space<vmem>>
        %dma_start3A_167 = arith.constant 0 : i32
        %dma_start3A_168 = arith.constant 0 : i32
        %dma_start3A_169 = tpu.memref_slice %arg12[%dma_start3A_167, %dma_start3A_168] : memref<100096x8xf32, #tpu.memory_space<vmem_shared>> -> memref<100096x8xf32, #tpu.memory_space<vmem_shared>>
        tpu.enqueue_indirect_dma source(%dma_start3A_163 : memref<128x8xf32, #tpu.memory_space<vmem>>) target(%dma_start3A_169 : memref<100096x8xf32, #tpu.memory_space<vmem_shared>>) offsets(%dma_start3A_166 : memref<128xi32, #tpu.memory_space<vmem>>) semaphore(%run_scoped3A_160 : memref<!tpu.dma_semaphore, #tpu.memory_space<semaphore_mem>>) {add = true}
        %dma_wait3A_170 = arith.constant 0 : i32
        %dma_wait3A_171 = arith.constant 0 : i32
        %dma_wait3A_172 = tpu.memref_slice %arg11[%dma_wait3A_170, %dma_wait3A_171] : memref<1024x8xf32, #tpu.memory_space<vmem>> -> memref<128x8xf32, #tpu.memory_space<vmem>>
        %dma_wait3A_173 = arith.constant 0 : i32
        %dma_wait3A_174 = tpu.memref_slice %arg10[%run_scoped3A_159, %dma_wait3A_173] : memref<8x128xi32, #tpu.memory_space<vmem>> -> memref<1x128xi32, #tpu.memory_space<vmem>>
        %dma_wait3A_175 = tpu.memref_squeeze %dma_wait3A_174 : memref<1x128xi32, #tpu.memory_space<vmem>> -> memref<128xi32, #tpu.memory_space<vmem>>
        %dma_wait3A_176 = arith.constant 0 : i32
        %dma_wait3A_177 = arith.constant 0 : i32
        %dma_wait3A_178 = tpu.memref_slice %arg12[%dma_wait3A_176, %dma_wait3A_177] : memref<100096x8xf32, #tpu.memory_space<vmem_shared>> -> memref<100096x8xf32, #tpu.memory_space<vmem_shared>>
        tpu.wait_indirect_dma semaphore(%run_scoped3A_160 : memref<!tpu.dma_semaphore, #tpu.memory_space<semaphore_mem>>) src(%dma_wait3A_172 : memref<128x8xf32, #tpu.memory_space<vmem>>) dst(%dma_wait3A_178 : memref<100096x8xf32, #tpu.memory_space<vmem_shared>>)
        tpu.yield
      }) : () -> ()
    } else {
    }
    %barrier3A_126 = arith.constant 0 : index
    tpu.barrier barrier_id(%barrier3A_126)
    %mul3A_127 = arith.constant 6256 : i32
    %mul3A_128 = arith.muli %arg1, %mul3A_127 : i32
    %mul3A_129 = arith.constant 6256 : i32
    %mul3A_130 = arith.muli %arg1, %mul3A_129 : i32
    "tpu.region"() ({
      %run_scoped3A_131 = tpu.sem_alloc : memref<!tpu.dma_semaphore, #tpu.memory_space<semaphore_mem>>
      %dma_start3A_132 = arith.constant 0 : i32
      %dma_start3A_133 = tpu.memref_slice %arg5[%arg0, %mul3A_130, %dma_start3A_132] : memref<2x100096x8xf32, #tpu.memory_space<hbm>> -> memref<1x6256x8xf32, #tpu.memory_space<hbm>>
      %dma_start3A_134 = tpu.memref_squeeze %dma_start3A_133 : memref<1x6256x8xf32, #tpu.memory_space<hbm>> -> memref<6256x8xf32, #tpu.memory_space<hbm>>
      %dma_start3A_135 = arith.constant 0 : i32
      %dma_start3A_136 = tpu.memref_slice %arg12[%mul3A_128, %dma_start3A_135] : memref<100096x8xf32, #tpu.memory_space<vmem_shared>> -> memref<6256x8xf32, #tpu.memory_space<vmem_shared>>
      tpu.enqueue_dma source(%dma_start3A_136 : memref<6256x8xf32, #tpu.memory_space<vmem_shared>>) target(%dma_start3A_134 : memref<6256x8xf32, #tpu.memory_space<hbm>>) target_semaphore(%run_scoped3A_131 : memref<!tpu.dma_semaphore, #tpu.memory_space<semaphore_mem>>)
      %dma_wait3A_137 = arith.constant 0 : i32
      %dma_wait3A_138 = tpu.memref_slice %arg5[%arg0, %mul3A_130, %dma_wait3A_137] : memref<2x100096x8xf32, #tpu.memory_space<hbm>> -> memref<1x6256x8xf32, #tpu.memory_space<hbm>>
      %dma_wait3A_139 = tpu.memref_squeeze %dma_wait3A_138 : memref<1x6256x8xf32, #tpu.memory_space<hbm>> -> memref<6256x8xf32, #tpu.memory_space<hbm>>
      %dma_wait3A_140 = arith.constant 0 : i32
      %dma_wait3A_141 = tpu.memref_slice %arg12[%mul3A_128, %dma_wait3A_140] : memref<100096x8xf32, #tpu.memory_space<vmem_shared>> -> memref<6256x8xf32, #tpu.memory_space<vmem_shared>>
      tpu.wait_dma2 semaphore(%run_scoped3A_131 : memref<!tpu.dma_semaphore, #tpu.memory_space<semaphore_mem>>) src(%dma_wait3A_141 : memref<6256x8xf32, #tpu.memory_space<vmem_shared>>) dst(%dma_wait3A_139 : memref<6256x8xf32, #tpu.memory_space<hbm>>)
      tpu.yield
    }) : () -> ()
    return
  }
}

module attributes {stable_mosaic.version = 14 : i64} {
  func.func @_tc_body(%arg0: i32, %arg1: memref<2000x4xf32, #tpu.memory_space<vmem>>, %arg2: memref<1x2000x8xf32, #tpu.memory_space<vmem>>, %arg3: memref<1x2000x8xf32, #tpu.memory_space<vmem>>, %arg4: memref<1x1x2000xi32, #tpu.memory_space<vmem>>, %arg5: memref<4x64xf32, #tpu.memory_space<vmem>>, %arg6: memref<1x64xf32, #tpu.memory_space<vmem>>, %arg7: memref<64x64xf32, #tpu.memory_space<vmem>>, %arg8: memref<1x64xf32, #tpu.memory_space<vmem>>, %arg9: memref<64x128xf32, #tpu.memory_space<vmem>>, %arg10: memref<1x128xf32, #tpu.memory_space<vmem>>, %arg11: memref<512x128xf32, #tpu.memory_space<vmem>>, %arg12: memref<512x128xf32, #tpu.memory_space<vmem>>) attributes {dimension_semantics = [#tpu.dimension_semantics<arbitrary>], iteration_bounds = array<i64: 50>, scalar_prefetch = 0 : i64, scratch_operands = 1 : i64, tpu.core_type = #tpu.core_type<tc>, window_params = [{transform_indices = @transform_0, window_bounds = array<i64: 2000, 4>}, {transform_indices = @transform_1, window_bounds = array<i64: 1, 2000, 8>}, {transform_indices = @transform_2, window_bounds = array<i64: 1, 2000, 8>}, {transform_indices = @transform_3, window_bounds = array<i64: 1, 1, 2000>}, {pipeline_mode = #tpu.pipeline_mode<synchronous>, transform_indices = @transform_4, window_bounds = array<i64: 4, 64>}, {pipeline_mode = #tpu.pipeline_mode<synchronous>, transform_indices = @transform_5, window_bounds = array<i64: 1, 64>}, {pipeline_mode = #tpu.pipeline_mode<synchronous>, transform_indices = @transform_6, window_bounds = array<i64: 64, 64>}, {pipeline_mode = #tpu.pipeline_mode<synchronous>, transform_indices = @transform_7, window_bounds = array<i64: 1, 64>}, {pipeline_mode = #tpu.pipeline_mode<synchronous>, transform_indices = @transform_8, window_bounds = array<i64: 64, 128>}, {pipeline_mode = #tpu.pipeline_mode<synchronous>, transform_indices = @transform_9, window_bounds = array<i64: 1, 128>}, {pipeline_mode = #tpu.pipeline_mode<synchronous>, transform_indices = @transform_10, window_bounds = array<i64: 512, 128>}]} {
    %get3A = arith.constant 0 : index
    %get3A_0 = arith.constant 0 : index
    %get3A_1 = vector.load %arg1[%get3A, %get3A_0] : memref<2000x4xf32, #tpu.memory_space<vmem>>, vector<2000x4xf32>
    %get3A_2 = arith.constant 0 : index
    %get3A_3 = arith.constant 0 : index
    %get3A_4 = arith.constant 0 : index
    %get3A_5 = vector.load %arg2[%get3A_2, %get3A_3, %get3A_4] : memref<1x2000x8xf32, #tpu.memory_space<vmem>>, vector<1x2000x4xf32>
    %get3A_6 = vector.shape_cast %get3A_5 : vector<1x2000x4xf32> to vector<2000x4xf32>
    %add3A = arith.addf %get3A_1, %get3A_6 : vector<2000x4xf32>
    %get3A_7 = arith.constant 0 : index
    %get3A_8 = arith.constant 0 : index
    %get3A_9 = arith.constant 0 : index
    %get3A_10 = vector.load %arg3[%get3A_7, %get3A_8, %get3A_9] : memref<1x2000x8xf32, #tpu.memory_space<vmem>>, vector<1x2000x4xf32>
    %get3A_11 = vector.shape_cast %get3A_10 : vector<1x2000x4xf32> to vector<2000x4xf32>
    %add3A_12 = arith.addf %add3A, %get3A_11 : vector<2000x4xf32>
    %get3A_13 = arith.constant 0 : index
    %get3A_14 = arith.constant 0 : index
    %get3A_15 = vector.load %arg6[%get3A_13, %get3A_14] : memref<1x64xf32, #tpu.memory_space<vmem>>, vector<1x64xf32>
    %slice3A = vector.extract_strided_slice %add3A_12 {offsets = [0, 0], sizes = [2000, 1], strides = [1, 1]} : vector<2000x4xf32> to vector<2000x1xf32>
    %get3A_16 = arith.constant 0 : index
    %get3A_17 = arith.constant 0 : index
    %get3A_18 = vector.load %arg5[%get3A_16, %get3A_17] : memref<4x64xf32, #tpu.memory_space<vmem>>, vector<1x64xf32>
    %mul3A = vector.broadcast %slice3A : vector<2000x1xf32> to vector<2000x64xf32>
    %mul3A_19 = vector.broadcast %get3A_18 : vector<1x64xf32> to vector<2000x64xf32>
    %mul3A_20 = arith.mulf %mul3A, %mul3A_19 : vector<2000x64xf32>
    %add3A_21 = vector.broadcast %get3A_15 : vector<1x64xf32> to vector<2000x64xf32>
    %add3A_22 = arith.addf %add3A_21, %mul3A_20 : vector<2000x64xf32>
    %slice3A_23 = vector.extract_strided_slice %add3A_12 {offsets = [0, 1], sizes = [2000, 1], strides = [1, 1]} : vector<2000x4xf32> to vector<2000x1xf32>
    %get3A_24 = arith.constant 1 : index
    %get3A_25 = arith.constant 0 : index
    %get3A_26 = vector.load %arg5[%get3A_24, %get3A_25] : memref<4x64xf32, #tpu.memory_space<vmem>>, vector<1x64xf32>
    %mul3A_27 = vector.broadcast %slice3A_23 : vector<2000x1xf32> to vector<2000x64xf32>
    %mul3A_28 = vector.broadcast %get3A_26 : vector<1x64xf32> to vector<2000x64xf32>
    %mul3A_29 = arith.mulf %mul3A_27, %mul3A_28 : vector<2000x64xf32>
    %add3A_30 = arith.addf %add3A_22, %mul3A_29 : vector<2000x64xf32>
    %slice3A_31 = vector.extract_strided_slice %add3A_12 {offsets = [0, 2], sizes = [2000, 1], strides = [1, 1]} : vector<2000x4xf32> to vector<2000x1xf32>
    %get3A_32 = arith.constant 2 : index
    %get3A_33 = arith.constant 0 : index
    %get3A_34 = vector.load %arg5[%get3A_32, %get3A_33] : memref<4x64xf32, #tpu.memory_space<vmem>>, vector<1x64xf32>
    %mul3A_35 = vector.broadcast %slice3A_31 : vector<2000x1xf32> to vector<2000x64xf32>
    %mul3A_36 = vector.broadcast %get3A_34 : vector<1x64xf32> to vector<2000x64xf32>
    %mul3A_37 = arith.mulf %mul3A_35, %mul3A_36 : vector<2000x64xf32>
    %add3A_38 = arith.addf %add3A_30, %mul3A_37 : vector<2000x64xf32>
    %slice3A_39 = vector.extract_strided_slice %add3A_12 {offsets = [0, 3], sizes = [2000, 1], strides = [1, 1]} : vector<2000x4xf32> to vector<2000x1xf32>
    %get3A_40 = arith.constant 3 : index
    %get3A_41 = arith.constant 0 : index
    %get3A_42 = vector.load %arg5[%get3A_40, %get3A_41] : memref<4x64xf32, #tpu.memory_space<vmem>>, vector<1x64xf32>
    %mul3A_43 = vector.broadcast %slice3A_39 : vector<2000x1xf32> to vector<2000x64xf32>
    %mul3A_44 = vector.broadcast %get3A_42 : vector<1x64xf32> to vector<2000x64xf32>
    %mul3A_45 = arith.mulf %mul3A_43, %mul3A_44 : vector<2000x64xf32>
    %add3A_46 = arith.addf %add3A_38, %mul3A_45 : vector<2000x64xf32>
    %max3A = arith.constant 0.000000e+00 : f32
    %max3A_47 = vector.broadcast %max3A : f32 to vector<2000x64xf32>
    %max3A_48 = arith.maximumf %add3A_46, %max3A_47 : vector<2000x64xf32>
    %broadcast_in_dim3A = arith.constant 1.000000e+00 : f32
    %broadcast_in_dim3A_49 = vector.broadcast %broadcast_in_dim3A : f32 to vector<2000x1xf32>
    %broadcast_in_dim3A_50 = arith.constant 0.000000e+00 : f32
    %broadcast_in_dim3A_51 = vector.broadcast %broadcast_in_dim3A_50 : f32 to vector<2000x63xf32>
    %concatenate3A = tpu.concatenate %max3A_48, %broadcast_in_dim3A_49, %broadcast_in_dim3A_51 in 1 : vector<2000x64xf32>, vector<2000x1xf32>, vector<2000x63xf32> -> vector<2000x128xf32>
    %get3A_52 = arith.constant 0 : index
    %get3A_53 = arith.constant 0 : index
    %get3A_54 = arith.constant 0 : index
    %get3A_55 = vector.load %arg4[%get3A_52, %get3A_53, %get3A_54] : memref<1x1x2000xi32, #tpu.memory_space<vmem>>, vector<1x1x2000xi32>
    %get3A_56 = vector.shape_cast %get3A_55 : vector<1x1x2000xi32> to vector<1x2000xi32>
    %iota3A = tpu.iota {dimensions = array<i32: 0>} : vector<512x2000xi32>
    %eq3A = vector.broadcast %get3A_56 : vector<1x2000xi32> to vector<512x2000xi32>
    %eq3A_57 = arith.cmpi eq, %iota3A, %eq3A : vector<512x2000xi32>
    %convert_element_type3A = arith.extui %eq3A_57 : vector<512x2000xi1> to vector<512x2000xi32>
    %convert_element_type3A_58 = arith.sitofp %convert_element_type3A : vector<512x2000xi32> to vector<512x2000xf32>
    %dot_general3A = arith.constant dense<0.000000e+00> : vector<512x128xf32>
    %dot_general3A_59 = tpu.matmul %convert_element_type3A_58, %concatenate3A, %dot_general3A {dimension_numbers = #tpu.dot_dimension_numbers<[1], [0], [0], [1], [0, 0, 1, 1], [], []>, transpose_lhs_hint = false} : vector<512x2000xf32>, vector<2000x128xf32>, vector<512x128xf32> -> vector<512x128xf32>
    %eq3A_60 = arith.constant 0 : i32
    %eq3A_61 = arith.cmpi eq, %arg0, %eq3A_60 : i32
    %convert_element_type3A_62 = arith.extui %eq3A_61 : i1 to i32
    %cond3A = arith.constant 0 : i32
    %cond3A_63 = arith.cmpi ne, %convert_element_type3A_62, %cond3A : i32
    scf.if %cond3A_63 {
      %broadcast_in_dim3A_75 = arith.constant 0.000000e+00 : f32
      %broadcast_in_dim3A_76 = vector.broadcast %broadcast_in_dim3A_75 : f32 to vector<512x128xf32>
      %swap3A_77 = arith.constant 0 : index
      %swap3A_78 = arith.constant 0 : index
      %swap3A_79 = vector.load %arg12[%swap3A_77, %swap3A_78] : memref<512x128xf32, #tpu.memory_space<vmem>>, vector<512x128xf32>
      tpu.vector_store %arg12[%swap3A_77, %swap3A_78], %broadcast_in_dim3A_76 {strides = array<i32>} : memref<512x128xf32, #tpu.memory_space<vmem>>, vector<512x128xf32>,
    } else {
    }
    %get3A_64 = arith.constant 0 : index
    %get3A_65 = arith.constant 0 : index
    %get3A_66 = vector.load %arg12[%get3A_64, %get3A_65] : memref<512x128xf32, #tpu.memory_space<vmem>>, vector<512x128xf32>
    %add3A_67 = arith.addf %get3A_66, %dot_general3A_59 : vector<512x128xf32>
    %swap3A = arith.constant 0 : index
    %swap3A_68 = arith.constant 0 : index
    %swap3A_69 = vector.load %arg12[%swap3A, %swap3A_68] : memref<512x128xf32, #tpu.memory_space<vmem>>, vector<512x128xf32>
    tpu.vector_store %arg12[%swap3A, %swap3A_68], %add3A_67 {strides = array<i32>} : memref<512x128xf32, #tpu.memory_space<vmem>>, vector<512x128xf32>,
    %eq3A_70 = arith.constant 49 : i32
    %eq3A_71 = arith.cmpi eq, %arg0, %eq3A_70 : i32
    %convert_element_type3A_72 = arith.extui %eq3A_71 : i1 to i32
    %cond3A_73 = arith.constant 0 : i32
    %cond3A_74 = arith.cmpi ne, %convert_element_type3A_72, %cond3A_73 : i32
    scf.if %cond3A_74 {
      %get3A_75 = arith.constant 0 : index
      %get3A_76 = arith.constant 0 : index
      %get3A_77 = vector.load %arg12[%get3A_75, %get3A_76] : memref<512x128xf32, #tpu.memory_space<vmem>>, vector<512x128xf32>
      %slice3A_78 = vector.extract_strided_slice %get3A_77 {offsets = [0, 64], sizes = [512, 1], strides = [1, 1]} : vector<512x128xf32> to vector<512x1xf32>
      %max3A_79 = arith.constant 1.000000e+00 : f32
      %max3A_80 = vector.broadcast %max3A_79 : f32 to vector<512x1xf32>
      %max3A_81 = arith.maximumf %slice3A_78, %max3A_80 : vector<512x1xf32>
      %slice3A_82 = vector.extract_strided_slice %get3A_77 {offsets = [0, 0], sizes = [512, 64], strides = [1, 1]} : vector<512x128xf32> to vector<512x64xf32>
      %div3A = vector.broadcast %max3A_81 : vector<512x1xf32> to vector<512x64xf32>
      %div3A_83 = arith.divf %slice3A_82, %div3A : vector<512x64xf32>
      %get3A_84 = arith.constant 0 : index
      %get3A_85 = arith.constant 0 : index
      %get3A_86 = vector.load %arg7[%get3A_84, %get3A_85] : memref<64x64xf32, #tpu.memory_space<vmem>>, vector<64x64xf32>
      %get3A_87 = arith.constant 0 : index
      %get3A_88 = arith.constant 0 : index
      %get3A_89 = vector.load %arg9[%get3A_87, %get3A_88] : memref<64x128xf32, #tpu.memory_space<vmem>>, vector<64x128xf32>
      %dot_general3A_90 = arith.constant dense<0.000000e+00> : vector<64x128xf32>
      %dot_general3A_91 = tpu.matmul %get3A_86, %get3A_89, %dot_general3A_90 {dimension_numbers = #tpu.dot_dimension_numbers<[1], [0], [0], [1], [0, 0, 1, 1], [], []>, transpose_lhs_hint = false} : vector<64x64xf32>, vector<64x128xf32>, vector<64x128xf32> -> vector<64x128xf32>
      %get3A_92 = arith.constant 0 : index
      %get3A_93 = arith.constant 0 : index
      %get3A_94 = vector.load %arg8[%get3A_92, %get3A_93] : memref<1x64xf32, #tpu.memory_space<vmem>>, vector<1x64xf32>
      %get3A_95 = arith.constant 0 : index
      %get3A_96 = arith.constant 0 : index
      %get3A_97 = vector.load %arg9[%get3A_95, %get3A_96] : memref<64x128xf32, #tpu.memory_space<vmem>>, vector<64x128xf32>
      %dot_general3A_98 = arith.constant dense<0.000000e+00> : vector<1x128xf32>
      %dot_general3A_99 = tpu.matmul %get3A_94, %get3A_97, %dot_general3A_98 {dimension_numbers = #tpu.dot_dimension_numbers<[1], [0], [0], [1], [0, 0, 1, 1], [], []>, transpose_lhs_hint = false} : vector<1x64xf32>, vector<64x128xf32>, vector<1x128xf32> -> vector<1x128xf32>
      %get3A_100 = arith.constant 0 : index
      %get3A_101 = arith.constant 0 : index
      %get3A_102 = vector.load %arg10[%get3A_100, %get3A_101] : memref<1x128xf32, #tpu.memory_space<vmem>>, vector<1x128xf32>
      %add3A_103 = arith.addf %dot_general3A_99, %get3A_102 : vector<1x128xf32>
      %dot_general3A_104 = arith.constant dense<0.000000e+00> : vector<512x128xf32>
      %dot_general3A_105 = tpu.matmul %div3A_83, %dot_general3A_91, %dot_general3A_104 {dimension_numbers = #tpu.dot_dimension_numbers<[1], [0], [0], [1], [0, 0, 1, 1], [], []>, transpose_lhs_hint = false} : vector<512x64xf32>, vector<64x128xf32>, vector<512x128xf32> -> vector<512x128xf32>
      %add3A_106 = vector.broadcast %add3A_103 : vector<1x128xf32> to vector<512x128xf32>
      %add3A_107 = arith.addf %dot_general3A_105, %add3A_106 : vector<512x128xf32>
      %swap3A_108 = arith.constant 0 : index
      %swap3A_109 = arith.constant 0 : index
      %swap3A_110 = vector.load %arg11[%swap3A_108, %swap3A_109] : memref<512x128xf32, #tpu.memory_space<vmem>>, vector<512x128xf32>
      tpu.vector_store %arg11[%swap3A_108, %swap3A_109], %add3A_107 {strides = array<i32>} : memref<512x128xf32, #tpu.memory_space<vmem>>, vector<512x128xf32>,
    } else {
    }
    return
  }
  func.func @transform_0(%arg0: i32) -> (i32, i32) {
    %c0_i32 = arith.constant 0 : i32
    %c0_i32_0 = arith.constant 0 : i32
    return %arg0, %c0_i32 : i32, i32
  }
  func.func @transform_1(%arg0: i32) -> (i32, i32, i32) {
    %c0_i32 = arith.constant 0 : i32
    %c0_i32_0 = arith.constant 0 : i32
    %c0_i32_1 = arith.constant 0 : i32
    return %c0_i32, %arg0, %c0_i32_0 : i32, i32, i32
  }
  func.func @transform_2(%arg0: i32) -> (i32, i32, i32) {
    %c1_i32 = arith.constant 1 : i32
    %c0_i32 = arith.constant 0 : i32
    %c0_i32_0 = arith.constant 0 : i32
    return %c1_i32, %arg0, %c0_i32 : i32, i32, i32
  }
  func.func @transform_3(%arg0: i32) -> (i32, i32, i32) {
    %c0_i32 = arith.constant 0 : i32
    %c0_i32_0 = arith.constant 0 : i32
    %c0_i32_1 = arith.constant 0 : i32
    return %arg0, %c0_i32, %c0_i32_0 : i32, i32, i32
  }
  func.func @transform_4(%arg0: i32) -> (i32, i32) {
    %c0_i32 = arith.constant 0 : i32
    %c0_i32_0 = arith.constant 0 : i32
    %c0_i32_1 = arith.constant 0 : i32
    return %c0_i32, %c0_i32_0 : i32, i32
  }
  func.func @transform_5(%arg0: i32) -> (i32, i32) {
    %c0_i32 = arith.constant 0 : i32
    %c0_i32_0 = arith.constant 0 : i32
    %c0_i32_1 = arith.constant 0 : i32
    return %c0_i32, %c0_i32_0 : i32, i32
  }
  func.func @transform_6(%arg0: i32) -> (i32, i32) {
    %c0_i32 = arith.constant 0 : i32
    %c0_i32_0 = arith.constant 0 : i32
    %c0_i32_1 = arith.constant 0 : i32
    return %c0_i32, %c0_i32_0 : i32, i32
  }
  func.func @transform_7(%arg0: i32) -> (i32, i32) {
    %c0_i32 = arith.constant 0 : i32
    %c0_i32_0 = arith.constant 0 : i32
    %c0_i32_1 = arith.constant 0 : i32
    return %c0_i32, %c0_i32_0 : i32, i32
  }
  func.func @transform_8(%arg0: i32) -> (i32, i32) {
    %c0_i32 = arith.constant 0 : i32
    %c0_i32_0 = arith.constant 0 : i32
    %c0_i32_1 = arith.constant 0 : i32
    return %c0_i32, %c0_i32_0 : i32, i32
  }
  func.func @transform_9(%arg0: i32) -> (i32, i32) {
    %c0_i32 = arith.constant 0 : i32
    %c0_i32_0 = arith.constant 0 : i32
    %c0_i32_1 = arith.constant 0 : i32
    return %c0_i32, %c0_i32_0 : i32, i32
  }
  func.func @transform_10(%arg0: i32) -> (i32, i32) {
    %c0_i32 = arith.constant 0 : i32
    %c0_i32_0 = arith.constant 0 : i32
    %c0_i32_1 = arith.constant 0 : i32
    return %c0_i32, %c0_i32_0 : i32, i32
  }
}

</mosaic_0001>

<sc_bundles>
// kernel: kernel.4.cloned.1.call-start
scs
__scs_entry_jumppad:
0x0: {  	(pc) =	sbr.rel $0x88, $3  }
0x1: {  	(tag) =	ssettag $0x0;
	lr =	simm.s32 $0x1  }
0x2: {  	[smem:$0x3F98] =	sst lr;
	_ =	strace $0xD0000000  }
0x3: {  	_ = 	snop  }
0x4: {  	_ = 	snop  }
0x5: {  	_ = 	snop  }
0x6: {  	_ = 	snop  }
0x7: {  	_ = 	snop  }
__scs_overlays_trampoline_lowered:
0x8: {  	[smem:$0x3FA7] =	sst s0  }
0x9: {  	[smem:$0x3FA8] =	sst s1  }
0xa: {  	[smem:$0x3FA9] =	sst s2  }
0xb: {  	[smem:$0x3FAA] =	sst s3  }
0xc: {  	[smem:$0x3FAB] =	sst s4  }
0xd: {  	[smem:$0x3FAC] =	sst s5  }
0xe: {  	[smem:$0x3FAD] =	sst s6  }
0xf: {  	[smem:$0x3FAE] =	sst s7  }
0x10: {  	[smem:$0x3FAF] =	sst s8  }
0x11: {  	[smem:$0x3FB0] =	sst s9;
	s0 =	simm.s32 @!p0 $0x0  }
0x12: {  	s1 =	sld [smem:$0x3F96];
	s0 =	simm.s32 @p0 $0x1  }
0x13: {  	[smem:$0x3FB1] =	sst s0;
	s0 =	simm.s32 @!p1 $0x0  }
0x14: {  	s2 =	sld [smem:$0x3F95];
	s0 =	simm.s32 @p1 $0x1  }
0x15: {  	[smem:$0x3FB2] =	sst s0;
	s0 =	simm.s32 @!p2 $0x0  }
0x16: {  	s3 =	sld [smem:$0x3FDB];
	s0 =	simm.s32 @p2 $0x1  }
0x17: {  	s4 =	simm.s32 $0x1BF5;
	[smem:$0x3FB4] =	sst s0  }
0x18: {  	s0 =	sld [smem:$0x3F97];
	_ =	swait.ge [sflag:s4], $0x0  }
0x19: {  	s7 =	sld [smem:$0x3F98]  }
0x1a: {  	s8 =	sadd.s32 $0xFFFFE003, lr  }
0x1b: {  	s9 =	sadd.s32 $0xFFFFFEF7, lr;
	s5 =	simm.s32 $0xFFFFFFFF;
	p2 =	slt.u32 s8, $0xFFFFF086  }
0x1c: {  	p1 =	slt.u32 s9, $0xF7A;
	s5 =	simm.s32 @!p2 $0x0  }
0x1d: {  	s5 =	simm.s32 @p1 $0x1;
	p0 =	seq.s32 s7, s2  }
0x1e: {  	s7 =	smul.u32 @!p0 $0xF7A, s2;
	p2 =	seq.s32 @!p0 s5, $0x0  }
0x1f: {  	s9 =	smul.u32 $0xF7A, s1;
	s8 =	simm.s32 @!p0 $0x1BF5;
	p2 =	por !p2, p0  }
0x20: {  	[sflag:s8] =	ssyncset.s32 @!p0 $0xFFFFF086;
	s6 =	sadd.s32 @!p0 s3, s7;
	s7 =	simm.s32 @!p0 $0x108  }
0x21: {  	s3 =	sadd.s32 s3, s9;
	s6 =	sadd.s32 @!p0 $0x88, s6;
	s7 =	simm.s32 @p2 $0x1082  }
0x22: {  	[simem:s7], [sflag:s8] =	dma.local @!p0 [hbm:s6], $0xF7A  }
0x23: {  	s9 =	sor.u32 $0xD0000000, s2;
	s6 =	simm.s32 $0x108;
	_ =	swait.ge @!p0 [sflag:s8], $0x0  }
0x24: {  	s3 =	sadd.s32 $0x88, s3;
	s6 =	simm.s32 @!p1 $0x1082;
	[sflag:s4] =	ssyncset.s32 $0xFFFFF086  }
0x25: {  	[simem:s6], [sflag:s4] =	dma.local [hbm:s3], $0xF7A  }
0x26: {  	[smem:$0x3F98] =	sst s1;
	(tag) =	ssettag s2;
	_ =	strace s9  }
0x27: {  	s1 =	sld [smem:$0x3FA8]  }
0x28: {  	s2 =	sld [smem:$0x3FA9]  }
0x29: {  	s4 =	sld [smem:$0x3FAB]  }
0x2a: {  	p0 =	seq.s32 s5, $0x0;
	s5 =	sld [smem:$0x3FAC]  }
0x2b: {  	s6 =	sld [smem:$0x3FAD]  }
0x2c: {  	s7 =	sld [smem:$0x3FAE]  }
0x2d: {  	s3 =	simm.s32 $0x108;
	s8 =	sld [smem:$0x3FAF]  }
0x2e: {  	s3 =	simm.s32 @!p0 $0x1082;
	s9 =	sld [smem:$0x3FB0]  }
0x2f: {  	lr =	sadd.s32 s0, s3;
	s0 =	sld [smem:$0x3FA7]  }
0x30: {  	s3 =	sld [smem:$0x3FAA]  }
0x31: {  	[smem:$0x3FB3] =	sst s10  }
0x32: {  	s10 =	sld [smem:$0x3FB1];
	_ =	sdelay $0x3  }
0x33: {  	p0 =	seq.s32 s10, $0x1;
	s10 =	sld [smem:$0x3FB3];
	_ =	sdelay $0x3  }
0x34: {  	[smem:$0x3FB3] =	sst s10  }
0x35: {  	s10 =	sld [smem:$0x3FB2];
	_ =	sdelay $0x3  }
0x36: {  	p1 =	seq.s32 s10, $0x1;
	s10 =	sld [smem:$0x3FB3];
	_ =	sdelay $0x3  }
0x37: {  	[smem:$0x3FB3] =	sst s10  }
0x38: {  	s10 =	sld [smem:$0x3FB4]  }
0x39: {  	_ = 	snop;
	(pc) =	sbr.ind lr, $3  }
0x3a: {  	_ = 	snop  }
0x3b: {  	_ = 	snop  }
0x3c: {  	p2 =	seq.s32 s10, $0x1;
	s10 =	sld [smem:$0x3FB3]  }
0x3d: {  	_ =	shalt  }
0x3e: {  	_ =	shalt  }
0x3f: {  	_ =	shalt  }
0x40: {  	_ =	shalt  }
0x41: {  	_ =	shalt  }
0x42: {  	_ =	shalt  }
0x43: {  	_ =	shalt  }
0x44: {  	_ =	shalt  }
0x45: {  	_ =	shalt  }
0x46: {  	_ =	shalt  }
0x47: {  	_ =	shalt  }
0x48: {  	_ =	shalt  }
0x49: {  	_ =	shalt  }
0x4a: {  	_ =	shalt  }
0x4b: {  	_ =	shalt  }
0x4c: {  	_ =	shalt  }
0x4d: {  	_ =	shalt  }
0x4e: {  	_ =	shalt  }
0x4f: {  	_ =	shalt  }
0x50: {  	_ =	shalt  }
0x51: {  	_ =	shalt  }
0x52: {  	_ =	shalt  }
0x53: {  	_ =	shalt  }
0x54: {  	_ =	shalt  }
0x55: {  	_ =	shalt  }
0x56: {  	_ =	shalt  }
0x57: {  	_ =	shalt  }
0x58: {  	_ =	shalt  }
0x59: {  	_ =	shalt  }
0x5a: {  	_ =	shalt  }
0x5b: {  	_ =	shalt  }
0x5c: {  	_ =	shalt  }
0x5d: {  	_ =	shalt  }
0x5e: {  	_ =	shalt  }
0x5f: {  	_ =	shalt  }
0x60: {  	_ =	shalt  }
0x61: {  	_ =	shalt  }
0x62: {  	_ =	shalt  }
0x63: {  	_ =	shalt  }
0x64: {  	_ =	shalt  }
0x65: {  	_ =	shalt  }
0x66: {  	_ =	shalt  }
0x67: {  	_ =	shalt  }
0x68: {  	_ =	shalt  }
0x69: {  	_ =	shalt  }
0x6a: {  	_ =	shalt  }
0x6b: {  	_ =	shalt  }
0x6c: {  	_ =	shalt  }
0x6d: {  	_ =	shalt  }
0x6e: {  	_ =	shalt  }
0x6f: {  	_ =	shalt  }
0x70: {  	_ =	shalt  }
0x71: {  	_ =	shalt  }
0x72: {  	_ =	shalt  }
0x73: {  	_ =	shalt  }
0x74: {  	_ =	shalt  }
0x75: {  	_ =	shalt  }
0x76: {  	_ =	shalt  }
0x77: {  	_ =	shalt  }
0x78: {  	_ =	shalt  }
0x79: {  	_ =	shalt  }
0x7a: {  	_ =	shalt  }
0x7b: {  	_ =	shalt  }
0x7c: {  	_ =	shalt  }
0x7d: {  	_ =	shalt  }
0x7e: {  	_ =	shalt  }
0x7f: {  	_ =	shalt  }
0x80: {  	_ =	shalt  }
0x81: {  	_ =	shalt  }
0x82: {  	_ =	shalt  }
0x83: {  	_ =	shalt  }
0x84: {  	_ =	shalt  }
0x85: {  	_ =	shalt  }
0x86: {  	_ =	shalt  }
0x87: {  	_ =	shalt  }
.Lfunc_end0:
.L_simem_size_0:
called_computation.1_lowered:
.L_overlay_start_0:
0x88: {  	s2 =	sld [smem:$0x3FD9]  }
0x89: {  	s3 =	sld [smem:$0x3FFE];
	_ =	sdelay $0x1  }
0x8a: {  	s1 =	srdreg.scid  }
0x8b: {  	s0 =	sand.u32 $0x1, s1  }
0x8c: {  	s17 =	sshll.u32 s0, $0xA;
	s2 =	sadd.s32 s3, s2  }
0x8d: {  	s2 =	sadd.s32 s2, s17  }
0x8e: {  	[smem:$0x3FBF] =	sst s2  }
0x8f: {  	_ = 	snop  }
0x90: {  	s2 =	sld [smem:$0x3FD0];
	(tm) =	ssettm $0x1  }
0x91: {  	s18 =	sld [smem:$0x3FFB];
	_ =	sdelay $0x3  }
0x92: {  	_ =	strace s18  }
0x93: {  	s3 =	sld [smem:$0x3FFC];
	_ =	sdelay $0x3  }
0x94: {  	_ =	strace s3  }
0x95: {  	s3 =	sld [smem:$0x3FFD];
	_ =	sdelay $0x3  }
0x96: {  	_ =	strace s3  }
0x97: {  	_ =	strace $0x8FFFFFFF  }
0x98: {  	s19 =	sld [smem:$0x3FDB];
	_ =	sdelay $0x1  }
0x99: {  	s4 =	simm.s32 $_scs_section_size  }
0x9a: {  	s5 =	simm.s32 $_size__tile_overlayer_lowered;
	s6 =	simm.s32 $_tile_overlayer_lowered  }
0x9b: {  	s22 =	simm.s32 $0x1BFF;
	s21 =	sshll.u32 s6, $0x1;
	s3 =	sadd.s32 s4, s19  }
0x9c: {  	s7 =	simm.s32 $0x0;
	s20 =	sshll.u32 s5, $0x1;
	s5 =	sadd.s32 s21, s3  }
0x9d: {  	[timem:s7], [sflag:s22] =	dma.local [hbm:s5], s20  }
0x9e: {  	_ =	swait.ge [sflag:s22], s20  }
0x9f: {  	s4 =	ssub.s32 $0x0, s20;
	[sflag:s22] =	ssyncset.done $0x0  }
0xa0: {  	[sflag:s22] =	ssyncadd.s32 s4;
	_ =	sdelay $0x1  }
0xa1: {  	s23 =	simm.s32 $0x1B8B  }
0xa2: {  	_ =	swait.ge [sflag:s23], $0x1  }
0xa3: {  	[sflag:s23] =	ssyncset.done $0x0  }
0xa4: {  	s25 =	simm.s32 $0x1B8E;
	s24 =	sld [smem:$0x3FFE];
	[sflag:s23] =	ssyncadd.s32 $0xFFFFFFFF  }
0xa5: {  	s26 =	simm.s32 $execute0_lowered;
	[smem:$0x3FD2] =	sst s25  }
0xa6: {  	s5 =	sshll.u32 s26, $0x1;
	_ =	strace $0x80000049;
	[dreg:$0x1] =	wrdreg $0xFFFFFFFF  }
0xa7: {  	s28 =	simm.s32 $_size_execute0_lowered;
	s3 =	sadd.s32 s3, s5;
	[dreg:$0x0] =	wrdreg $0x0  }
0xa8: {  	s5 =	sshll.u32 s28, $0x1;
	[dreg:$0x2] =	wrdreg s3  }
0xa9: {  	[dreg:$0x3] =	wrdreg s5  }
0xaa: {  	[dreg:$0x4] =	wrdreg $0xC0  }
0xab: {  	_ =	task [dreg:s7], $0x5FFFF  }
0xac: {  	[dreg:$0x1] =	wrdreg $0xFFFFFFFF  }
0xad: {  	[dreg:$0x0] =	wrdreg $0x60  }
0xae: {  	[dreg:$0x2] =	wrdreg s24  }
0xaf: {  	[dreg:$0x3] =	wrdreg s2  }
0xb0: {  	[dreg:$0x4] =	wrdreg $0x50000  }
0xb1: {  	[dreg:$0x5] =	wrdreg $0x9  }
0xb2: {  	_ =	task.clear_ibuf [dreg:s7], $0x6FFFF;
	_ =	strace $0x90000049  }
0xb3: {  	s29 =	simm.s32 $0x9;
	_ =	strace $0x8000004B  }
0xb4: {  	_ =	swait.ge [sflag:s29], $0x1  }
0xb5: {  	[sflag:s29] =	ssyncadd.s32 $0xFFFFFFFF  }
0xb6: {  	_ =	strace $0x9000004B  }
0xb7: {  	_ =	sfence  }
0xb8: {  	s30 =	sld [smem:$0x0];
	_ =	sdelay $0x2  }
0xb9: {  	s31 =	sshll.u32 s1, $0xD;
	s1 =	sshrl.u32 s1, $0x2  }
0xba: {  	s3 =	sand.u32 $0x4000, s31;
	s1 =	sadd.s32 s1, s30  }
0xbb: {  	s0 =	sor.u32 s3, s0;
	s1 =	sshll.u32 s1, $0x11  }
0xbc: {  	s0 =	sor.u32 s1, s0  }
0xbd: {  	s0 =	sadd.s32 $0x8F2B, s0  }
0xbe: {  	[sflag:s0] =	ssyncadd.remote.s32 $0x1  }
0xbf: {  	_ =	sfence.sel $0xFFFF  }
0xc0: {  	[dreg:$0x0] =	wrdreg $0xFFFFFFFF;
	(pc) =	sbr.abs _section_cstart, $3  }
0xc1: {  	[dreg:$0x1] =	wrdreg $0xFFFFFFFF  }
0xc2: {  	_ =	task.clear_ibuf [dreg:s7], $0x2FFFF;
	_ =	strace $0x9FFFFFFF  }
0xc3: {  	(tm) =	ssettm $0x7FFFFFFF  }
tec
execute0_lowered:
.L_overlay_start_1:
0x0: {  	(tag) =	ssettag $0x1  }
0x1: {  	s1 =	rddreg [dreg:$0x0]  }
0x2: {  	s3 =	rddreg [dreg:$0x2]  }
0x3: {  	s0 =	srdreg.scid;
	s12 =	stileid.u32  }
0x4: {  	s4 =	simm.s32 $0x0;
	s14 =	simm.s32 $0x2900;
	s16 =	simm.s32 $0x2980  }
0x5: {  	s18 =	simm.s32 $0x2A00;
	s20 =	simm.s32 $0x2A80;
	[smem:$0x7FF] =	sst s4  }
0x6: {  	s21 =	simm.s32 $0x2B00;
	_ =	strace $0x8000004A;
	[dreg:$0x6] =	wrdreg s14  }
0x7: {  	s22 =	simm.s32 $0x2B80;
	s24 =	simm.s32 $0x2C80;
	[dreg:$0x7] =	wrdreg s16  }
0x8: {  	s0 =	sand.u32 $0x1, s0;
	s2 =	smul.u32 $0xC380, s12;
	[dreg:$0x8] =	wrdreg s18  }
0x9: {  	s5 =	sadd.s32 $0x495C00, s1;
	s8 =	sadd.s32 $0x1800, s1;
	[dreg:$0x9] =	wrdreg s20  }
0xa: {  	s11 =	sshll.u32 s12, $0x6;
	s6 =	smul.u32 $0xC3800, s0;
	[dreg:$0xa] =	wrdreg s21  }
0xb: {  	s7 =	sshll.u32 s0, $0x4;
	s9 =	ssub.s32 $0x2, s0;
	[dreg:$0xb] =	wrdreg s22  }
0xc: {  	s28 =	smul.u32 $0x61A00, s0;
	s23 =	sor.u32 $0x1C03, s11;
	[dreg:$0xc] =	wrdreg s24  }
0xd: {  	s7 =	sor.u32 s12, s7;
	s25 =	sshrl.u32 s9, $0x1;
	s12 =	smul.u32 $0x61A0, s12  }
0xe: {  	[dreg:$0x13] =	wrdreg s23;
	s6 =	sadd.s32 s2, s6;
	s10 =	smul.u32 $0x61A, s7  }
0xf: {  	s7 =	smin.u32 s7, $0x10;
	s2 =	sadd.s32 s2, s3;
	s6 =	sshrl.u32 s6, $0x3  }
0x10: {  	s2 =	sshrl.u32 s2, $0x3;
	s1 =	sadd.s32 s6, s1;
	s6 =	ssub.s32 s9, s25  }
0x11: {  	s26 =	sadd.s32 s7, s10;
	s25 =	simm.s32 $0x2D00;
	[dreg:$0x1e] =	wrdreg s2  }
0x12: {  	s10 =	sadd.s32 s28, s8;
	s28 =	simm.s32 $0x2E00;
	[dreg:$0xd] =	wrdreg s25  }
0x13: {  	s29 =	sadd.s32 s12, s10;
	s12 =	simm.s32 $0x2880;
	[dreg:$0xf] =	wrdreg s28  }
0x14: {  	s1 =	sadd.s32 $0x30EC00, s1;
	[dreg:$0x5] =	wrdreg s12  }
0x15: {  	s7 =	sshll.u32 s7, $0x4;
	s6 =	smax.u32 s6, $0x1;
	[dreg:$0x1c] =	wrdreg s1  }
0x16: {  	s9 =	sshll.u32 s26, $0x4;
	s26 =	simm.s32 $0x2D80;
	[dreg:$0x1d] =	wrdreg s6  }
0x17: {  	s7 =	sadd.s32 s7, s29;
	[dreg:$0xe] =	wrdreg s26  }
0x18: {  	s9 =	sadd.s32 s8, s9;
	[dreg:$0x4] =	wrdreg s7  }
0x19: {  	s29 =	simm.s32 $0x2E80;
	[dreg:$0x14] =	wrdreg s9  }
0x1a: {  	s30 =	sadd.s32 $0xC3500, s9;
	[dreg:$0x10] =	wrdreg s29  }
0x1b: {  	s31 =	sadd.s32 $0x6180, s9;
	[dreg:$0x15] =	wrdreg s30  }
0x1c: {  	s11 =	sadd.s32 $0xC9680, s9;
	[dreg:$0x16] =	wrdreg s31  }
0x1d: {  	s18 =	simm.s32 $0x3;
	s13 =	sadd.s32 $0x6190, s9;
	[dreg:$0x17] =	wrdreg s11  }
0x1e: {  	s20 =	simm.s32 $0x80;
	s15 =	sadd.s32 $0xC9690, s9;
	[dreg:$0x18] =	wrdreg s13  }
0x1f: {  	p0 =	sne.s32 s0, $0x0;
	s17 =	sadd.s32 $0x61A0, s9;
	[dreg:$0x19] =	wrdreg s15  }
0x20: {  	s21 =	simm.s32 $0x700;
	s19 =	sadd.s32 $0xC96A0, s9;
	[dreg:$0x1a] =	wrdreg s17  }
0x21: {  	s10 =	simm.s32 $0x780;
	[dreg:$0x1b] =	wrdreg s19;
	s30 =	simm.s32 $0x2F00  }
0x22: {  	s25 =	simm.s32 $0x2;
	s31 =	simm.s32 $0x2F80;
	[dreg:$0x11] =	wrdreg s30  }
0x23: {  	s1 =	simm.s32 $0x0;
	s17 =	simm.s32 $0x1;
	[dreg:$0x12] =	wrdreg s31  }
.LBB2_1:
0x24: {  	[dreg:$0x1f] =	wrdreg s1  }
0x25: {  	s0 =	rddreg [dreg:$0x1]  }
0x26: {  	[spmem:s2], [sflag:s23] =	dma.local [hbm:s0], $0x1870  }
0x27: {  	_ =	swait.ge [sflag:s18], $0x1870  }
0x28: {  	[sflag:s18] =	ssyncset.done $0x0  }
0x29: {  	[sflag:s18] =	ssyncadd.s32 $0xFFFFE790  }
0x2a: {  	[bflag:$0x0] =	sbarrier.arrive $0xFFFF  }
0x2b: {  	s9 =	rddreg [dreg:$0x14]  }
0x2c: {  	[tilespmem:s4], [sflag:$0x3] =	stream.linear.gather [hbm4b:s9+s4], $0x400, $0x38;
	[tilespmem:$0x11380] =	vst v63  }
0x2d: {  	_ =	swait.ge [sflag:s18], $0x400  }
0x2e: {  	[sflag:s18] =	ssyncset.done $0x0  }
0x2f: {  	s2 =	simm.s32 $0x400;
	s11 =	rddreg [dreg:$0x15];
	[sflag:s18] =	ssyncadd.s32 $0xFFFFFC00  }
0x30: {  	[tilespmem:s2], [sflag:$0x3] =	stream.linear.gather [hbm4b:s11+s4], $0x400, $0x38;
	[tilespmem:$0x11380] =	vst v63  }
0x31: {  	_ =	swait.ge [sflag:s18], $0x400  }
0x32: {  	[sflag:s18] =	ssyncset.done $0x0  }
0x33: {  	s22 =	simm.s32 $0x800;
	[sflag:s18] =	ssyncadd.s32 $0xFFFFFC00  }
0x34: {  	[tilespmem:s22], [sflag:$0x1] =	stream.indirect.gather [hbm4b:s5+s20], $0x8, s4, s20, $0xb8;
	[tilespmem:$0x11380] =	vst v63  }
0x35: {  	s23 =	simm.s32 $0xC00  }
0x36: {  	[tilespmem:s23], [sflag:$0x1] =	stream.indirect.gather [hbm4b:s5+s20], $0x8, s20, s20, $0xb8;
	[tilespmem:$0x11380] =	vst v63  }
0x37: {  	s12 =	simm.s32 $0x100;
	s24 =	simm.s32 $0x1000  }
0x38: {  	[tilespmem:s24], [sflag:$0x1] =	stream.indirect.gather [hbm4b:s5+s20], $0x8, s12, s20, $0xb8;
	[tilespmem:$0x11380] =	vst v63  }
0x39: {  	s13 =	simm.s32 $0x180;
	s26 =	simm.s32 $0x1400  }
0x3a: {  	[tilespmem:s26], [sflag:$0x1] =	stream.indirect.gather [hbm4b:s5+s20], $0x8, s13, s20, $0xb8;
	[tilespmem:$0x11380] =	vst v63  }
0x3b: {  	s14 =	simm.s32 $0x200;
	s29 =	simm.s32 $0x1800  }
0x3c: {  	[tilespmem:s29], [sflag:$0x1] =	stream.indirect.gather [hbm4b:s5+s20], $0x8, s14, s20, $0xb8;
	[tilespmem:$0x11380] =	vst v63  }
0x3d: {  	s15 =	simm.s32 $0x280;
	s31 =	simm.s32 $0x1C00  }
0x3e: {  	[tilespmem:s31], [sflag:$0x1] =	stream.indirect.gather [hbm4b:s5+s20], $0x8, s15, s20, $0xb8;
	[tilespmem:$0x11380] =	vst v63  }
0x3f: {  	s16 =	simm.s32 $0x300;
	s1 =	simm.s32 $0x2000;
	s19 =	rddreg [dreg:$0x4]  }
0x40: {  	[tilespmem:s1], [sflag:$0x1] =	stream.indirect.gather [hbm4b:s5+s20], $0x8, s16, s20, $0xb8;
	[tilespmem:$0x11380] =	vst v63  }
0x41: {  	s6 =	simm.s32 $0x380;
	s8 =	simm.s32 $0x2400;
	s0 =	sadd.s32 $0x0, s19  }
0x42: {  	[tilespmem:s8], [sflag:$0x1] =	stream.indirect.gather [hbm4b:s5+s20], $0x8, s6, s20, $0xb8;
	[tilespmem:$0x11380] =	vst v63  }
0x43: {  	s9 =	simm.s32 $0x2800;
	s28 =	sadd.s32 $0x80, s0  }
0x44: {  	[tilespmem:s9], [sflag:$0x3] =	stream.linear.gather [hbm4b:s28+s4], $0x400, $0x38;
	[tilespmem:$0x11380] =	vst v63  }
0x45: {  	_ =	swait.ge [sflag:s18], $0x400  }
0x46: {  	[sflag:s18] =	ssyncset.done $0x0  }
0x47: {  	s12 =	simm.s32 $0x2C00;
	s28 =	sadd.s32 $0xC3580, s0;
	[sflag:s18] =	ssyncadd.s32 $0xFFFFFC00  }
0x48: {  	[tilespmem:s12], [sflag:$0x3] =	stream.linear.gather [hbm4b:s28+s4], $0x400, $0x38;
	[tilespmem:$0x11380] =	vst v63  }
0x49: {  	_ =	swait.ge [sflag:s18], $0x400  }
0x4a: {  	[sflag:s18] =	ssyncset.done $0x0  }
0x4b: {  	s11 =	simm.s32 $0x3000;
	[sflag:s18] =	ssyncadd.s32 $0xFFFFFC00  }
0x4c: {  	[tilespmem:s11], [sflag:$0x2] =	stream.indirect.gather [hbm4b:s5+s20], $0x8, s9, s20, $0xb8;
	[tilespmem:$0x11380] =	vst v63  }
0x4d: {  	s28 =	rddreg [dreg:$0x5];
	s9 =	simm.s32 $0x3400  }
0x4e: {  	[tilespmem:s9], [sflag:$0x2] =	stream.indirect.gather [hbm4b:s5+s20], $0x8, s28, s20, $0xb8;
	[tilespmem:$0x11380] =	vst v63  }
0x4f: {  	s13 =	simm.s32 $0x3800;
	s30 =	rddreg [dreg:$0x6]  }
0x50: {  	[tilespmem:s13], [sflag:$0x2] =	stream.indirect.gather [hbm4b:s5+s20], $0x8, s30, s20, $0xb8;
	[tilespmem:$0x11380] =	vst v63  }
0x51: {  	s14 =	simm.s32 $0x3C00;
	s28 =	rddreg [dreg:$0x7]  }
0x52: {  	[tilespmem:s14], [sflag:$0x2] =	stream.indirect.gather [hbm4b:s5+s20], $0x8, s28, s20, $0xb8;
	[tilespmem:$0x11380] =	vst v63  }
0x53: {  	s15 =	simm.s32 $0x4000;
	s30 =	rddreg [dreg:$0x8]  }
0x54: {  	[tilespmem:s15], [sflag:$0x2] =	stream.indirect.gather [hbm4b:s5+s20], $0x8, s30, s20, $0xb8;
	[tilespmem:$0x11380] =	vst v63  }
0x55: {  	s7 =	simm.s32 $0x4400;
	s28 =	rddreg [dreg:$0x9]  }
0x56: {  	[tilespmem:s7], [sflag:$0x2] =	stream.indirect.gather [hbm4b:s5+s20], $0x8, s28, s20, $0xb8;
	[tilespmem:$0x11380] =	vst v63  }
0x57: {  	s6 =	simm.s32 $0x4800;
	s30 =	rddreg [dreg:$0xa]  }
0x58: {  	[tilespmem:s6], [sflag:$0x2] =	stream.indirect.gather [hbm4b:s5+s20], $0x8, s30, s20, $0xb8;
	[tilespmem:$0x11380] =	vst v63  }
0x59: {  	s16 =	simm.s32 $0x4C00;
	s28 =	rddreg [dreg:$0xb]  }
0x5a: {  	[tilespmem:s16], [sflag:$0x2] =	stream.indirect.gather [hbm4b:s5+s20], $0x8, s28, s20, $0xb8;
	[tilespmem:$0x11380] =	vst v63  }
0x5b: {  	_ =	swait.ge [sflag:s17], $0x2000  }
0x5c: {  	[sflag:s17] =	ssyncset.done $0x0  }
0x5d: {  	[sflag:s17] =	ssyncadd.s32 $0xFFFFE000  }
0x5e: {  	[spmem:s3] =	stream.indirect.scatter.add.f32 [tilespmem:s22], [sflag:$0x3], $0x8, s2, s20, $0xb8;
	[tilespmem:$0x11380] =	vst v63  }
0x5f: {  	_ =	swait.ge [sflag:s18], $0x400  }
0x60: {  	[sflag:s18] =	ssyncset.done $0x0  }
0x61: {  	s19 =	simm.s32 $0x480;
	[sflag:s18] =	ssyncadd.s32 $0xFFFFFC00  }
0x62: {  	[spmem:s3] =	stream.indirect.scatter.add.f32 [tilespmem:s23], [sflag:$0x3], $0x8, s19, s20, $0xb8;
	[tilespmem:$0x11380] =	vst v63  }
0x63: {  	_ =	swait.ge [sflag:s18], $0x400  }
0x64: {  	[sflag:s18] =	ssyncset.done $0x0  }
0x65: {  	s19 =	simm.s32 $0x500;
	[sflag:s18] =	ssyncadd.s32 $0xFFFFFC00  }
0x66: {  	[spmem:s3] =	stream.indirect.scatter.add.f32 [tilespmem:s24], [sflag:$0x3], $0x8, s19, s20, $0xb8;
	[tilespmem:$0x11380] =	vst v63  }
0x67: {  	_ =	swait.ge [sflag:s18], $0x400  }
0x68: {  	[sflag:s18] =	ssyncset.done $0x0  }
0x69: {  	s19 =	simm.s32 $0x580;
	[sflag:s18] =	ssyncadd.s32 $0xFFFFFC00  }
0x6a: {  	[spmem:s3] =	stream.indirect.scatter.add.f32 [tilespmem:s26], [sflag:$0x3], $0x8, s19, s20, $0xb8;
	[tilespmem:$0x11380] =	vst v63  }
0x6b: {  	_ =	swait.ge [sflag:s18], $0x400  }
0x6c: {  	[sflag:s18] =	ssyncset.done $0x0  }
0x6d: {  	s19 =	simm.s32 $0x600;
	[sflag:s18] =	ssyncadd.s32 $0xFFFFFC00  }
0x6e: {  	[spmem:s3] =	stream.indirect.scatter.add.f32 [tilespmem:s29], [sflag:$0x3], $0x8, s19, s20, $0xb8;
	[tilespmem:$0x11380] =	vst v63  }
0x6f: {  	_ =	swait.ge [sflag:s18], $0x400  }
0x70: {  	[sflag:s18] =	ssyncset.done $0x0  }
0x71: {  	s19 =	simm.s32 $0x680;
	[sflag:s18] =	ssyncadd.s32 $0xFFFFFC00  }
0x72: {  	[spmem:s3] =	stream.indirect.scatter.add.f32 [tilespmem:s31], [sflag:$0x3], $0x8, s19, s20, $0xb8;
	[tilespmem:$0x11380] =	vst v63  }
0x73: {  	_ =	swait.ge [sflag:s18], $0x400  }
0x74: {  	[sflag:s18] =	ssyncset.done $0x0  }
0x75: {  	[sflag:s18] =	ssyncadd.s32 $0xFFFFFC00  }
0x76: {  	[spmem:s3] =	stream.indirect.scatter.add.f32 [tilespmem:s1], [sflag:$0x3], $0x8, s21, s20, $0xb8;
	[tilespmem:$0x11380] =	vst v63  }
0x77: {  	_ =	swait.ge [sflag:s18], $0x400  }
0x78: {  	[sflag:s18] =	ssyncset.done $0x0  }
0x79: {  	[sflag:s18] =	ssyncadd.s32 $0xFFFFFC00  }
0x7a: {  	[spmem:s3] =	stream.indirect.scatter.add.f32 [tilespmem:s8], [sflag:$0x3], $0x8, s10, s20, $0xb8;
	[tilespmem:$0x11380] =	vst v63  }
0x7b: {  	_ =	swait.ge [sflag:s18], $0x400  }
0x7c: {  	[sflag:s18] =	ssyncset.done $0x0  }
0x7d: {  	s28 =	sadd.s32 $0x100, s0;
	[sflag:s18] =	ssyncadd.s32 $0xFFFFFC00  }
0x7e: {  	[tilespmem:s4], [sflag:$0x3] =	stream.linear.gather [hbm4b:s28+s4], $0x400, $0x38;
	[tilespmem:$0x11380] =	vst v63  }
0x7f: {  	_ =	swait.ge [sflag:s18], $0x400  }
0x80: {  	[sflag:s18] =	ssyncset.done $0x0  }
0x81: {  	s0 =	sadd.s32 $0xC3600, s0;
	[sflag:s18] =	ssyncadd.s32 $0xFFFFFC00  }
0x82: {  	[tilespmem:s2], [sflag:$0x3] =	stream.linear.gather [hbm4b:s0+s4], $0x400, $0x38;
	[tilespmem:$0x11380] =	vst v63  }
0x83: {  	_ =	swait.ge [sflag:s18], $0x400  }
0x84: {  	[sflag:s18] =	ssyncset.done $0x0  }
0x85: {  	[sflag:s18] =	ssyncadd.s32 $0xFFFFFC00  }
0x86: {  	[tilespmem:s22], [sflag:$0x1] =	stream.indirect.gather [hbm4b:s5+s20], $0x8, s4, s20, $0xb8;
	[tilespmem:$0x11380] =	vst v63  }
0x87: {  	_ = 	snop  }
0x88: {  	[tilespmem:s23], [sflag:$0x1] =	stream.indirect.gather [hbm4b:s5+s20], $0x8, s20, s20, $0xb8;
	[tilespmem:$0x11380] =	vst v63  }
0x89: {  	s23 =	simm.s32 $0x100  }
0x8a: {  	[tilespmem:s24], [sflag:$0x1] =	stream.indirect.gather [hbm4b:s5+s20], $0x8, s23, s20, $0xb8;
	[tilespmem:$0x11380] =	vst v63  }
0x8b: {  	s24 =	simm.s32 $0x180  }
0x8c: {  	[tilespmem:s26], [sflag:$0x1] =	stream.indirect.gather [hbm4b:s5+s20], $0x8, s24, s20, $0xb8;
	[tilespmem:$0x11380] =	vst v63  }
0x8d: {  	s26 =	simm.s32 $0x200  }
0x8e: {  	[tilespmem:s29], [sflag:$0x1] =	stream.indirect.gather [hbm4b:s5+s20], $0x8, s26, s20, $0xb8;
	[tilespmem:$0x11380] =	vst v63  }
0x8f: {  	s29 =	simm.s32 $0x280  }
0x90: {  	[tilespmem:s31], [sflag:$0x1] =	stream.indirect.gather [hbm4b:s5+s20], $0x8, s29, s20, $0xb8;
	[tilespmem:$0x11380] =	vst v63  }
0x91: {  	s31 =	simm.s32 $0x300  }
0x92: {  	[tilespmem:s1], [sflag:$0x1] =	stream.indirect.gather [hbm4b:s5+s20], $0x8, s31, s20, $0xb8;
	[tilespmem:$0x11380] =	vst v63  }
0x93: {  	s2 =	simm.s32 $0x380  }
0x94: {  	[tilespmem:s8], [sflag:$0x1] =	stream.indirect.gather [hbm4b:s5+s20], $0x8, s2, s20, $0xb8;
	[tilespmem:$0x11380] =	vst v63  }
0x95: {  	_ =	swait.ge [sflag:s25], $0x2000  }
0x96: {  	[sflag:s25] =	ssyncset.done $0x0  }
0x97: {  	[sflag:s25] =	ssyncadd.s32 $0xFFFFE000  }
0x98: {  	[spmem:s3] =	stream.indirect.scatter.add.f32 [tilespmem:s11], [sflag:$0x3], $0x8, s12, s20, $0xb8;
	[tilespmem:$0x11380] =	vst v63  }
0x99: {  	_ =	swait.ge [sflag:s18], $0x400  }
0x9a: {  	[sflag:s18] =	ssyncset.done $0x0  }
0x9b: {  	s19 =	rddreg [dreg:$0xc];
	[sflag:s18] =	ssyncadd.s32 $0xFFFFFC00  }
0x9c: {  	[spmem:s3] =	stream.indirect.scatter.add.f32 [tilespmem:s9], [sflag:$0x3], $0x8, s19, s20, $0xb8;
	[tilespmem:$0x11380] =	vst v63  }
0x9d: {  	_ =	swait.ge [sflag:s18], $0x400  }
0x9e: {  	[sflag:s18] =	ssyncset.done $0x0  }
0x9f: {  	s22 =	rddreg [dreg:$0xd];
	[sflag:s18] =	ssyncadd.s32 $0xFFFFFC00  }
0xa0: {  	[spmem:s3] =	stream.indirect.scatter.add.f32 [tilespmem:s13], [sflag:$0x3], $0x8, s22, s20, $0xb8;
	[tilespmem:$0x11380] =	vst v63  }
0xa1: {  	_ =	swait.ge [sflag:s18], $0x400  }
0xa2: {  	[sflag:s18] =	ssyncset.done $0x0  }
0xa3: {  	s23 =	rddreg [dreg:$0xe];
	[sflag:s18] =	ssyncadd.s32 $0xFFFFFC00  }
0xa4: {  	[spmem:s3] =	stream.indirect.scatter.add.f32 [tilespmem:s14], [sflag:$0x3], $0x8, s23, s20, $0xb8;
	[tilespmem:$0x11380] =	vst v63  }
0xa5: {  	_ =	swait.ge [sflag:s18], $0x400  }
0xa6: {  	[sflag:s18] =	ssyncset.done $0x0  }
0xa7: {  	s24 =	rddreg [dreg:$0xf];
	[sflag:s18] =	ssyncadd.s32 $0xFFFFFC00  }
0xa8: {  	[spmem:s3] =	stream.indirect.scatter.add.f32 [tilespmem:s15], [sflag:$0x3], $0x8, s24, s20, $0xb8;
	[tilespmem:$0x11380] =	vst v63  }
0xa9: {  	_ =	swait.ge [sflag:s18], $0x400  }
0xaa: {  	[sflag:s18] =	ssyncset.done $0x0  }
0xab: {  	s26 =	rddreg [dreg:$0x10];
	[sflag:s18] =	ssyncadd.s32 $0xFFFFFC00  }
0xac: {  	[spmem:s3] =	stream.indirect.scatter.add.f32 [tilespmem:s7], [sflag:$0x3], $0x8, s26, s20, $0xb8;
	[tilespmem:$0x11380] =	vst v63  }
0xad: {  	_ =	swait.ge [sflag:s18], $0x400  }
0xae: {  	[sflag:s18] =	ssyncset.done $0x0  }
0xaf: {  	s29 =	rddreg [dreg:$0x11];
	[sflag:s18] =	ssyncadd.s32 $0xFFFFFC00  }
0xb0: {  	[spmem:s3] =	stream.indirect.scatter.add.f32 [tilespmem:s6], [sflag:$0x3], $0x8, s29, s20, $0xb8;
	[tilespmem:$0x11380] =	vst v63  }
0xb1: {  	_ =	swait.ge [sflag:s18], $0x400  }
0xb2: {  	[sflag:s18] =	ssyncset.done $0x0  }
0xb3: {  	s31 =	rddreg [dreg:$0x12];
	[sflag:s18] =	ssyncadd.s32 $0xFFFFFC00  }
0xb4: {  	[spmem:s3] =	stream.indirect.scatter.add.f32 [tilespmem:s16], [sflag:$0x3], $0x8, s31, s20, $0xb8;
	[tilespmem:$0x11380] =	vst v63  }
0xb5: {  	s30 =	simm.s32 $0x200;
	_ =	swait.ge [sflag:s18], $0x400  }
0xb6: {  	s28 =	simm.s32 $0x100;
	s0 =	rddreg [dreg:$0x4];
	[sflag:s18] =	ssyncset.done $0x0  }
.LBB2_2:
0xb7: {  	s0 =	sadd.s32 s28, s0  }
0xb8: {  	[sflag:s18] =	ssyncadd.s32 $0xFFFFFC00;
	s1 =	simm.s32 $0x2800;
	s13 =	sadd.s32 $0x80, s0  }
0xb9: {  	[tilespmem:s1], [sflag:$0x3] =	stream.linear.gather [hbm4b:s13+s4], $0x400, $0x38;
	[tilespmem:$0x11380] =	vst v63  }
0xba: {  	_ =	swait.ge [sflag:s18], $0x400  }
0xbb: {  	[sflag:s18] =	ssyncset.done $0x0  }
0xbc: {  	s12 =	simm.s32 $0x2C00;
	s14 =	sadd.s32 $0xC3580, s0;
	[sflag:s18] =	ssyncadd.s32 $0xFFFFFC00  }
0xbd: {  	[tilespmem:s12], [sflag:$0x3] =	stream.linear.gather [hbm4b:s14+s4], $0x400, $0x38;
	[tilespmem:$0x11380] =	vst v63  }
0xbe: {  	_ =	swait.ge [sflag:s18], $0x400  }
0xbf: {  	[sflag:s18] =	ssyncset.done $0x0  }
0xc0: {  	s13 =	simm.s32 $0x3000;
	[sflag:s18] =	ssyncadd.s32 $0xFFFFFC00  }
0xc1: {  	[tilespmem:s13], [sflag:$0x2] =	stream.indirect.gather [hbm4b:s5+s20], $0x8, s1, s20, $0xb8;
	[tilespmem:$0x11380] =	vst v63  }
0xc2: {  	s11 =	simm.s32 $0x3400;
	s15 =	rddreg [dreg:$0x5]  }
0xc3: {  	[tilespmem:s11], [sflag:$0x2] =	stream.indirect.gather [hbm4b:s5+s20], $0x8, s15, s20, $0xb8;
	[tilespmem:$0x11380] =	vst v63  }
0xc4: {  	s14 =	simm.s32 $0x3800;
	s23 =	rddreg [dreg:$0x6]  }
0xc5: {  	[tilespmem:s14], [sflag:$0x2] =	stream.indirect.gather [hbm4b:s5+s20], $0x8, s23, s20, $0xb8;
	[tilespmem:$0x11380] =	vst v63  }
0xc6: {  	s16 =	rddreg [dreg:$0x7];
	s15 =	simm.s32 $0x3C00  }
0xc7: {  	[tilespmem:s15], [sflag:$0x2] =	stream.indirect.gather [hbm4b:s5+s20], $0x8, s16, s20, $0xb8;
	[tilespmem:$0x11380] =	vst v63  }
0xc8: {  	s19 =	rddreg [dreg:$0x8];
	s16 =	simm.s32 $0x4000  }
0xc9: {  	[tilespmem:s16], [sflag:$0x2] =	stream.indirect.gather [hbm4b:s5+s20], $0x8, s19, s20, $0xb8;
	[tilespmem:$0x11380] =	vst v63  }
0xca: {  	s7 =	simm.s32 $0x4400;
	s22 =	rddreg [dreg:$0x9]  }
0xcb: {  	[tilespmem:s7], [sflag:$0x2] =	stream.indirect.gather [hbm4b:s5+s20], $0x8, s22, s20, $0xb8;
	[tilespmem:$0x11380] =	vst v63  }
0xcc: {  	s6 =	simm.s32 $0x4800;
	s24 =	rddreg [dreg:$0xa]  }
0xcd: {  	[tilespmem:s6], [sflag:$0x2] =	stream.indirect.gather [hbm4b:s5+s20], $0x8, s24, s20, $0xb8;
	[tilespmem:$0x11380] =	vst v63  }
0xce: {  	s26 =	rddreg [dreg:$0xb];
	s19 =	simm.s32 $0x4C00  }
0xcf: {  	[tilespmem:s19], [sflag:$0x2] =	stream.indirect.gather [hbm4b:s5+s20], $0x8, s26, s20, $0xb8;
	[tilespmem:$0x11380] =	vst v63  }
0xd0: {  	_ =	swait.ge [sflag:s17], $0x2000  }
0xd1: {  	[sflag:s17] =	ssyncset.done $0x0  }
0xd2: {  	s23 =	simm.s32 $0x400;
	s22 =	simm.s32 $0x800;
	[sflag:s17] =	ssyncadd.s32 $0xFFFFE000  }
0xd3: {  	[spmem:s3] =	stream.indirect.scatter.add.f32 [tilespmem:s22], [sflag:$0x3], $0x8, s23, s20, $0xb8;
	[tilespmem:$0x11380] =	vst v63  }
0xd4: {  	_ =	swait.ge [sflag:s18], $0x400  }
0xd5: {  	[sflag:s18] =	ssyncset.done $0x0  }
0xd6: {  	s29 =	simm.s32 $0x480;
	s24 =	simm.s32 $0xC00;
	[sflag:s18] =	ssyncadd.s32 $0xFFFFFC00  }
0xd7: {  	[spmem:s3] =	stream.indirect.scatter.add.f32 [tilespmem:s24], [sflag:$0x3], $0x8, s29, s20, $0xb8;
	[tilespmem:$0x11380] =	vst v63  }
0xd8: {  	_ =	swait.ge [sflag:s18], $0x400  }
0xd9: {  	[sflag:s18] =	ssyncset.done $0x0  }
0xda: {  	s31 =	simm.s32 $0x500;
	s26 =	simm.s32 $0x1000;
	[sflag:s18] =	ssyncadd.s32 $0xFFFFFC00  }
0xdb: {  	[spmem:s3] =	stream.indirect.scatter.add.f32 [tilespmem:s26], [sflag:$0x3], $0x8, s31, s20, $0xb8;
	[tilespmem:$0x11380] =	vst v63  }
0xdc: {  	s2 =	smov.u32 s30;
	_ =	swait.ge [sflag:s18], $0x400  }
0xdd: {  	s28 =	smov.u32 s2;
	[sflag:s18] =	ssyncset.done $0x0  }
0xde: {  	s2 =	simm.s32 $0x580;
	s29 =	simm.s32 $0x1400;
	[sflag:s18] =	ssyncadd.s32 $0xFFFFFC00  }
0xdf: {  	[spmem:s3] =	stream.indirect.scatter.add.f32 [tilespmem:s29], [sflag:$0x3], $0x8, s2, s20, $0xb8;
	[tilespmem:$0x11380] =	vst v63  }
0xe0: {  	_ =	swait.ge [sflag:s18], $0x400  }
0xe1: {  	[sflag:s18] =	ssyncset.done $0x0  }
0xe2: {  	s8 =	simm.s32 $0x600;
	s31 =	simm.s32 $0x1800;
	[sflag:s18] =	ssyncadd.s32 $0xFFFFFC00  }
0xe3: {  	[spmem:s3] =	stream.indirect.scatter.add.f32 [tilespmem:s31], [sflag:$0x3], $0x8, s8, s20, $0xb8;
	[tilespmem:$0x11380] =	vst v63  }
0xe4: {  	_ =	swait.ge [sflag:s18], $0x400  }
0xe5: {  	[sflag:s18] =	ssyncset.done $0x0  }
0xe6: {  	s9 =	simm.s32 $0x680;
	s1 =	simm.s32 $0x1C00;
	[sflag:s18] =	ssyncadd.s32 $0xFFFFFC00  }
0xe7: {  	[spmem:s3] =	stream.indirect.scatter.add.f32 [tilespmem:s1], [sflag:$0x3], $0x8, s9, s20, $0xb8;
	[tilespmem:$0x11380] =	vst v63  }
0xe8: {  	_ =	swait.ge [sflag:s18], $0x400  }
0xe9: {  	[sflag:s18] =	ssyncset.done $0x0  }
0xea: {  	s8 =	simm.s32 $0x2000;
	[sflag:s18] =	ssyncadd.s32 $0xFFFFFC00  }
0xeb: {  	[spmem:s3] =	stream.indirect.scatter.add.f32 [tilespmem:s8], [sflag:$0x3], $0x8, s21, s20, $0xb8;
	[tilespmem:$0x11380] =	vst v63  }
0xec: {  	_ =	swait.ge [sflag:s18], $0x400  }
0xed: {  	[sflag:s18] =	ssyncset.done $0x0  }
0xee: {  	s9 =	simm.s32 $0x2400;
	[sflag:s18] =	ssyncadd.s32 $0xFFFFFC00  }
0xef: {  	[spmem:s3] =	stream.indirect.scatter.add.f32 [tilespmem:s9], [sflag:$0x3], $0x8, s10, s20, $0xb8;
	[tilespmem:$0x11380] =	vst v63  }
0xf0: {  	_ =	swait.ge [sflag:s18], $0x400  }
0xf1: {  	[sflag:s18] =	ssyncset.done $0x0  }
0xf2: {  	s2 =	sadd.s32 $0x100, s0;
	[sflag:s18] =	ssyncadd.s32 $0xFFFFFC00  }
0xf3: {  	[tilespmem:s4], [sflag:$0x3] =	stream.linear.gather [hbm4b:s2+s4], $0x400, $0x38;
	[tilespmem:$0x11380] =	vst v63  }
0xf4: {  	_ =	swait.ge [sflag:s18], $0x400  }
0xf5: {  	[sflag:s18] =	ssyncset.done $0x0  }
0xf6: {  	s0 =	sadd.s32 $0xC3600, s0;
	[sflag:s18] =	ssyncadd.s32 $0xFFFFFC00  }
0xf7: {  	[tilespmem:s23], [sflag:$0x3] =	stream.linear.gather [hbm4b:s0+s4], $0x400, $0x38;
	[tilespmem:$0x11380] =	vst v63  }
0xf8: {  	_ =	swait.ge [sflag:s18], $0x400  }
0xf9: {  	[sflag:s18] =	ssyncset.done $0x0  }
0xfa: {  	[sflag:s18] =	ssyncadd.s32 $0xFFFFFC00  }
0xfb: {  	[tilespmem:s22], [sflag:$0x1] =	stream.indirect.gather [hbm4b:s5+s20], $0x8, s4, s20, $0xb8;
	[tilespmem:$0x11380] =	vst v63  }
0xfc: {  	_ = 	snop  }
0xfd: {  	[tilespmem:s24], [sflag:$0x1] =	stream.indirect.gather [hbm4b:s5+s20], $0x8, s20, s20, $0xb8;
	[tilespmem:$0x11380] =	vst v63  }
0xfe: {  	s24 =	simm.s32 $0x100  }
0xff: {  	[tilespmem:s26], [sflag:$0x1] =	stream.indirect.gather [hbm4b:s5+s20], $0x8, s24, s20, $0xb8;
	[tilespmem:$0x11380] =	vst v63  }
0x100: {  	s26 =	simm.s32 $0x180  }
0x101: {  	[tilespmem:s29], [sflag:$0x1] =	stream.indirect.gather [hbm4b:s5+s20], $0x8, s26, s20, $0xb8;
	[tilespmem:$0x11380] =	vst v63  }
0x102: {  	s29 =	simm.s32 $0x200  }
0x103: {  	[tilespmem:s31], [sflag:$0x1] =	stream.indirect.gather [hbm4b:s5+s20], $0x8, s29, s20, $0xb8;
	[tilespmem:$0x11380] =	vst v63  }
0x104: {  	s31 =	simm.s32 $0x280  }
0x105: {  	[tilespmem:s1], [sflag:$0x1] =	stream.indirect.gather [hbm4b:s5+s20], $0x8, s31, s20, $0xb8;
	[tilespmem:$0x11380] =	vst v63  }
0x106: {  	s2 =	simm.s32 $0x300  }
0x107: {  	[tilespmem:s8], [sflag:$0x1] =	stream.indirect.gather [hbm4b:s5+s20], $0x8, s2, s20, $0xb8;
	[tilespmem:$0x11380] =	vst v63  }
0x108: {  	s8 =	simm.s32 $0x380  }
0x109: {  	[tilespmem:s9], [sflag:$0x1] =	stream.indirect.gather [hbm4b:s5+s20], $0x8, s8, s20, $0xb8;
	[tilespmem:$0x11380] =	vst v63  }
0x10a: {  	_ =	swait.ge [sflag:s25], $0x2000  }
0x10b: {  	[sflag:s25] =	ssyncset.done $0x0  }
0x10c: {  	[sflag:s25] =	ssyncadd.s32 $0xFFFFE000  }
0x10d: {  	[spmem:s3] =	stream.indirect.scatter.add.f32 [tilespmem:s13], [sflag:$0x3], $0x8, s12, s20, $0xb8;
	[tilespmem:$0x11380] =	vst v63  }
0x10e: {  	_ =	swait.ge [sflag:s18], $0x400  }
0x10f: {  	[sflag:s18] =	ssyncset.done $0x0  }
0x110: {  	s13 =	rddreg [dreg:$0xc];
	[sflag:s18] =	ssyncadd.s32 $0xFFFFFC00  }
0x111: {  	[spmem:s3] =	stream.indirect.scatter.add.f32 [tilespmem:s11], [sflag:$0x3], $0x8, s13, s20, $0xb8;
	[tilespmem:$0x11380] =	vst v63  }
0x112: {  	_ =	swait.ge [sflag:s18], $0x400  }
0x113: {  	[sflag:s18] =	ssyncset.done $0x0  }
0x114: {  	s22 =	rddreg [dreg:$0xd];
	[sflag:s18] =	ssyncadd.s32 $0xFFFFFC00  }
0x115: {  	[spmem:s3] =	stream.indirect.scatter.add.f32 [tilespmem:s14], [sflag:$0x3], $0x8, s22, s20, $0xb8;
	[tilespmem:$0x11380] =	vst v63  }
0x116: {  	_ =	swait.ge [sflag:s18], $0x400  }
0x117: {  	[sflag:s18] =	ssyncset.done $0x0  }
0x118: {  	s23 =	rddreg [dreg:$0xe];
	[sflag:s18] =	ssyncadd.s32 $0xFFFFFC00  }
0x119: {  	[spmem:s3] =	stream.indirect.scatter.add.f32 [tilespmem:s15], [sflag:$0x3], $0x8, s23, s20, $0xb8;
	[tilespmem:$0x11380] =	vst v63  }
0x11a: {  	_ =	swait.ge [sflag:s18], $0x400  }
0x11b: {  	[sflag:s18] =	ssyncset.done $0x0  }
0x11c: {  	s24 =	rddreg [dreg:$0xf];
	[sflag:s18] =	ssyncadd.s32 $0xFFFFFC00  }
0x11d: {  	[spmem:s3] =	stream.indirect.scatter.add.f32 [tilespmem:s16], [sflag:$0x3], $0x8, s24, s20, $0xb8;
	[tilespmem:$0x11380] =	vst v63  }
0x11e: {  	_ =	swait.ge [sflag:s18], $0x400  }
0x11f: {  	[sflag:s18] =	ssyncset.done $0x0  }
0x120: {  	s26 =	rddreg [dreg:$0x10];
	[sflag:s18] =	ssyncadd.s32 $0xFFFFFC00  }
0x121: {  	[spmem:s3] =	stream.indirect.scatter.add.f32 [tilespmem:s7], [sflag:$0x3], $0x8, s26, s20, $0xb8;
	[tilespmem:$0x11380] =	vst v63  }
0x122: {  	_ =	swait.ge [sflag:s18], $0x400  }
0x123: {  	[sflag:s18] =	ssyncset.done $0x0  }
0x124: {  	s29 =	rddreg [dreg:$0x11];
	[sflag:s18] =	ssyncadd.s32 $0xFFFFFC00  }
0x125: {  	[spmem:s3] =	stream.indirect.scatter.add.f32 [tilespmem:s6], [sflag:$0x3], $0x8, s29, s20, $0xb8;
	[tilespmem:$0x11380] =	vst v63  }
0x126: {  	p1 =	sne.s32 s30, $0x6000;
	_ =	swait.ge [sflag:s18], $0x400  }
.Ltmp0:
0x127: {  	[sflag:s18] =	ssyncset.done $0x0;
	(pc) =	sbr.rel @p1 .LBB2_2-.Ltmp0, $4  }
0x128: {  	s31 =	rddreg [dreg:$0x12];
	[sflag:s18] =	ssyncadd.s32 $0xFFFFFC00  }
0x129: {  	[spmem:s3] =	stream.indirect.scatter.add.f32 [tilespmem:s19], [sflag:$0x3], $0x8, s31, s20, $0xb8;
	[tilespmem:$0x11380] =	vst v63  }
0x12a: {  	_ =	swait.ge [sflag:s18], $0x400  }
0x12b: {  	s30 =	sadd.s32 $0x100, s30;
	s0 =	rddreg [dreg:$0x4];
	[sflag:s18] =	ssyncset.done $0x0  }
0x12c: {  	s0 =	sadd.s32 s28, s0  }
0x12d: {  	[sflag:s18] =	ssyncadd.s32 $0xFFFFFC00;
	s9 =	simm.s32 $0x2800;
	s2 =	sadd.s32 $0x80, s0  }
0x12e: {  	[tilespmem:s9], [sflag:$0x3] =	stream.linear.gather [hbm4b:s2+s4], $0x400, $0x38;
	[tilespmem:$0x11380] =	vst v63  }
0x12f: {  	_ =	swait.ge [sflag:s18], $0x400  }
0x130: {  	[sflag:s18] =	ssyncset.done $0x0  }
0x131: {  	s28 =	simm.s32 $0x2C00;
	s23 =	sadd.s32 $0xC3580, s0;
	[sflag:s18] =	ssyncadd.s32 $0xFFFFFC00  }
0x132: {  	[tilespmem:s28], [sflag:$0x3] =	stream.linear.gather [hbm4b:s23+s4], $0x400, $0x38;
	[tilespmem:$0x11380] =	vst v63  }
0x133: {  	_ =	swait.ge [sflag:s18], $0x400  }
0x134: {  	[sflag:s18] =	ssyncset.done $0x0  }
0x135: {  	s12 =	simm.s32 $0x3000;
	[sflag:s18] =	ssyncadd.s32 $0xFFFFFC00  }
0x136: {  	[tilespmem:s12], [sflag:$0x2] =	stream.indirect.gather [hbm4b:s5+s20], $0x8, s9, s20, $0xb8;
	[tilespmem:$0x11380] =	vst v63  }
0x137: {  	s11 =	simm.s32 $0x3400;
	s24 =	rddreg [dreg:$0x5]  }
0x138: {  	[tilespmem:s11], [sflag:$0x2] =	stream.indirect.gather [hbm4b:s5+s20], $0x8, s24, s20, $0xb8;
	[tilespmem:$0x11380] =	vst v63  }
0x139: {  	s13 =	simm.s32 $0x3800;
	s23 =	rddreg [dreg:$0x6]  }
0x13a: {  	[tilespmem:s13], [sflag:$0x2] =	stream.indirect.gather [hbm4b:s5+s20], $0x8, s23, s20, $0xb8;
	[tilespmem:$0x11380] =	vst v63  }
0x13b: {  	s14 =	simm.s32 $0x3C00;
	s26 =	rddreg [dreg:$0x7]  }
0x13c: {  	[tilespmem:s14], [sflag:$0x2] =	stream.indirect.gather [hbm4b:s5+s20], $0x8, s26, s20, $0xb8;
	[tilespmem:$0x11380] =	vst v63  }
0x13d: {  	s15 =	simm.s32 $0x4000;
	s29 =	rddreg [dreg:$0x8]  }
0x13e: {  	[tilespmem:s15], [sflag:$0x2] =	stream.indirect.gather [hbm4b:s5+s20], $0x8, s29, s20, $0xb8;
	[tilespmem:$0x11380] =	vst v63  }
0x13f: {  	s7 =	simm.s32 $0x4400;
	s30 =	rddreg [dreg:$0x9]  }
0x140: {  	[tilespmem:s7], [sflag:$0x2] =	stream.indirect.gather [hbm4b:s5+s20], $0x8, s30, s20, $0xb8;
	[tilespmem:$0x11380] =	vst v63  }
0x141: {  	s6 =	simm.s32 $0x4800;
	s31 =	rddreg [dreg:$0xa]  }
0x142: {  	[tilespmem:s6], [sflag:$0x2] =	stream.indirect.gather [hbm4b:s5+s20], $0x8, s31, s20, $0xb8;
	[tilespmem:$0x11380] =	vst v63  }
0x143: {  	s16 =	simm.s32 $0x4C00;
	s1 =	rddreg [dreg:$0xb]  }
0x144: {  	[tilespmem:s16], [sflag:$0x2] =	stream.indirect.gather [hbm4b:s5+s20], $0x8, s1, s20, $0xb8;
	[tilespmem:$0x11380] =	vst v63  }
0x145: {  	_ =	swait.ge [sflag:s17], $0x2000  }
0x146: {  	[sflag:s17] =	ssyncset.done $0x0  }
0x147: {  	s19 =	simm.s32 $0x400;
	s21 =	simm.s32 $0x800;
	[sflag:s17] =	ssyncadd.s32 $0xFFFFE000  }
0x148: {  	[spmem:s3] =	stream.indirect.scatter.add.f32 [tilespmem:s21], [sflag:$0x3], $0x8, s19, s20, $0xb8;
	[tilespmem:$0x11380] =	vst v63  }
0x149: {  	_ =	swait.ge [sflag:s18], $0x400  }
0x14a: {  	[sflag:s18] =	ssyncset.done $0x0  }
0x14b: {  	s22 =	simm.s32 $0xC00;
	s1 =	simm.s32 $0x480;
	[sflag:s18] =	ssyncadd.s32 $0xFFFFFC00  }
0x14c: {  	[spmem:s3] =	stream.indirect.scatter.add.f32 [tilespmem:s22], [sflag:$0x3], $0x8, s1, s20, $0xb8;
	[tilespmem:$0x11380] =	vst v63  }
0x14d: {  	_ =	swait.ge [sflag:s18], $0x400  }
0x14e: {  	[sflag:s18] =	ssyncset.done $0x0  }
0x14f: {  	s10 =	simm.s32 $0x500;
	s24 =	simm.s32 $0x1000;
	[sflag:s18] =	ssyncadd.s32 $0xFFFFFC00  }
0x150: {  	[spmem:s3] =	stream.indirect.scatter.add.f32 [tilespmem:s24], [sflag:$0x3], $0x8, s10, s20, $0xb8;
	[tilespmem:$0x11380] =	vst v63  }
0x151: {  	_ =	swait.ge [sflag:s18], $0x400  }
0x152: {  	[sflag:s18] =	ssyncset.done $0x0  }
0x153: {  	s26 =	simm.s32 $0x1400;
	s31 =	simm.s32 $0x580;
	[sflag:s18] =	ssyncadd.s32 $0xFFFFFC00  }
0x154: {  	[spmem:s3] =	stream.indirect.scatter.add.f32 [tilespmem:s26], [sflag:$0x3], $0x8, s31, s20, $0xb8;
	[tilespmem:$0x11380] =	vst v63  }
0x155: {  	_ =	swait.ge [sflag:s18], $0x400  }
0x156: {  	[sflag:s18] =	ssyncset.done $0x0  }
0x157: {  	s23 =	simm.s32 $0x600;
	s29 =	simm.s32 $0x1800;
	[sflag:s18] =	ssyncadd.s32 $0xFFFFFC00  }
0x158: {  	[spmem:s3] =	stream.indirect.scatter.add.f32 [tilespmem:s29], [sflag:$0x3], $0x8, s23, s20, $0xb8;
	[tilespmem:$0x11380] =	vst v63  }
0x159: {  	_ =	swait.ge [sflag:s18], $0x400  }
0x15a: {  	[sflag:s18] =	ssyncset.done $0x0  }
0x15b: {  	s2 =	simm.s32 $0x680;
	s30 =	simm.s32 $0x1C00;
	[sflag:s18] =	ssyncadd.s32 $0xFFFFFC00  }
0x15c: {  	[spmem:s3] =	stream.indirect.scatter.add.f32 [tilespmem:s30], [sflag:$0x3], $0x8, s2, s20, $0xb8;
	[tilespmem:$0x11380] =	vst v63  }
0x15d: {  	_ =	swait.ge [sflag:s18], $0x400  }
0x15e: {  	[sflag:s18] =	ssyncset.done $0x0  }
0x15f: {  	s8 =	simm.s32 $0x700;
	s1 =	simm.s32 $0x2000;
	[sflag:s18] =	ssyncadd.s32 $0xFFFFFC00  }
0x160: {  	[spmem:s3] =	stream.indirect.scatter.add.f32 [tilespmem:s1], [sflag:$0x3], $0x8, s8, s20, $0xb8;
	[tilespmem:$0x11380] =	vst v63  }
0x161: {  	_ =	swait.ge [sflag:s18], $0x400  }
0x162: {  	[sflag:s18] =	ssyncset.done $0x0  }
0x163: {  	s2 =	simm.s32 $0x780;
	s8 =	simm.s32 $0x2400;
	[sflag:s18] =	ssyncadd.s32 $0xFFFFFC00  }
0x164: {  	[spmem:s3] =	stream.indirect.scatter.add.f32 [tilespmem:s8], [sflag:$0x3], $0x8, s2, s20, $0xb8;
	[tilespmem:$0x11380] =	vst v63  }
0x165: {  	_ =	swait.ge [sflag:s18], $0x400  }
0x166: {  	[sflag:s18] =	ssyncset.done $0x0  }
0x167: {  	s2 =	sadd.s32 $0x100, s0;
	[sflag:s18] =	ssyncadd.s32 $0xFFFFFC00  }
0x168: {  	[tilespmem:s4], [sflag:$0x3] =	stream.linear.gather [hbm4b:s2+s4], $0x400, $0x38;
	[tilespmem:$0x11380] =	vst v63  }
0x169: {  	_ =	swait.ge [sflag:s18], $0x400  }
0x16a: {  	[sflag:s18] =	ssyncset.done $0x0  }
0x16b: {  	s0 =	sadd.s32 $0xC3600, s0;
	[sflag:s18] =	ssyncadd.s32 $0xFFFFFC00  }
0x16c: {  	[tilespmem:s19], [sflag:$0x3] =	stream.linear.gather [hbm4b:s0+s4], $0x400, $0x38;
	[tilespmem:$0x11380] =	vst v63  }
0x16d: {  	_ =	swait.ge [sflag:s18], $0x400  }
0x16e: {  	[sflag:s18] =	ssyncset.done $0x0  }
0x16f: {  	[sflag:s18] =	ssyncadd.s32 $0xFFFFFC00  }
0x170: {  	[tilespmem:s21], [sflag:$0x1] =	stream.indirect.gather [hbm4b:s5+s20], $0x8, s4, s20, $0xb8;
	[tilespmem:$0x11380] =	vst v63  }
0x171: {  	_ = 	snop  }
0x172: {  	[tilespmem:s22], [sflag:$0x1] =	stream.indirect.gather [hbm4b:s5+s20], $0x8, s20, s20, $0xb8;
	[tilespmem:$0x11380] =	vst v63  }
0x173: {  	s2 =	simm.s32 $0x100  }
0x174: {  	[tilespmem:s24], [sflag:$0x1] =	stream.indirect.gather [hbm4b:s5+s20], $0x8, s2, s20, $0xb8;
	[tilespmem:$0x11380] =	vst v63  }
0x175: {  	s2 =	simm.s32 $0x180  }
0x176: {  	[tilespmem:s26], [sflag:$0x1] =	stream.indirect.gather [hbm4b:s5+s20], $0x8, s2, s20, $0xb8;
	[tilespmem:$0x11380] =	vst v63  }
0x177: {  	s2 =	simm.s32 $0x200  }
0x178: {  	[tilespmem:s29], [sflag:$0x1] =	stream.indirect.gather [hbm4b:s5+s20], $0x8, s2, s20, $0xb8;
	[tilespmem:$0x11380] =	vst v63  }
0x179: {  	s2 =	simm.s32 $0x280  }
0x17a: {  	[tilespmem:s30], [sflag:$0x1] =	stream.indirect.gather [hbm4b:s5+s20], $0x8, s2, s20, $0xb8;
	[tilespmem:$0x11380] =	vst v63  }
0x17b: {  	s2 =	simm.s32 $0x300  }
0x17c: {  	[tilespmem:s1], [sflag:$0x1] =	stream.indirect.gather [hbm4b:s5+s20], $0x8, s2, s20, $0xb8;
	[tilespmem:$0x11380] =	vst v63  }
0x17d: {  	s2 =	simm.s32 $0x380  }
0x17e: {  	[tilespmem:s8], [sflag:$0x1] =	stream.indirect.gather [hbm4b:s5+s20], $0x8, s2, s20, $0xb8;
	[tilespmem:$0x11380] =	vst v63  }
0x17f: {  	_ =	swait.ge [sflag:s25], $0x2000  }
0x180: {  	[sflag:s25] =	ssyncset.done $0x0  }
0x181: {  	[sflag:s25] =	ssyncadd.s32 $0xFFFFE000  }
0x182: {  	[spmem:s3] =	stream.indirect.scatter.add.f32 [tilespmem:s12], [sflag:$0x3], $0x8, s28, s20, $0xb8;
	[tilespmem:$0x11380] =	vst v63  }
0x183: {  	_ =	swait.ge [sflag:s18], $0x400  }
0x184: {  	[sflag:s18] =	ssyncset.done $0x0  }
0x185: {  	s2 =	rddreg [dreg:$0xc];
	[sflag:s18] =	ssyncadd.s32 $0xFFFFFC00  }
0x186: {  	[spmem:s3] =	stream.indirect.scatter.add.f32 [tilespmem:s11], [sflag:$0x3], $0x8, s2, s20, $0xb8;
	[tilespmem:$0x11380] =	vst v63  }
0x187: {  	_ =	swait.ge [sflag:s18], $0x400  }
0x188: {  	[sflag:s18] =	ssyncset.done $0x0  }
0x189: {  	s11 =	rddreg [dreg:$0xd];
	[sflag:s18] =	ssyncadd.s32 $0xFFFFFC00  }
0x18a: {  	[spmem:s3] =	stream.indirect.scatter.add.f32 [tilespmem:s13], [sflag:$0x3], $0x8, s11, s20, $0xb8;
	[tilespmem:$0x11380] =	vst v63  }
0x18b: {  	_ =	swait.ge [sflag:s18], $0x400  }
0x18c: {  	[sflag:s18] =	ssyncset.done $0x0  }
0x18d: {  	s13 =	rddreg [dreg:$0xe];
	[sflag:s18] =	ssyncadd.s32 $0xFFFFFC00  }
0x18e: {  	[spmem:s3] =	stream.indirect.scatter.add.f32 [tilespmem:s14], [sflag:$0x3], $0x8, s13, s20, $0xb8;
	[tilespmem:$0x11380] =	vst v63  }
0x18f: {  	_ =	swait.ge [sflag:s18], $0x400  }
0x190: {  	[sflag:s18] =	ssyncset.done $0x0  }
0x191: {  	s14 =	rddreg [dreg:$0xf];
	[sflag:s18] =	ssyncadd.s32 $0xFFFFFC00  }
0x192: {  	[spmem:s3] =	stream.indirect.scatter.add.f32 [tilespmem:s15], [sflag:$0x3], $0x8, s14, s20, $0xb8;
	[tilespmem:$0x11380] =	vst v63  }
0x193: {  	_ =	swait.ge [sflag:s18], $0x400  }
0x194: {  	[sflag:s18] =	ssyncset.done $0x0  }
0x195: {  	s2 =	rddreg [dreg:$0x10];
	[sflag:s18] =	ssyncadd.s32 $0xFFFFFC00  }
0x196: {  	[spmem:s3] =	stream.indirect.scatter.add.f32 [tilespmem:s7], [sflag:$0x3], $0x8, s2, s20, $0xb8;
	[tilespmem:$0x11380] =	vst v63  }
0x197: {  	_ =	swait.ge [sflag:s18], $0x400  }
0x198: {  	[sflag:s18] =	ssyncset.done $0x0  }
0x199: {  	s11 =	rddreg [dreg:$0x11];
	[sflag:s18] =	ssyncadd.s32 $0xFFFFFC00  }
0x19a: {  	[spmem:s3] =	stream.indirect.scatter.add.f32 [tilespmem:s6], [sflag:$0x3], $0x8, s11, s20, $0xb8;
	[tilespmem:$0x11380] =	vst v63  }
0x19b: {  	_ =	swait.ge [sflag:s18], $0x400  }
0x19c: {  	[sflag:s18] =	ssyncset.done $0x0  }
0x19d: {  	s13 =	rddreg [dreg:$0x12];
	[sflag:s18] =	ssyncadd.s32 $0xFFFFFC00  }
0x19e: {  	[spmem:s3] =	stream.indirect.scatter.add.f32 [tilespmem:s16], [sflag:$0x3], $0x8, s13, s20, $0xb8;
	[tilespmem:$0x11380] =	vst v63  }
0x19f: {  	_ =	swait.ge [sflag:s18], $0x400  }
0x1a0: {  	[sflag:s18] =	ssyncset.done $0x0  }
0x1a1: {  	[sflag:s18] =	ssyncadd.s32 $0xFFFFFC00  }
0x1a2: {  	_ =	swait.ge [sflag:s17], $0x2000  }
0x1a3: {  	[sflag:s17] =	ssyncset.done $0x0  }
0x1a4: {  	[sflag:s17] =	ssyncadd.s32 $0xFFFFE000  }
0x1a5: {  	[spmem:s3] =	stream.indirect.scatter.add.f32 [tilespmem:s21], [sflag:$0x3], $0x8, s19, s20, $0xb8;
	[tilespmem:$0x11380] =	vst v63  }
0x1a6: {  	_ =	swait.ge [sflag:s18], $0x400  }
0x1a7: {  	[sflag:s18] =	ssyncset.done $0x0  }
0x1a8: {  	s14 =	simm.s32 $0x480;
	[sflag:s18] =	ssyncadd.s32 $0xFFFFFC00  }
0x1a9: {  	[spmem:s3] =	stream.indirect.scatter.add.f32 [tilespmem:s22], [sflag:$0x3], $0x8, s14, s20, $0xb8;
	[tilespmem:$0x11380] =	vst v63  }
0x1aa: {  	_ =	swait.ge [sflag:s18], $0x400  }
0x1ab: {  	[sflag:s18] =	ssyncset.done $0x0  }
0x1ac: {  	[sflag:s18] =	ssyncadd.s32 $0xFFFFFC00  }
0x1ad: {  	[spmem:s3] =	stream.indirect.scatter.add.f32 [tilespmem:s24], [sflag:$0x3], $0x8, s10, s20, $0xb8;
	[tilespmem:$0x11380] =	vst v63  }
0x1ae: {  	_ =	swait.ge [sflag:s18], $0x400  }
0x1af: {  	[sflag:s18] =	ssyncset.done $0x0  }
0x1b0: {  	[sflag:s18] =	ssyncadd.s32 $0xFFFFFC00  }
0x1b1: {  	[spmem:s3] =	stream.indirect.scatter.add.f32 [tilespmem:s26], [sflag:$0x3], $0x8, s31, s20, $0xb8;
	[tilespmem:$0x11380] =	vst v63  }
0x1b2: {  	_ =	swait.ge [sflag:s18], $0x400  }
0x1b3: {  	[sflag:s18] =	ssyncset.done $0x0  }
0x1b4: {  	[sflag:s18] =	ssyncadd.s32 $0xFFFFFC00  }
0x1b5: {  	[spmem:s3] =	stream.indirect.scatter.add.f32 [tilespmem:s29], [sflag:$0x3], $0x8, s23, s20, $0xb8;
	[tilespmem:$0x11380] =	vst v63  }
0x1b6: {  	_ =	swait.ge [sflag:s18], $0x400  }
0x1b7: {  	[sflag:s18] =	ssyncset.done $0x0  }
0x1b8: {  	s15 =	simm.s32 $0x680;
	[sflag:s18] =	ssyncadd.s32 $0xFFFFFC00  }
0x1b9: {  	[spmem:s3] =	stream.indirect.scatter.add.f32 [tilespmem:s30], [sflag:$0x3], $0x8, s15, s20, $0xb8;
	[tilespmem:$0x11380] =	vst v63  }
0x1ba: {  	_ =	swait.ge [sflag:s18], $0x400  }
0x1bb: {  	[sflag:s18] =	ssyncset.done $0x0  }
0x1bc: {  	s16 =	simm.s32 $0x700;
	[sflag:s18] =	ssyncadd.s32 $0xFFFFFC00  }
0x1bd: {  	[spmem:s3] =	stream.indirect.scatter.add.f32 [tilespmem:s1], [sflag:$0x3], $0x8, s16, s20, $0xb8;
	[tilespmem:$0x11380] =	vst v63  }
0x1be: {  	_ =	swait.ge [sflag:s18], $0x400  }
0x1bf: {  	[sflag:s18] =	ssyncset.done $0x0  }
0x1c0: {  	s19 =	simm.s32 $0x780;
	[sflag:s18] =	ssyncadd.s32 $0xFFFFFC00  }
0x1c1: {  	[spmem:s3] =	stream.indirect.scatter.add.f32 [tilespmem:s8], [sflag:$0x3], $0x8, s19, s20, $0xb8;
	[tilespmem:$0x11380] =	vst v63  }
0x1c2: {  	_ =	swait.ge [sflag:s18], $0x400  }
0x1c3: {  	[sflag:s18] =	ssyncset.done $0x0  }
0x1c4: {  	s22 =	rddreg [dreg:$0x16];
	[sflag:s18] =	ssyncadd.s32 $0xFFFFFC00  }
0x1c5: {  	[tilespmem:s9], [sflag:$0x3] =	stream.linear.gather [hbm4b:s22+s4], $0x80, $0x38;
	[tilespmem:$0x11380] =	vst v63  }
0x1c6: {  	_ =	swait.ge [sflag:s18], $0x80  }
0x1c7: {  	[sflag:s18] =	ssyncset.done $0x0  }
0x1c8: {  	s23 =	rddreg [dreg:$0x17];
	[sflag:s18] =	ssyncadd.s32 $0xFFFFFF80  }
0x1c9: {  	[tilespmem:s28], [sflag:$0x3] =	stream.linear.gather [hbm4b:s23+s4], $0x80, $0x38;
	[tilespmem:$0x11380] =	vst v63  }
0x1ca: {  	_ =	swait.ge [sflag:s18], $0x80  }
0x1cb: {  	[sflag:s18] =	ssyncset.done $0x0  }
0x1cc: {  	[sflag:s18] =	ssyncadd.s32 $0xFFFFFF80  }
0x1cd: {  	[tilespmem:s12], [sflag:$0x2] =	stream.indirect.gather [hbm4b:s5+s20], $0x8, s9, s20, $0xb8;
	[tilespmem:$0x11380] =	vst v63  }
0x1ce: {  	_ =	swait.ge [sflag:s25], $0x400  }
0x1cf: {  	[sflag:s25] =	ssyncset.done $0x0  }
0x1d0: {  	[sflag:s25] =	ssyncadd.s32 $0xFFFFFC00  }
0x1d1: {  	[spmem:s3] =	stream.indirect.scatter.add.f32 [tilespmem:s12], [sflag:$0x3], $0x8, s28, s20, $0xb8;
	[tilespmem:$0x11380] =	vst v63  }
0x1d2: {  	_ =	swait.ge [sflag:s18], $0x400  }
0x1d3: {  	[sflag:s18] =	ssyncset.done $0x0  }
0x1d4: {  	s24 =	rddreg [dreg:$0x18];
	[sflag:s18] =	ssyncadd.s32 $0xFFFFFC00  }
0x1d5: {  	[tilespmem:s9], [sflag:$0x3] =	stream.linear.gather [hbm4b:s24+s4], $0x80, $0x38;
	[tilespmem:$0x11380] =	vst v63  }
0x1d6: {  	_ =	swait.ge [sflag:s18], $0x80  }
0x1d7: {  	[sflag:s18] =	ssyncset.done $0x0  }
0x1d8: {  	s26 =	rddreg [dreg:$0x19];
	[sflag:s18] =	ssyncadd.s32 $0xFFFFFF80  }
0x1d9: {  	[tilespmem:s28], [sflag:$0x3] =	stream.linear.gather [hbm4b:s26+s4], $0x80, $0x38;
	[tilespmem:$0x11380] =	vst v63  }
0x1da: {  	_ =	swait.ge [sflag:s18], $0x80  }
0x1db: {  	[sflag:s18] =	ssyncset.done $0x0  }
0x1dc: {  	[sflag:s18] =	ssyncadd.s32 $0xFFFFFF80  }
0x1dd: {  	[tilespmem:s12], [sflag:$0x2] =	stream.indirect.gather [hbm4b:s5+s20], $0x8, s9, s20, $0xb8;
	[tilespmem:$0x11380] =	vst v63  }
0x1de: {  	_ =	swait.ge [sflag:s25], $0x400  }
0x1df: {  	[sflag:s25] =	ssyncset.done $0x0  }
0x1e0: {  	[sflag:s25] =	ssyncadd.s32 $0xFFFFFC00  }
0x1e1: {  	[spmem:s3] =	stream.indirect.scatter.add.f32 [tilespmem:s12], [sflag:$0x3], $0x8, s28, s20, $0xb8;
	[tilespmem:$0x11380] =	vst v63  }
0x1e2: {  	_ =	swait.ge [sflag:s18], $0x400  }
0x1e3: {  	s0 =	simm.s32 @!p0 $0x0;
	[sflag:s18] =	ssyncset.done $0x0  }
0x1e4: {  	s2 =	simm.s32 @!p0 $0x2800;
	s23 =	rddreg [dreg:$0x1a];
	[sflag:s18] =	ssyncadd.s32 $0xFFFFFC00  }
0x1e5: {  	[tilespmem:s2], [sflag:$0x3] =	stream.linear.gather @!p0 [hbm4b:s23+s0], $0x80, $0x38;
	[tilespmem:$0x11380] =	vst v63  }
0x1e6: {  	s23 =	simm.s32 @!p0 $0x3  }
0x1e7: {  	_ =	swait.ge @!p0 [sflag:s23], $0x80  }
0x1e8: {  	[sflag:s23] =	ssyncset.done @!p0 $0x0  }
0x1e9: {  	s28 =	simm.s32 @!p0 $0x2C00;
	s30 =	rddreg [dreg:$0x1b];
	[sflag:s23] =	ssyncadd.s32 @!p0 $0xFFFFFF80  }
0x1ea: {  	[tilespmem:s28], [sflag:$0x3] =	stream.linear.gather @!p0 [hbm4b:s30+s0], $0x80, $0x38;
	[tilespmem:$0x11380] =	vst v63  }
0x1eb: {  	_ =	swait.ge @!p0 [sflag:s23], $0x80  }
0x1ec: {  	[sflag:s23] =	ssyncset.done @!p0 $0x0  }
0x1ed: {  	s0 =	simm.s32 @!p0 $0x80;
	s30 =	simm.s32 @!p0 $0x3000;
	[sflag:s23] =	ssyncadd.s32 @!p0 $0xFFFFFF80  }
0x1ee: {  	[tilespmem:s30], [sflag:$0x2] =	stream.indirect.gather @!p0 [hbm4b:s5+s0], $0x8, s2, s0, $0xb8;
	[tilespmem:$0x11380] =	vst v63  }
0x1ef: {  	s2 =	simm.s32 @!p0 $0x2  }
0x1f0: {  	_ =	swait.ge @!p0 [sflag:s2], $0x400  }
0x1f1: {  	[sflag:s2] =	ssyncset.done @!p0 $0x0  }
0x1f2: {  	[sflag:s2] =	ssyncadd.s32 @!p0 $0xFFFFFC00  }
0x1f3: {  	[spmem:s3] =	stream.indirect.scatter.add.f32 @!p0 [tilespmem:s30], [sflag:$0x3], $0x8, s28, s0, $0xb8;
	[tilespmem:$0x11380] =	vst v63  }
0x1f4: {  	_ =	swait.ge @!p0 [sflag:s23], $0x400  }
0x1f5: {  	[sflag:s23] =	ssyncset.done @!p0 $0x0  }
0x1f6: {  	[sflag:s23] =	ssyncadd.s32 @!p0 $0xFFFFFC00  }
0x1f7: {  	[bflag:$0x0] =	sbarrier.arrive $0xFFFF  }
0x1f8: {  	s23 =	rddreg [dreg:$0x13]  }
0x1f9: {  	s29 =	rddreg [dreg:$0x1c]  }
0x1fa: {  	s2 =	rddreg [dreg:$0x1e]  }
0x1fb: {  	[hbm:s29], [sflag:s23] =	dma.local [spmem:s2], $0x1870  }
0x1fc: {  	_ =	swait.ge [sflag:s18], $0x1870  }
0x1fd: {  	s30 =	rddreg [dreg:$0x1f]  }
0x1fe: {  	s31 =	rddreg [dreg:$0x1d];
	s1 =	sadd.s32 $0x1, s30  }
0x1ff: {  	p1 =	sne.s32 s1, s31  }
.Ltmp1:
0x200: {  	_ = 	snop;
	(pc) =	sbr.rel @p1 .LBB2_1-.Ltmp1, $3  }
0x201: {  	_ =	sdelay $0x1  }
0x202: {  	[sflag:s18] =	ssyncset.done $0x0  }
0x203: {  	s21 =	simm.s32 $0x700;
	s10 =	simm.s32 $0x780;
	[sflag:s18] =	ssyncadd.s32 $0xFFFFE790  }
0x204: {  	_ =	sfence.sel $0x180000  }
0x205: {  	[bflag:$0x0] =	sbarrier.arrive $0xFFFF  }
0x206: {  	_ =	strace $0x9000004A  }
0x207: {  	s0 =	stileid.u32;
	[bflag:$0x2] =	sbarrier.arrive $0xFFFF  }
0x208: {  	p0 =	sne.s32 s0, $0x0;
	s0 =	rddreg [dreg:$0x3]  }
0x209: {  	s0 =	sadd.s32 @!p0 $0x100000, s0  }
0x20a: {  	[sflag:s0] =	ssyncadd.tile.s32 @!p0 $0x1;
	_ =	shalt  }
.Lfunc_end2:
_tile_overlayer_lowered:
.L_overlay_start_2:
0x20b: {  	(tag) =	ssettag $0x2  }
0x20c: {  	s0 =	rddreg [dreg:$0x0];
	s2 =	stileid.u32  }
0x20d: {  	s1 =	rddreg [dreg:$0x1];
	p0 =	sne.s32 s2, $0x0  }
0x20e: {  	s3 =	rddreg [dreg:$0x2];
	[bflag:$0x3] =	sbarrier.arrive $0xFFFF;
	s2 =	simm.s32 @!p0 $0x1C03  }
0x20f: {  	[timem:s3], [sflag:s2] =	dma.local @!p0 [hbm:s0], s1  }
0x210: {  	s0 =	simm.s32 @!p0 $0x3  }
0x211: {  	_ =	swait.ge @!p0 [sflag:s0], s1  }
0x212: {  	s1 =	ssub.s32 @!p0 $0x0, s1;
	[sflag:s0] =	ssyncset.done @!p0 $0x0  }
0x213: {  	[sflag:s0] =	ssyncadd.s32 @!p0 s1  }
0x214: {  	[bflag:$0x3] =	sbarrier.arrive $0xFFFF  }
0x215: {  	_ =	shalt  }

// kernel: sparse-core-data-format-call.cloned.1.call-start
scs
called_computation_lowered:
.L_overlay_start_0:
0x0: {  	s2 =	sld [smem:$0x3FD9]  }
0x1: {  	s3 =	sld [smem:$0x3FFE];
	_ =	sdelay $0x1  }
0x2: {  	s1 =	srdreg.scid  }
0x3: {  	s0 =	sand.u32 $0x1, s1  }
0x4: {  	s18 =	sshll.u32 s0, $0xA;
	s2 =	sadd.s32 s3, s2  }
0x5: {  	s2 =	sadd.s32 s2, s18  }
0x6: {  	[smem:$0x3FBF] =	sst s2  }
0x7: {  	_ = 	snop  }
0x8: {  	s2 =	sld [smem:$0x3FC8];
	(tm) =	ssettm $0x1  }
0x9: {  	s19 =	sld [smem:$0x3FFB];
	_ =	sdelay $0x3  }
0xa: {  	_ =	strace s19  }
0xb: {  	s3 =	sld [smem:$0x3FFC];
	_ =	sdelay $0x3  }
0xc: {  	_ =	strace s3  }
0xd: {  	s3 =	sld [smem:$0x3FFD];
	_ =	sdelay $0x3  }
0xe: {  	_ =	strace s3  }
0xf: {  	_ =	strace $0x8FFFFFFF  }
0x10: {  	s20 =	sld [smem:$0x3FDB];
	_ =	sdelay $0x1  }
0x11: {  	s4 =	simm.s32 $_scs_section_size  }
0x12: {  	s5 =	simm.s32 $_size__tile_overlayer_lowered;
	s6 =	simm.s32 $_tile_overlayer_lowered  }
0x13: {  	s23 =	simm.s32 $0x1BFF;
	s22 =	sshll.u32 s6, $0x1;
	s3 =	sadd.s32 s4, s20  }
0x14: {  	s7 =	simm.s32 $0x0;
	s21 =	sshll.u32 s5, $0x1;
	s5 =	sadd.s32 s22, s3  }
0x15: {  	[timem:s7], [sflag:s23] =	dma.local [hbm:s5], s21  }
0x16: {  	_ =	swait.ge [sflag:s23], s21  }
0x17: {  	s4 =	ssub.s32 $0x0, s21;
	[sflag:s23] =	ssyncset.done $0x0  }
0x18: {  	[sflag:s23] =	ssyncadd.s32 s4;
	_ =	sdelay $0x1  }
0x19: {  	s24 =	simm.s32 $0x1B8B  }
0x1a: {  	_ =	swait.ge [sflag:s24], $0x1  }
0x1b: {  	[sflag:s24] =	ssyncset.done $0x0  }
0x1c: {  	s26 =	simm.s32 $0x1B8E;
	s25 =	sld [smem:$0x3FFE];
	[sflag:s24] =	ssyncadd.s32 $0xFFFFFFFF  }
0x1d: {  	s27 =	simm.s32 $execute0_lowered;
	[smem:$0x3FD2] =	sst s26  }
0x1e: {  	s5 =	sshll.u32 s27, $0x1;
	_ =	strace $0x80000046;
	[dreg:$0x1] =	wrdreg $0xFFFFFFFF  }
0x1f: {  	s28 =	simm.s32 $_size_execute0_lowered;
	s3 =	sadd.s32 s3, s5;
	[dreg:$0x0] =	wrdreg $0x0  }
0x20: {  	s5 =	sshll.u32 s28, $0x1;
	[dreg:$0x2] =	wrdreg s3  }
0x21: {  	[dreg:$0x3] =	wrdreg s5  }
0x22: {  	[dreg:$0x4] =	wrdreg $0xC0  }
0x23: {  	_ =	task [dreg:s7], $0x5FFFF  }
0x24: {  	[dreg:$0x1] =	wrdreg $0xFFFFFFFF  }
0x25: {  	[dreg:$0x0] =	wrdreg $0x60  }
0x26: {  	[dreg:$0x2] =	wrdreg s2  }
0x27: {  	[dreg:$0x3] =	wrdreg s25  }
0x28: {  	[dreg:$0x4] =	wrdreg $0x9  }
0x29: {  	_ =	task.clear_ibuf [dreg:s7], $0x5FFFF;
	_ =	strace $0x90000046  }
0x2a: {  	s29 =	simm.s32 $0x9;
	_ =	strace $0x80000048  }
0x2b: {  	_ =	swait.ge [sflag:s29], $0x1  }
0x2c: {  	[sflag:s29] =	ssyncadd.s32 $0xFFFFFFFF  }
0x2d: {  	_ =	strace $0x90000048  }
0x2e: {  	_ =	sfence  }
0x2f: {  	s30 =	sld [smem:$0x0];
	_ =	sdelay $0x2  }
0x30: {  	s31 =	sshll.u32 s1, $0xD;
	s1 =	sshrl.u32 s1, $0x2  }
0x31: {  	s3 =	sand.u32 $0x4000, s31;
	s1 =	sadd.s32 s1, s30  }
0x32: {  	s0 =	sor.u32 s3, s0;
	s1 =	sshll.u32 s1, $0x11  }
0x33: {  	s0 =	sor.u32 s1, s0  }
0x34: {  	s0 =	sadd.s32 $0x8F2B, s0  }
0x35: {  	[sflag:s0] =	ssyncadd.remote.s32 $0x1  }
0x36: {  	_ =	sfence.sel $0xFFFF  }
0x37: {  	[dreg:$0x0] =	wrdreg $0xFFFFFFFF;
	(pc) =	sbr.abs _section_cstart, $3  }
0x38: {  	[dreg:$0x1] =	wrdreg $0xFFFFFFFF  }
0x39: {  	_ =	task.clear_ibuf [dreg:s7], $0x2FFFF;
	_ =	strace $0x9FFFFFFF  }
0x3a: {  	(tm) =	ssettm $0x7FFFFFFF  }
0x3b: {  	_ =	shalt  }
tec
execute0_lowered:
.L_overlay_start_1:
0x0: {  	(tag) =	ssettag $0x1  }
0x1: {  	s0 =	stileid.u32;
	s7 =	rddreg [dreg:$0x0]  }
0x2: {  	s1 =	srdreg.scid;
	s4 =	rddreg [dreg:$0x1]  }
0x3: {  	s30 =	simm.s32 $0x2;
	s10 =	simm.s32 $0x0;
	s14 =	simm.s32 $0x0  }
0x4: {  	s15 =	simm.s32 $0x0;
	s11 =	simm.s32 $0x0;
	s13 =	simm.s32 $0x0  }
0x5: {  	s2 =	sand.u32 $0x1, s1;
	s3 =	sshll.u32 s0, $0x7;
	s1 =	rddreg [dreg:$0x2]  }
0x6: {  	_ =	strace $0x80000047;
	s5 =	ssub.s32 $0xC300, s3;
	s6 =	ssub.s32 $0x2, s2  }
.Ltmp0:
0x7: {  	s5 =	sshrl.u32 s5, $0xB;
	s8 =	sshrl.u32 s6, $0x1;
	(pc) =	sbr.rel .LBB1_1-.Ltmp0, $4  }
0x8: {  	s4 =	sadd.s32 $0x1800, s4;
	s9 =	sadd.s32 $0x1, s5;
	s6 =	ssub.s32 s6, s8  }
0x9: {  	s31 =	sshll.u32 s2, $0x4;
	s5 =	simm.s32 $0x1;
	s6 =	smul.u32 s9, s6  }
0xa: {  	s12 =	smov.u32 s3;
	s7 =	sadd.s32 s7, s31;
	[sflag:s5] =	ssyncpa.u1 $0x0  }
0xb: {  	s9 =	simm.s32 $0x0;
	[sflag:s30] =	ssyncpa.u1 $0x0;
	s8 =	sadd.s32 $0x1, s6  }
.LBB1_4:
0xc: {  	s21 =	simm.s32 $0x0  }
.LBB1_8:
0xd: {  	_ =	sdelay $0x3  }
0xe: {  	v6 =	vld [tilespmem:s18+$0xFFFFFFC0];
	[tilespmem:v0+s20+$0x30 ss:$0x1] =	vst.idx.msk @p0 $0xffff, v2  }
0xf: {  	v58 =	vld [tilespmem:s18+$0xFFFFFFD0];
	[tilespmem:v0+s20+$0x40 ss:$0x1] =	vst.idx.msk @p0 $0xffff, v3;
	s21 =	sadd.s32 @p0 $0x80, s21  }
0x10: {  	v59 =	vld [tilespmem:s18+$0xFFFFFFE0];
	[tilespmem:v0+s20+$0x50 ss:$0x1] =	vst.idx.msk @p0 $0xffff, v5;
	s19 =	smov.u32 @p0 s21  }
0x11: {  	v60 =	vld [tilespmem:s18+$0xFFFFFFF0];
	[tilespmem:v0+s20+$0x60 ss:$0x1] =	vst.idx.msk @p0 $0xffff, v4;
	s19 =	sand.u32 $0x3F80, s19  }
0x12: {  	v61 =	vld [tilespmem:s18+$0x0];
	[tilespmem:v0+s19+$0x70 ss:$0x1] =	vst.idx.msk $0xffff, v1  }
0x13: {  	v62 =	vld [tilespmem:s18+$0x10];
	[tilespmem:v0+s19+$0x0 ss:$0x1] =	vst.idx.msk $0xffff, v6  }
0x14: {  	v63 =	vld [tilespmem:s18+$0x20];
	[tilespmem:v0+s19+$0x10 ss:$0x1] =	vst.idx.msk $0xffff, v58  }
0x15: {  	[tilespmem:v0+s19+$0x20 ss:$0x1] =	vst.idx.msk $0xffff, v59  }
0x16: {  	[tilespmem:v0+s19+$0x30 ss:$0x1] =	vst.idx.msk $0xffff, v60  }
0x17: {  	[tilespmem:v0+s19+$0x40 ss:$0x1] =	vst.idx.msk $0xffff, v61  }
0x18: {  	[tilespmem:v0+s19+$0x50 ss:$0x1] =	vst.idx.msk $0xffff, v62  }
0x19: {  	[tilespmem:v0+s19+$0x60 ss:$0x1] =	vst.idx.msk $0xffff, v63  }
.LBB1_9:
0x1a: {  	s18 =	sand.u32 $0x1FFFFFF, s11  }
0x1b: {  	s19 =	smulhi.u32 $0x14F8B59, s18;
	_ =	sdelay $0x1  }
0x1c: {  	s19 =	sshrl.u32 s19, $0x8  }
0x1d: {  	s19 =	smul.u32 $0xC350, s19  }
0x1e: {  	s15 =	smul.u32 $0xC3500, s15  }
0x1f: {  	s18 =	ssub.s32 s18, s19  }
0x20: {  	s15 =	sadd.s32 s4, s15;
	s18 =	sshll.u32 s18, $0x4  }
0x21: {  	s15 =	sadd.s32 s18, s15  }
0x22: {  	[hbm4b:s15+s9] =	stream.linear.scatter [tilespmem:s17], [sflag:$0x2], s16, $0x38;
	[tilespmem:$0x10000] =	vst v63  }
.LBB1_10:
0x23: {  	p0 =	slt.u32 s13, $0x2  }
0x24: {  	p1 =	sgt.s32 @!p0 s14, $0xC2D0  }
0x25: {  	s15 =	smov.u32 s14;
	s16 =	sshra.s32 @!p0 s14, $0x1F;
	p1 =	por !p1, p0  }
0x26: {  	s14 =	sand.u32 @!p0 s16, s14;
	s15 =	simm.s32 @p1 $0xC2D0  }
0x27: {  	s14 =	ssub.s32 @!p0 s15, s14  }
0x28: {  	s14 =	sadd.s32 @!p0 $0xFFFF3D30, s14  }
0x29: {  	s15 =	sshll.u32 @!p0 s14, $0x7  }
0x2a: {  	p1 =	sgt.s32 @!p0 s14, $0x7F;
	s14 =	ssub.s32 @!p0 $0x4000, s15  }
0x2b: {  	s16 =	sadd.s32 $0x800, s12;
	p1 =	por !p1, p0;
	s14 =	sand.u32 @!p0 $0x3FFFFF80, s14  }
0x2c: {  	s14 =	simm.s32 @!p1 $0x0;
	p1 =	sgt.s32 s16, $0xC34F  }
0x2d: {  	s16 =	smov.u32 @p1 s3;
	p1 =	sne.s32 s13, s8  }
.Ltmp1:
0x2e: {  	_ = 	snop;
	(pc) =	sbr.rel @!p1 .LBB1_11-.Ltmp1, $4  }
0x2f: {  	s10 =	sadd.s32 $0x4000, s10;
	s15 =	simm.s32 @!p0 $0x2  }
0x30: {  	_ =	swait.ge @!p0 [sflag:s15], s14;
	s17 =	ssub.s32 @!p0 $0x0, s14;
	s14 =	smov.u32 s11  }
0x31: {  	s13 =	sadd.s32 $0x1, s13;
	s11 =	smov.u32 s12;
	[sflag:s15] =	ssyncset.done @!p0 $0x0  }
0x32: {  	s12 =	smov.u32 s16;
	[sflag:s15] =	ssyncadd.s32 @!p0 s17;
	s15 =	smov.u32 s2  }
.LBB1_1:
0x33: {  	p0 =	sge.u32 s13, s6  }
0x34: {  	p1 =	sgt.s32 @!p0 s12, $0xC2D0  }
0x35: {  	s16 =	smov.u32 s12;
	s17 =	sshra.s32 @!p0 s12, $0x1F;
	p1 =	por !p1, p0  }
0x36: {  	s17 =	sand.u32 @!p0 s17, s12;
	s16 =	simm.s32 @p1 $0xC2D0  }
0x37: {  	s16 =	ssub.s32 @!p0 s16, s17  }
0x38: {  	s31 =	sadd.s32 $0xFFFFFFFF, s13;
	s18 =	sxor.u32 @!p0 $0xFFFFFFFF, s13;
	s16 =	sadd.s32 @!p0 $0xFFFF3D30, s16  }
0x39: {  	s19 =	simm.s32 @!p0 $0x80;
	s20 =	simm.s32 @!p0 $0x100;
	s17 =	sshll.u32 @!p0 s16, $0x7  }
0x3a: {  	p1 =	sgt.s32 @!p0 s16, $0x7F;
	s16 =	ssub.s32 @!p0 $0x4000, s17;
	s17 =	sshll.u32 @!p0 s18, $0xE  }
0x3b: {  	p1 =	por !p1, p0;
	s18 =	sshll.u32 @!p0 s12, $0x5;
	s16 =	sand.u32 @!p0 $0x3FFFFF80, s16  }
0x3c: {  	s17 =	sand.u32 @!p0 $0x4000, s17;
	s18 =	sadd.s32 @!p0 s18, s7;
	s16 =	simm.s32 @!p1 $0x0  }
0x3d: {  	[tilespmem:s17], [sflag:$0x1] =	stream.strided.gather @!p0 [hbm4b:s18+s19], s16, s20, s19, $0x38;
	[tilespmem:$0x10000] =	vst v63  }
0x3e: {  	p0 =	sge.u32 s31, s6  }
.Ltmp2:
0x3f: {  	_ = 	snop;
	(pc) =	sbr.rel @p0 .LBB1_10-.Ltmp2, $1  }
0x40: {  	_ =	sdelay $0x3  }
0x41: {  	p0 =	sgt.s32 s11, $0xC2D0;
	s16 =	smov.u32 s11;
	s17 =	sshra.s32 s11, $0x1F  }
0x42: {  	s16 =	simm.s32 @!p0 $0xC2D0;
	s17 =	sand.u32 s17, s11  }
0x43: {  	s16 =	ssub.s32 s16, s17  }
0x44: {  	s16 =	sadd.s32 $0xFFFF3D30, s16  }
0x45: {  	s30 =	sshll.u32 s16, $0x7  }
0x46: {  	s17 =	ssub.s32 $0x4000, s30  }
0x47: {  	p0 =	sgt.s32 s16, $0x7F;
	s16 =	sand.u32 $0x3FFFFF80, s17;
	s17 =	sadd.s32 $0x80, s11  }
0x48: {  	s16 =	simm.s32 @p0 $0x0;
	p0 =	slt.s32 s17, $0xC350  }
0x49: {  	s17 =	simm.s32 @!p0 $0xC350  }
0x4a: {  	s20 =	ssub.s32 s17, s11  }
0x4b: {  	p0 =	slt.s32 s20, $0x1  }
.Ltmp3:
0x4c: {  	_ = 	snop;
	(pc) =	sbr.rel @p0 .LBB1_9-.Ltmp3, $4  }
0x4d: {  	_ = 	snop  }
0x4e: {  	s19 =	sshll.u32 s13, $0xE;
	_ =	swait.ge [sflag:s5], s16  }
0x4f: {  	s31 =	sand.u32 $0x4000, s19;
	s18 =	ssub.s32 $0x0, s16;
	[sflag:s5] =	ssyncset.done $0x0  }
0x50: {  	s17 =	sor.u32 $0x8000, s31;
	[sflag:s5] =	ssyncadd.s32 s18  }
0x51: {  	p1 =	sne.s32 s20, $0x1  }
.Ltmp4:
0x52: {  	v0 =	vmov s17;
	(pc) =	sbr.rel @!p1 .LBB1_4-.Ltmp4, $4  }
0x53: {  	_ = 	snop  }
0x54: {  	s18 =	sand.u32 $0x4000, s10  }
0x55: {  	s18 =	sor.u32 $0x40, s18  }
0x56: {  	s19 =	simm.s32 $0x0;
	s21 =	sadd.s32 $0xFFFFFFFF, s20;
	p0 =	por $0x0, $0x0;
	v1 =	vld [tilespmem:s18+$0x30]  }
0x57: {  	v4 =	vld [tilespmem:s18+$0xFFFFFFC0]  }
0x58: {  	v6 =	vld [tilespmem:s18+$0xFFFFFFD0]  }
0x59: {  	v7 =	vld [tilespmem:s18+$0xFFFFFFE0];
	p1 =	sne.s32 s21, $0x1  }
.Ltmp5:
0x5a: {  	v2 =	vld [tilespmem:s18+$0xFFFFFFF0];
	s20 =	sand.u32 $0x3F80, s19;
	(pc) =	sbr.rel @!p1 .LBB1_6-.Ltmp5, $4  }
0x5b: {  	v3 =	vld [tilespmem:s18+$0x0];
	[tilespmem:v0+s20+$0x70 ss:$0x1] =	vst.idx.msk $0xffff, v1  }
0x5c: {  	v5 =	vld [tilespmem:s18+$0x10];
	[tilespmem:v0+s20+$0x0 ss:$0x1] =	vst.idx.msk $0xffff, v4  }
0x5d: {  	v4 =	vld [tilespmem:s18+$0x20];
	[tilespmem:v0+s20+$0x10 ss:$0x1] =	vst.idx.msk $0xffff, v6;
	s18 =	sadd.s32 $0x80, s18  }
0x5e: {  	s22 =	sadd.s32 $0xFFFFFFFF, s21;
	p0 =	por $0x1, $0x1;
	s21 =	simm.s32 $0x0;
	[tilespmem:v0+s20+$0x20 ss:$0x1] =	vst.idx.msk $0xffff, v7;
	v1 =	vld [tilespmem:s18+$0x30]  }
.LBB1_7:
0x5f: {  	p1 =	sne.s32 s22, $0x1;
	v6 =	vld [tilespmem:s18+$0xFFFFFFC0];
	[tilespmem:v0+s20+$0x30 ss:$0x1] =	vst.idx.msk $0xffff, v2  }
0x60: {  	v7 =	vld [tilespmem:s18+$0xFFFFFFD0];
	[tilespmem:v0+s20+$0x40 ss:$0x1] =	vst.idx.msk $0xffff, v3  }
0x61: {  	s21 =	sadd.s32 $0x80, s21;
	v8 =	vld [tilespmem:s18+$0xFFFFFFE0];
	[tilespmem:v0+s20+$0x50 ss:$0x1] =	vst.idx.msk $0xffff, v5  }
.Ltmp6:
0x62: {  	v2 =	vld [tilespmem:s18+$0xFFFFFFF0];
	[tilespmem:v0+s20+$0x60 ss:$0x1] =	vst.idx.msk $0xffff, v4;
	s20 =	sand.u32 $0x3F80, s21;
	(pc) =	sbr.rel @p1 .LBB1_7-.Ltmp6, $4  }
0x63: {  	v3 =	vld [tilespmem:s18+$0x0];
	[tilespmem:v0+s20+$0x70 ss:$0x1] =	vst.idx.msk $0xffff, v1  }
0x64: {  	[tilespmem:v0+s20+$0x0 ss:$0x1] =	vst.idx.msk $0xffff, v6;
	v5 =	vld [tilespmem:s18+$0x10]  }
0x65: {  	[tilespmem:v0+s20+$0x10 ss:$0x1] =	vst.idx.msk $0xffff, v7;
	v4 =	vld [tilespmem:s18+$0x20];
	s18 =	sadd.s32 $0x80, s18  }
0x66: {  	s22 =	sadd.s32 $0xFFFFFFFF, s22;
	v1 =	vld [tilespmem:s18+$0x30];
	[tilespmem:v0+s20+$0x20 ss:$0x1] =	vst.idx.msk $0xffff, v8  }
.Ltmp7:
0x67: {  	_ = 	snop;
	(pc) =	sbr.rel .LBB1_8-.Ltmp7, $1  }
0x68: {  	_ =	sdelay $0x3  }
.LBB1_6:
.Ltmp8:
0x69: {  	(pc) =	sbr.rel .LBB1_8-.Ltmp8, $2  }
0x6a: {  	_ =	sdelay $0x2  }
0x6b: {  	s21 =	simm.s32 $0x0  }
.LBB1_11:
0x6c: {  	_ =	sfence.sel $0x180000  }
0x6d: {  	s2 =	simm.s32 $0x1;
	[bflag:$0x0] =	sbarrier.arrive $0xFFFF  }
0x6e: {  	s31 =	simm.s32 $0x2;
	[sflag:s2] =	ssyncpa.u1 $0x1  }
0x6f: {  	[sflag:s31] =	ssyncpa.u1 $0x1  }
0x70: {  	p0 =	sne.s32 s0, $0x0;
	_ =	strace $0x90000047  }
0x71: {  	s0 =	sadd.s32 @!p0 $0x100000, s1;
	[bflag:$0x2] =	sbarrier.arrive $0xFFFF  }
0x72: {  	[sflag:s0] =	ssyncadd.tile.s32 @!p0 $0x1;
	_ =	shalt  }
.Lfunc_end1:
_tile_overlayer_lowered:
.L_overlay_start_2:
0x73: {  	(tag) =	ssettag $0x2  }
0x74: {  	s0 =	rddreg [dreg:$0x0];
	s2 =	stileid.u32  }
0x75: {  	s1 =	rddreg [dreg:$0x1];
	p0 =	sne.s32 s2, $0x0  }
0x76: {  	s3 =	rddreg [dreg:$0x2];
	[bflag:$0x3] =	sbarrier.arrive $0xFFFF;
	s2 =	simm.s32 @!p0 $0x1C01  }
0x77: {  	[timem:s3], [sflag:s2] =	dma.local @!p0 [hbm:s0], s1  }
0x78: {  	s0 =	simm.s32 @!p0 $0x1  }
0x79: {  	_ =	swait.ge @!p0 [sflag:s0], s1  }
0x7a: {  	s1 =	ssub.s32 @!p0 $0x0, s1;
	[sflag:s0] =	ssyncset.done @!p0 $0x0  }
0x7b: {  	[sflag:s0] =	ssyncadd.s32 @!p0 s1  }
0x7c: {  	[bflag:$0x3] =	sbarrier.arrive $0xFFFF  }
0x7d: {  	_ =	shalt  }

</sc_bundles>
